<compile_context>
chip_gen: v7x
topology: tpu7x:2x2x1
jax: 0.10.2.dev20260603
libtpu: 0.0.44.dev20260713+nightly
codegen_flags: <defaults>
</compile_context>

<pallas_src>
import functools

import jax
import jax.numpy as jnp
from jax import lax
from jax.experimental import pallas as pl
from jax.experimental.pallas import tpu as pltpu
from jax.experimental.pallas import tpu_sc as plsc

_NC = 2
_NS = 16
_N_PAD = 10240
_NH = _N_PAD // 2
_BLK = 640
_NBLK = _NH // _BLK
_K = 32
_C = 128
_W2 = _C // 2
_WPT = _W2 // _NS


def _rne_bf16_bits(h):
    u = lax.bitcast_convert_type(h, jnp.int32)
    return (u + 0x7FFF + ((u >> 16) & 1)) >> 16


def _pre_body(x_ref, wp_ref, o_ref):
    x = x_ref[...]
    hl = jnp.maximum(
        lax.dot_general(wp_ref[pl.ds(0, _W2), :], x, (((1,), (0,)), ((), ())),
                        preferred_element_type=jnp.float32), 0.0)
    hh = jnp.maximum(
        lax.dot_general(wp_ref[pl.ds(_W2, _W2), :], x,
                        (((1,), (0,)), ((), ())),
                        preferred_element_type=jnp.float32), 0.0)
    o_ref[...] = (_rne_bf16_bits(hh) << 16) | _rne_bf16_bits(hl)


def _post_body(x_ref, ap_ref, wn_ref, b_ref, o_ref):
    wx = wn_ref[:, pl.ds(0, _C)]
    wal = wn_ref[:, pl.ds(_C, _W2)]
    wah = wn_ref[:, pl.ds(_C + _W2, _W2)]
    for h in range(2):
        a = ap_ref[h]
        lof = lax.bitcast_convert_type(a << 16, jnp.float32)
        hif = lax.bitcast_convert_type(a & jnp.int32(-65536), jnp.float32)
        t = lax.dot_general(wx, x_ref[:, pl.ds(h * _NH, _NH)],
                            (((1,), (0,)), ((), ())),
                            preferred_element_type=jnp.float32)
        t = t + lax.dot_general(wal, lof, (((1,), (0,)), ((), ())),
                                preferred_element_type=jnp.float32)
        t = t + lax.dot_general(wah, hif, (((1,), (0,)), ((), ())),
                                preferred_element_type=jnp.float32)
        t = jnp.maximum(t, 0.0) + b_ref[...]
        nrm = jnp.sqrt(jnp.sum(t * t, axis=0, keepdims=True))
        o_ref[:, pl.ds(h * _NH, _NH)] = t / jnp.maximum(nrm, 1e-12)


def _sc_gather_max(tbl, idx4):
    mesh = plsc.VectorSubcoreMesh(core_axis_name="c", subcore_axis_name="s")

    @functools.partial(
        pl.kernel, mesh=mesh,
        compiler_params=pltpu.CompilerParams(needs_layout_passes=False),
        out_type=jax.ShapeDtypeStruct((2, _W2, _NH), jnp.int32),
        scratch_types=[
            pltpu.VMEM((_WPT, _N_PAD), jnp.int32),
            pltpu.VMEM((2, _K, _BLK), jnp.int32),
            pltpu.VMEM((_WPT, _NH), jnp.int32),
            pltpu.SemaphoreType.DMA,
            pltpu.SemaphoreType.DMA,
        ],
    )
    def k(tbl_hbm, idx_hbm, out_hbm, tbl_v, idx_v, out_v, s0, s1):
        nh = lax.axis_index("c")
        wq = lax.axis_index("s")
        pltpu.sync_copy(tbl_hbm.at[pl.ds(wq * _WPT, _WPT)], tbl_v)
        sems = (s0, s1)
        for b in range(2):
            pltpu.async_copy(idx_hbm.at[nh, b], idx_v.at[b], sems[b])

        def blk_body(b2, carry):
            for b in range(2):
                blk = b2 * 2 + b
                pltpu.make_async_copy(
                    idx_hbm.at[nh, blk], idx_v.at[b], sems[b]).wait()

                def grp_body(g, carry2, b=b, blk=blk):
                    accs = [None] * _WPT
                    for kk in range(_K):
                        vidx = idx_v[b, kk, pl.ds(g * 16, 16)]
                        for w in range(_WPT):
                            wvec = jnp.full((16,), w, jnp.int32)
                            v = plsc.bitcast(
                                plsc.load_gather(tbl_v, [wvec, vidx]),
                                jnp.bfloat16)
                            accs[w] = v if kk == 0 else jnp.maximum(accs[w], v)
                    for w in range(_WPT):
                        out_v[w, pl.ds(blk * _BLK + g * 16, 16)] = (
                            plsc.bitcast(accs[w], jnp.int32))
                    return carry2

                lax.fori_loop(0, _BLK // 16, grp_body, 0)

                @pl.when(blk + 2 < _NBLK)
                def _(b=b, blk=blk):
                    pltpu.async_copy(
                        idx_hbm.at[nh, blk + 2], idx_v.at[b], sems[b])
            return carry

        lax.fori_loop(0, _NBLK // 2, blk_body, 0)
        pltpu.sync_copy(out_v, out_hbm.at[nh, pl.ds(wq * _WPT, _WPT)])

    return k(tbl, idx4)


def kernel(x, edge_index, W_pre, W_nn, bias):
    B, C_in, N, _ = x.shape
    C_out = W_pre.shape[0]
    assert (B, C_in, C_out, edge_index.shape[-1]) == (1, _C, _C, _K)

    X = x[0, :, :, 0]
    idx = edge_index[0, 0]
    pad = _N_PAD - N
    Xp = jnp.pad(X, ((0, 0), (0, pad)))
    idxp = jnp.pad(idx, ((0, pad), (0, 0)))
    idx4 = idxp.reshape(2, _NBLK, _BLK, _K).transpose(0, 1, 3, 2)

    tbl = pl.pallas_call(
        _pre_body,
        out_shape=jax.ShapeDtypeStruct((_W2, _N_PAD), jnp.int32),
    )(Xp, W_pre)

    aggr_p = _sc_gather_max(tbl, idx4)

    o = pl.pallas_call(
        _post_body,
        out_shape=jax.ShapeDtypeStruct((C_out, _N_PAD), jnp.float32),
    )(Xp, aggr_p, W_nn, bias.reshape(C_out, 1))

    return o[:, :N].reshape(1, C_out, N, 1)

# --- scband reference (transcript-rebuilt; emitter-appended) ---
"""Pipeline reference for scband-rsageconv2d-21328807592401 (READ-ONLY COPY).

The authoritative reference and input builder live on the scoring server;
editing this copy changes nothing except your own understanding.
"""

import jax, jax.numpy as jnp
import numpy as np

B, C_IN, C_OUT, N, K = 1, 128, 128, 10000, 32


def setup_inputs(seed: int = 0) -> dict:
    key = jax.random.key(seed)
    k1, k2, k3, k4, k5 = jax.random.split(key, 5)
    x = jax.random.normal(k1, (B, C_IN, N, 1), dtype=jnp.float32)
    edge_index = jax.random.randint(k2, (2, B, N, K), 0, N, dtype=jnp.int32)
    # pre_nn: Conv2d(1x1) in_channels -> out_channels, bias=False (kaiming-ish init)
    W_pre = jax.random.normal(k3, (C_OUT, C_IN), dtype=jnp.float32) * (1.0 / np.sqrt(C_IN))
    # nn: Conv2d(1x1) (out_channels + in_channels) -> out_channels, bias=False
    W_nn = jax.random.normal(k4, (C_OUT, C_IN + C_OUT), dtype=jnp.float32) * (1.0 / np.sqrt(C_IN + C_OUT))
    # learnable bias parameter of shape [1, out_channels, 1, 1]
    bias = jax.random.normal(k5, (1, C_OUT, 1, 1), dtype=jnp.float32) * 0.01
    return {"x": x, "edge_index": edge_index, "W_pre": W_pre, "W_nn": W_nn, "bias": bias}


def batched_index_select(x, idx):
    # x: [B, C, N, 1], idx: [B, N, K] -> [B, C, N, K]
    x_sq = x[..., 0]  # [B, C, N]
    return jax.vmap(lambda xb, ib: xb[:, ib])(x_sq, idx)


def reference(x, edge_index, W_pre, W_nn, bias):
    # gather neighbor features (relative=False path)
    x_j = batched_index_select(x, edge_index[0])  # [B, C_in, N, K]
    # pre_nn: 1x1 conv + ReLU
    h = jnp.einsum('oc,bcnk->bonk', W_pre, x_j)
    h = jax.nn.relu(h)
    # max aggregation over neighbors
    aggr_out = jnp.max(h, axis=-1, keepdims=True)  # [B, C_out, N, 1]
    # concat (x first, then aggr) along channel dim, then nn: 1x1 conv + ReLU
    cat = jnp.concatenate([x, aggr_out], axis=1)  # [B, C_in + C_out, N, 1]
    out = jnp.einsum('oc,bcnk->bonk', W_nn, cat)
    out = jax.nn.relu(out)
    # add bias
    out = out + bias
    # F.normalize(out, dim=1): l2-normalize over channel dim with eps=1e-12
    norm = jnp.sqrt(jnp.sum(out * out, axis=1, keepdims=True))
    out = out / jnp.maximum(norm, 1e-12)
    return out

if __name__ == "__main__":
    import jax
    _d = setup_inputs()
    print(jax.jit(kernel)(*tuple(_d.values())))

</pallas_src>

<mosaic_0001>
#map = affine_map<(d0, d1) -> (0, 0)>
#map1 = affine_map<(d0, d1) -> (0, 0, 0, 0)>
#map2 = affine_map<(d0, d1) -> (0, 0, 0)>
module attributes {stable_mosaic.version = 14 : i64} {
  func.func @k(%arg0: i32, %arg1: i32, %arg2: memref<64x10240xi32, #tpu.memory_space<hbm>>, %arg3: memref<2x8x32x640xi32, #tpu.memory_space<hbm>>, %arg4: memref<2x64x5120xi32, #tpu.memory_space<hbm>>, %arg5: memref<4x10240xi32, #tpu.memory_space<vmem>>, %arg6: memref<2x32x640xi32, #tpu.memory_space<vmem>>, %arg7: memref<4x5120xi32, #tpu.memory_space<vmem>>, %arg8: memref<!tpu.dma_semaphore, #tpu.memory_space<semaphore_mem>>, %arg9: memref<!tpu.dma_semaphore, #tpu.memory_space<semaphore_mem>>) attributes {dimension_semantics = [#tpu.dimension_semantics<core_parallel>, #tpu.dimension_semantics<subcore_parallel>], iteration_bounds = array<i64: 2, 16>, scalar_prefetch = 0 : i64, scratch_operands = 5 : i64, tpu.core_type = #tpu.core_type<sc_vector_subcore>, window_params = [{transform_indices = #map}, {transform_indices = #map1}, {transform_indices = #map2}]} {
    %mul3A = arith.constant 4 : i32
    %mul3A_0 = arith.muli %arg1, %mul3A : i32
    "tpu.region"() ({
      %run_scoped3A = tpu.sem_alloc : memref<!tpu.dma_semaphore, #tpu.memory_space<semaphore_mem>>
      %dma_start3A_43 = arith.constant 0 : i32
      %dma_start3A_44 = tpu.memref_slice %arg2[%mul3A_0, %dma_start3A_43] : memref<64x10240xi32, #tpu.memory_space<hbm>> -> memref<4x10240xi32, #tpu.memory_space<hbm>>
      %dma_start3A_45 = arith.constant 0 : i32
      %dma_start3A_46 = tpu.memref_slice %arg2[%mul3A_0, %dma_start3A_45] : memref<64x10240xi32, #tpu.memory_space<hbm>> -> memref<4x10240xi32, #tpu.memory_space<hbm>>
      tpu.enqueue_dma source(%dma_start3A_46 : memref<4x10240xi32, #tpu.memory_space<hbm>>) target(%arg5 : memref<4x10240xi32, #tpu.memory_space<vmem>>) target_semaphore(%run_scoped3A : memref<!tpu.dma_semaphore, #tpu.memory_space<semaphore_mem>>)
      %dma_wait3A = arith.constant 0 : i32
      %dma_wait3A_47 = tpu.memref_slice %arg2[%mul3A_0, %dma_wait3A] : memref<64x10240xi32, #tpu.memory_space<hbm>> -> memref<4x10240xi32, #tpu.memory_space<hbm>>
      %dma_wait3A_48 = arith.constant 0 : i32
      %dma_wait3A_49 = tpu.memref_slice %arg2[%mul3A_0, %dma_wait3A_48] : memref<64x10240xi32, #tpu.memory_space<hbm>> -> memref<4x10240xi32, #tpu.memory_space<hbm>>
      tpu.wait_dma2 semaphore(%run_scoped3A : memref<!tpu.dma_semaphore, #tpu.memory_space<semaphore_mem>>) src(%dma_wait3A_49 : memref<4x10240xi32, #tpu.memory_space<hbm>>) dst(%arg5 : memref<4x10240xi32, #tpu.memory_space<vmem>>)
      tpu.yield
    }) : () -> ()
    %dma_start3A = arith.constant 0 : i32
    %dma_start3A_1 = arith.constant 0 : i32
    %dma_start3A_2 = arith.constant 0 : i32
    %dma_start3A_3 = arith.constant 0 : i32
    %dma_start3A_4 = tpu.memref_slice %arg6[%dma_start3A_1, %dma_start3A_2, %dma_start3A_3] : memref<2x32x640xi32, #tpu.memory_space<vmem>> -> memref<1x32x640xi32, #tpu.memory_space<vmem>>
    %dma_start3A_5 = tpu.memref_squeeze %dma_start3A_4 : memref<1x32x640xi32, #tpu.memory_space<vmem>> -> memref<32x640xi32, #tpu.memory_space<vmem>>
    %dma_start3A_6 = arith.constant 0 : i32
    %dma_start3A_7 = arith.constant 0 : i32
    %dma_start3A_8 = tpu.memref_slice %arg3[%arg0, %dma_start3A, %dma_start3A_6, %dma_start3A_7] : memref<2x8x32x640xi32, #tpu.memory_space<hbm>> -> memref<1x1x32x640xi32, #tpu.memory_space<hbm>>
    %dma_start3A_9 = tpu.memref_squeeze %dma_start3A_8 : memref<1x1x32x640xi32, #tpu.memory_space<hbm>> -> memref<32x640xi32, #tpu.memory_space<hbm>>
    %dma_start3A_10 = arith.constant 0 : i32
    %dma_start3A_11 = arith.constant 0 : i32
    %dma_start3A_12 = tpu.memref_slice %arg6[%dma_start3A_1, %dma_start3A_10, %dma_start3A_11] : memref<2x32x640xi32, #tpu.memory_space<vmem>> -> memref<1x32x640xi32, #tpu.memory_space<vmem>>
    %dma_start3A_13 = tpu.memref_squeeze %dma_start3A_12 : memref<1x32x640xi32, #tpu.memory_space<vmem>> -> memref<32x640xi32, #tpu.memory_space<vmem>>
    %dma_start3A_14 = arith.constant 0 : i32
    %dma_start3A_15 = arith.constant 0 : i32
    %dma_start3A_16 = tpu.memref_slice %arg3[%arg0, %dma_start3A, %dma_start3A_14, %dma_start3A_15] : memref<2x8x32x640xi32, #tpu.memory_space<hbm>> -> memref<1x1x32x640xi32, #tpu.memory_space<hbm>>
    %dma_start3A_17 = tpu.memref_squeeze %dma_start3A_16 : memref<1x1x32x640xi32, #tpu.memory_space<hbm>> -> memref<32x640xi32, #tpu.memory_space<hbm>>
    tpu.enqueue_dma source(%dma_start3A_17 : memref<32x640xi32, #tpu.memory_space<hbm>>) target(%dma_start3A_13 : memref<32x640xi32, #tpu.memory_space<vmem>>) target_semaphore(%arg8 : memref<!tpu.dma_semaphore, #tpu.memory_space<semaphore_mem>>)
    %dma_start3A_18 = arith.constant 1 : i32
    %dma_start3A_19 = arith.constant 1 : i32
    %dma_start3A_20 = arith.constant 0 : i32
    %dma_start3A_21 = arith.constant 0 : i32
    %dma_start3A_22 = tpu.memref_slice %arg6[%dma_start3A_19, %dma_start3A_20, %dma_start3A_21] : memref<2x32x640xi32, #tpu.memory_space<vmem>> -> memref<1x32x640xi32, #tpu.memory_space<vmem>>
    %dma_start3A_23 = tpu.memref_squeeze %dma_start3A_22 : memref<1x32x640xi32, #tpu.memory_space<vmem>> -> memref<32x640xi32, #tpu.memory_space<vmem>>
    %dma_start3A_24 = arith.constant 0 : i32
    %dma_start3A_25 = arith.constant 0 : i32
    %dma_start3A_26 = tpu.memref_slice %arg3[%arg0, %dma_start3A_18, %dma_start3A_24, %dma_start3A_25] : memref<2x8x32x640xi32, #tpu.memory_space<hbm>> -> memref<1x1x32x640xi32, #tpu.memory_space<hbm>>
    %dma_start3A_27 = tpu.memref_squeeze %dma_start3A_26 : memref<1x1x32x640xi32, #tpu.memory_space<hbm>> -> memref<32x640xi32, #tpu.memory_space<hbm>>
    %dma_start3A_28 = arith.constant 0 : i32
    %dma_start3A_29 = arith.constant 0 : i32
    %dma_start3A_30 = tpu.memref_slice %arg6[%dma_start3A_19, %dma_start3A_28, %dma_start3A_29] : memref<2x32x640xi32, #tpu.memory_space<vmem>> -> memref<1x32x640xi32, #tpu.memory_space<vmem>>
    %dma_start3A_31 = tpu.memref_squeeze %dma_start3A_30 : memref<1x32x640xi32, #tpu.memory_space<vmem>> -> memref<32x640xi32, #tpu.memory_space<vmem>>
    %dma_start3A_32 = arith.constant 0 : i32
    %dma_start3A_33 = arith.constant 0 : i32
    %dma_start3A_34 = tpu.memref_slice %arg3[%arg0, %dma_start3A_18, %dma_start3A_32, %dma_start3A_33] : memref<2x8x32x640xi32, #tpu.memory_space<hbm>> -> memref<1x1x32x640xi32, #tpu.memory_space<hbm>>
    %dma_start3A_35 = tpu.memref_squeeze %dma_start3A_34 : memref<1x1x32x640xi32, #tpu.memory_space<hbm>> -> memref<32x640xi32, #tpu.memory_space<hbm>>
    tpu.enqueue_dma source(%dma_start3A_35 : memref<32x640xi32, #tpu.memory_space<hbm>>) target(%dma_start3A_31 : memref<32x640xi32, #tpu.memory_space<vmem>>) target_semaphore(%arg9 : memref<!tpu.dma_semaphore, #tpu.memory_space<semaphore_mem>>)
    %scan3A = arith.constant 0 : i32
    %scan3A_36 = arith.constant 0 : i32
    %scan3A_37 = arith.constant 4 : i32
    %scan3A_38 = arith.addi %scan3A_36, %scan3A_37 : i32
    %scan3A_39 = arith.constant 1 : i32
    scf.for %scan3A_43 = %scan3A_36 to %scan3A_38 step %scan3A_39  : i32 {
      %mul3A_44 = arith.constant 2 : i32
      %mul3A_45 = arith.muli %scan3A_43, %mul3A_44 : i32
      %add3A = arith.constant 0 : i32
      %add3A_46 = arith.addi %mul3A_45, %add3A : i32
      %dma_wait3A = arith.constant 0 : i32
      %dma_wait3A_47 = arith.constant 0 : i32
      %dma_wait3A_48 = arith.constant 0 : i32
      %dma_wait3A_49 = tpu.memref_slice %arg6[%dma_wait3A, %dma_wait3A_47, %dma_wait3A_48] : memref<2x32x640xi32, #tpu.memory_space<vmem>> -> memref<1x32x640xi32, #tpu.memory_space<vmem>>
      %dma_wait3A_50 = tpu.memref_squeeze %dma_wait3A_49 : memref<1x32x640xi32, #tpu.memory_space<vmem>> -> memref<32x640xi32, #tpu.memory_space<vmem>>
      %dma_wait3A_51 = arith.constant 0 : i32
      %dma_wait3A_52 = arith.constant 0 : i32
      %dma_wait3A_53 = tpu.memref_slice %arg3[%arg0, %add3A_46, %dma_wait3A_51, %dma_wait3A_52] : memref<2x8x32x640xi32, #tpu.memory_space<hbm>> -> memref<1x1x32x640xi32, #tpu.memory_space<hbm>>
      %dma_wait3A_54 = tpu.memref_squeeze %dma_wait3A_53 : memref<1x1x32x640xi32, #tpu.memory_space<hbm>> -> memref<32x640xi32, #tpu.memory_space<hbm>>
      %dma_wait3A_55 = arith.constant 0 : i32
      %dma_wait3A_56 = arith.constant 0 : i32
      %dma_wait3A_57 = tpu.memref_slice %arg6[%dma_wait3A, %dma_wait3A_55, %dma_wait3A_56] : memref<2x32x640xi32, #tpu.memory_space<vmem>> -> memref<1x32x640xi32, #tpu.memory_space<vmem>>
      %dma_wait3A_58 = tpu.memref_squeeze %dma_wait3A_57 : memref<1x32x640xi32, #tpu.memory_space<vmem>> -> memref<32x640xi32, #tpu.memory_space<vmem>>
      %dma_wait3A_59 = arith.constant 0 : i32
      %dma_wait3A_60 = arith.constant 0 : i32
      %dma_wait3A_61 = tpu.memref_slice %arg3[%arg0, %add3A_46, %dma_wait3A_59, %dma_wait3A_60] : memref<2x8x32x640xi32, #tpu.memory_space<hbm>> -> memref<1x1x32x640xi32, #tpu.memory_space<hbm>>
      %dma_wait3A_62 = tpu.memref_squeeze %dma_wait3A_61 : memref<1x1x32x640xi32, #tpu.memory_space<hbm>> -> memref<32x640xi32, #tpu.memory_space<hbm>>
      tpu.wait_dma2 semaphore(%arg8 : memref<!tpu.dma_semaphore, #tpu.memory_space<semaphore_mem>>) src(%dma_wait3A_62 : memref<32x640xi32, #tpu.memory_space<hbm>>) dst(%dma_wait3A_58 : memref<32x640xi32, #tpu.memory_space<vmem>>)
      %scan3A_63 = arith.constant 0 : i32
      %scan3A_64 = arith.constant 0 : i32
      %scan3A_65 = arith.constant 40 : i32
      %scan3A_66 = arith.addi %scan3A_64, %scan3A_65 : i32
      %scan3A_67 = arith.constant 1 : i32
      scf.for %scan3A_107 = %scan3A_64 to %scan3A_66 step %scan3A_67  : i32 {
        %mul3A_108 = arith.constant 16 : i32
        %mul3A_109 = arith.muli %scan3A_107, %mul3A_108 : i32
        %get3A = arith.constant 0 : i32
        %get3A_110 = arith.constant 0 : i32
        %get3A_111 = arith.index_cast %get3A : i32 to index
        %get3A_112 = arith.index_cast %get3A_110 : i32 to index
        %get3A_113 = arith.index_cast %mul3A_109 : i32 to index
        %get3A_114 = tpu.vector_load %arg6[%get3A_111, %get3A_112, %get3A_113] {strides = array<i32>} : memref<2x32x640xi32, #tpu.memory_space<vmem>>, vector<16xi32>,
        %broadcast_in_dim3A = arith.constant 0 : i32
        %broadcast_in_dim3A_115 = vector.broadcast %broadcast_in_dim3A : i32 to vector<16xi32>
        %gather3A = tpu.vector_load_idx %arg5[%broadcast_in_dim3A_115, %get3A_114] : memref<4x10240xi32, #tpu.memory_space<vmem>>[vector<16xi32>, vector<16xi32>], vector<16xi32>,
        %bitcast3A = vector.bitcast %gather3A : vector<16xi32> to vector<32xbf16>
        %broadcast_in_dim3A_116 = arith.constant 1 : i32
        %broadcast_in_dim3A_117 = vector.broadcast %broadcast_in_dim3A_116 : i32 to vector<16xi32>
        %gather3A_118 = tpu.vector_load_idx %arg5[%broadcast_in_dim3A_117, %get3A_114] : memref<4x10240xi32, #tpu.memory_space<vmem>>[vector<16xi32>, vector<16xi32>], vector<16xi32>,
        %bitcast3A_119 = vector.bitcast %gather3A_118 : vector<16xi32> to vector<32xbf16>
        %broadcast_in_dim3A_120 = arith.constant 2 : i32
        %broadcast_in_dim3A_121 = vector.broadcast %broadcast_in_dim3A_120 : i32 to vector<16xi32>
        %gather3A_122 = tpu.vector_load_idx %arg5[%broadcast_in_dim3A_121, %get3A_114] : memref<4x10240xi32, #tpu.memory_space<vmem>>[vector<16xi32>, vector<16xi32>], vector<16xi32>,
        %bitcast3A_123 = vector.bitcast %gather3A_122 : vector<16xi32> to vector<32xbf16>
        %broadcast_in_dim3A_124 = arith.constant 3 : i32
        %broadcast_in_dim3A_125 = vector.broadcast %broadcast_in_dim3A_124 : i32 to vector<16xi32>
        %gather3A_126 = tpu.vector_load_idx %arg5[%broadcast_in_dim3A_125, %get3A_114] : memref<4x10240xi32, #tpu.memory_space<vmem>>[vector<16xi32>, vector<16xi32>], vector<16xi32>,
        %bitcast3A_127 = vector.bitcast %gather3A_126 : vector<16xi32> to vector<32xbf16>
        %mul3A_128 = arith.constant 16 : i32
        %mul3A_129 = arith.muli %scan3A_107, %mul3A_128 : i32
        %get3A_130 = arith.constant 0 : i32
        %get3A_131 = arith.constant 1 : i32
        %get3A_132 = arith.index_cast %get3A_130 : i32 to index
        %get3A_133 = arith.index_cast %get3A_131 : i32 to index
        %get3A_134 = arith.index_cast %mul3A_129 : i32 to index
        %get3A_135 = tpu.vector_load %arg6[%get3A_132, %get3A_133, %get3A_134] {strides = array<i32>} : memref<2x32x640xi32, #tpu.memory_space<vmem>>, vector<16xi32>,
        %broadcast_in_dim3A_136 = arith.constant 0 : i32
        %broadcast_in_dim3A_137 = vector.broadcast %broadcast_in_dim3A_136 : i32 to vector<16xi32>
        %gather3A_138 = tpu.vector_load_idx %arg5[%broadcast_in_dim3A_137, %get3A_135] : memref<4x10240xi32, #tpu.memory_space<vmem>>[vector<16xi32>, vector<16xi32>], vector<16xi32>,
        %bitcast3A_139 = vector.bitcast %gather3A_138 : vector<16xi32> to vector<32xbf16>
        %max3A = arith.maximumf %bitcast3A, %bitcast3A_139 : vector<32xbf16>
        %broadcast_in_dim3A_140 = arith.constant 1 : i32
        %broadcast_in_dim3A_141 = vector.broadcast %broadcast_in_dim3A_140 : i32 to vector<16xi32>
        %gather3A_142 = tpu.vector_load_idx %arg5[%broadcast_in_dim3A_141, %get3A_135] : memref<4x10240xi32, #tpu.memory_space<vmem>>[vector<16xi32>, vector<16xi32>], vector<16xi32>,
        %bitcast3A_143 = vector.bitcast %gather3A_142 : vector<16xi32> to vector<32xbf16>
        %max3A_144 = arith.maximumf %bitcast3A_119, %bitcast3A_143 : vector<32xbf16>
        %broadcast_in_dim3A_145 = arith.constant 2 : i32
        %broadcast_in_dim3A_146 = vector.broadcast %broadcast_in_dim3A_145 : i32 to vector<16xi32>
        %gather3A_147 = tpu.vector_load_idx %arg5[%broadcast_in_dim3A_146, %get3A_135] : memref<4x10240xi32, #tpu.memory_space<vmem>>[vector<16xi32>, vector<16xi32>], vector<16xi32>,
        %bitcast3A_148 = vector.bitcast %gather3A_147 : vector<16xi32> to vector<32xbf16>
        %max3A_149 = arith.maximumf %bitcast3A_123, %bitcast3A_148 : vector<32xbf16>
        %broadcast_in_dim3A_150 = arith.constant 3 : i32
        %broadcast_in_dim3A_151 = vector.broadcast %broadcast_in_dim3A_150 : i32 to vector<16xi32>
        %gather3A_152 = tpu.vector_load_idx %arg5[%broadcast_in_dim3A_151, %get3A_135] : memref<4x10240xi32, #tpu.memory_space<vmem>>[vector<16xi32>, vector<16xi32>], vector<16xi32>,
        %bitcast3A_153 = vector.bitcast %gather3A_152 : vector<16xi32> to vector<32xbf16>
        %max3A_154 = arith.maximumf %bitcast3A_127, %bitcast3A_153 : vector<32xbf16>
        %mul3A_155 = arith.constant 16 : i32
        %mul3A_156 = arith.muli %scan3A_107, %mul3A_155 : i32
        %get3A_157 = arith.constant 0 : i32
        %get3A_158 = arith.constant 2 : i32
        %get3A_159 = arith.index_cast %get3A_157 : i32 to index
        %get3A_160 = arith.index_cast %get3A_158 : i32 to index
        %get3A_161 = arith.index_cast %mul3A_156 : i32 to index
        %get3A_162 = tpu.vector_load %arg6[%get3A_159, %get3A_160, %get3A_161] {strides = array<i32>} : memref<2x32x640xi32, #tpu.memory_space<vmem>>, vector<16xi32>,
        %broadcast_in_dim3A_163 = arith.constant 0 : i32
        %broadcast_in_dim3A_164 = vector.broadcast %broadcast_in_dim3A_163 : i32 to vector<16xi32>
        %gather3A_165 = tpu.vector_load_idx %arg5[%broadcast_in_dim3A_164, %get3A_162] : memref<4x10240xi32, #tpu.memory_space<vmem>>[vector<16xi32>, vector<16xi32>], vector<16xi32>,
        %bitcast3A_166 = vector.bitcast %gather3A_165 : vector<16xi32> to vector<32xbf16>
        %max3A_167 = arith.maximumf %max3A, %bitcast3A_166 : vector<32xbf16>
        %broadcast_in_dim3A_168 = arith.constant 1 : i32
        %broadcast_in_dim3A_169 = vector.broadcast %broadcast_in_dim3A_168 : i32 to vector<16xi32>
        %gather3A_170 = tpu.vector_load_idx %arg5[%broadcast_in_dim3A_169, %get3A_162] : memref<4x10240xi32, #tpu.memory_space<vmem>>[vector<16xi32>, vector<16xi32>], vector<16xi32>,
        %bitcast3A_171 = vector.bitcast %gather3A_170 : vector<16xi32> to vector<32xbf16>
        %max3A_172 = arith.maximumf %max3A_144, %bitcast3A_171 : vector<32xbf16>
        %broadcast_in_dim3A_173 = arith.constant 2 : i32
        %broadcast_in_dim3A_174 = vector.broadcast %broadcast_in_dim3A_173 : i32 to vector<16xi32>
        %gather3A_175 = tpu.vector_load_idx %arg5[%broadcast_in_dim3A_174, %get3A_162] : memref<4x10240xi32, #tpu.memory_space<vmem>>[vector<16xi32>, vector<16xi32>], vector<16xi32>,
        %bitcast3A_176 = vector.bitcast %gather3A_175 : vector<16xi32> to vector<32xbf16>
        %max3A_177 = arith.maximumf %max3A_149, %bitcast3A_176 : vector<32xbf16>
        %broadcast_in_dim3A_178 = arith.constant 3 : i32
        %broadcast_in_dim3A_179 = vector.broadcast %broadcast_in_dim3A_178 : i32 to vector<16xi32>
        %gather3A_180 = tpu.vector_load_idx %arg5[%broadcast_in_dim3A_179, %get3A_162] : memref<4x10240xi32, #tpu.memory_space<vmem>>[vector<16xi32>, vector<16xi32>], vector<16xi32>,
        %bitcast3A_181 = vector.bitcast %gather3A_180 : vector<16xi32> to vector<32xbf16>
        %max3A_182 = arith.maximumf %max3A_154, %bitcast3A_181 : vector<32xbf16>
        %mul3A_183 = arith.constant 16 : i32
        %mul3A_184 = arith.muli %scan3A_107, %mul3A_183 : i32
        %get3A_185 = arith.constant 0 : i32
        %get3A_186 = arith.constant 3 : i32
        %get3A_187 = arith.index_cast %get3A_185 : i32 to index
        %get3A_188 = arith.index_cast %get3A_186 : i32 to index
        %get3A_189 = arith.index_cast %mul3A_184 : i32 to index
        %get3A_190 = tpu.vector_load %arg6[%get3A_187, %get3A_188, %get3A_189] {strides = array<i32>} : memref<2x32x640xi32, #tpu.memory_space<vmem>>, vector<16xi32>,
        %broadcast_in_dim3A_191 = arith.constant 0 : i32
        %broadcast_in_dim3A_192 = vector.broadcast %broadcast_in_dim3A_191 : i32 to vector<16xi32>
        %gather3A_193 = tpu.vector_load_idx %arg5[%broadcast_in_dim3A_192, %get3A_190] : memref<4x10240xi32, #tpu.memory_space<vmem>>[vector<16xi32>, vector<16xi32>], vector<16xi32>,
        %bitcast3A_194 = vector.bitcast %gather3A_193 : vector<16xi32> to vector<32xbf16>
        %max3A_195 = arith.maximumf %max3A_167, %bitcast3A_194 : vector<32xbf16>
        %broadcast_in_dim3A_196 = arith.constant 1 : i32
        %broadcast_in_dim3A_197 = vector.broadcast %broadcast_in_dim3A_196 : i32 to vector<16xi32>
        %gather3A_198 = tpu.vector_load_idx %arg5[%broadcast_in_dim3A_197, %get3A_190] : memref<4x10240xi32, #tpu.memory_space<vmem>>[vector<16xi32>, vector<16xi32>], vector<16xi32>,
        %bitcast3A_199 = vector.bitcast %gather3A_198 : vector<16xi32> to vector<32xbf16>
        %max3A_200 = arith.maximumf %max3A_172, %bitcast3A_199 : vector<32xbf16>
        %broadcast_in_dim3A_201 = arith.constant 2 : i32
        %broadcast_in_dim3A_202 = vector.broadcast %broadcast_in_dim3A_201 : i32 to vector<16xi32>
        %gather3A_203 = tpu.vector_load_idx %arg5[%broadcast_in_dim3A_202, %get3A_190] : memref<4x10240xi32, #tpu.memory_space<vmem>>[vector<16xi32>, vector<16xi32>], vector<16xi32>,
        %bitcast3A_204 = vector.bitcast %gather3A_203 : vector<16xi32> to vector<32xbf16>
        %max3A_205 = arith.maximumf %max3A_177, %bitcast3A_204 : vector<32xbf16>
        %broadcast_in_dim3A_206 = arith.constant 3 : i32
        %broadcast_in_dim3A_207 = vector.broadcast %broadcast_in_dim3A_206 : i32 to vector<16xi32>
        %gather3A_208 = tpu.vector_load_idx %arg5[%broadcast_in_dim3A_207, %get3A_190] : memref<4x10240xi32, #tpu.memory_space<vmem>>[vector<16xi32>, vector<16xi32>], vector<16xi32>,
        %bitcast3A_209 = vector.bitcast %gather3A_208 : vector<16xi32> to vector<32xbf16>
        %max3A_210 = arith.maximumf %max3A_182, %bitcast3A_209 : vector<32xbf16>
        %mul3A_211 = arith.constant 16 : i32
        %mul3A_212 = arith.muli %scan3A_107, %mul3A_211 : i32
        %get3A_213 = arith.constant 0 : i32
        %get3A_214 = arith.constant 4 : i32
        %get3A_215 = arith.index_cast %get3A_213 : i32 to index
        %get3A_216 = arith.index_cast %get3A_214 : i32 to index
        %get3A_217 = arith.index_cast %mul3A_212 : i32 to index
        %get3A_218 = tpu.vector_load %arg6[%get3A_215, %get3A_216, %get3A_217] {strides = array<i32>} : memref<2x32x640xi32, #tpu.memory_space<vmem>>, vector<16xi32>,
        %broadcast_in_dim3A_219 = arith.constant 0 : i32
        %broadcast_in_dim3A_220 = vector.broadcast %broadcast_in_dim3A_219 : i32 to vector<16xi32>
        %gather3A_221 = tpu.vector_load_idx %arg5[%broadcast_in_dim3A_220, %get3A_218] : memref<4x10240xi32, #tpu.memory_space<vmem>>[vector<16xi32>, vector<16xi32>], vector<16xi32>,
        %bitcast3A_222 = vector.bitcast %gather3A_221 : vector<16xi32> to vector<32xbf16>
        %max3A_223 = arith.maximumf %max3A_195, %bitcast3A_222 : vector<32xbf16>
        %broadcast_in_dim3A_224 = arith.constant 1 : i32
        %broadcast_in_dim3A_225 = vector.broadcast %broadcast_in_dim3A_224 : i32 to vector<16xi32>
        %gather3A_226 = tpu.vector_load_idx %arg5[%broadcast_in_dim3A_225, %get3A_218] : memref<4x10240xi32, #tpu.memory_space<vmem>>[vector<16xi32>, vector<16xi32>], vector<16xi32>,
        %bitcast3A_227 = vector.bitcast %gather3A_226 : vector<16xi32> to vector<32xbf16>
        %max3A_228 = arith.maximumf %max3A_200, %bitcast3A_227 : vector<32xbf16>
        %broadcast_in_dim3A_229 = arith.constant 2 : i32
        %broadcast_in_dim3A_230 = vector.broadcast %broadcast_in_dim3A_229 : i32 to vector<16xi32>
        %gather3A_231 = tpu.vector_load_idx %arg5[%broadcast_in_dim3A_230, %get3A_218] : memref<4x10240xi32, #tpu.memory_space<vmem>>[vector<16xi32>, vector<16xi32>], vector<16xi32>,
        %bitcast3A_232 = vector.bitcast %gather3A_231 : vector<16xi32> to vector<32xbf16>
        %max3A_233 = arith.maximumf %max3A_205, %bitcast3A_232 : vector<32xbf16>
        %broadcast_in_dim3A_234 = arith.constant 3 : i32
        %broadcast_in_dim3A_235 = vector.broadcast %broadcast_in_dim3A_234 : i32 to vector<16xi32>
        %gather3A_236 = tpu.vector_load_idx %arg5[%broadcast_in_dim3A_235, %get3A_218] : memref<4x10240xi32, #tpu.memory_space<vmem>>[vector<16xi32>, vector<16xi32>], vector<16xi32>,
        %bitcast3A_237 = vector.bitcast %gather3A_236 : vector<16xi32> to vector<32xbf16>
        %max3A_238 = arith.maximumf %max3A_210, %bitcast3A_237 : vector<32xbf16>
        %mul3A_239 = arith.constant 16 : i32
        %mul3A_240 = arith.muli %scan3A_107, %mul3A_239 : i32
        %get3A_241 = arith.constant 0 : i32
        %get3A_242 = arith.constant 5 : i32
        %get3A_243 = arith.index_cast %get3A_241 : i32 to index
        %get3A_244 = arith.index_cast %get3A_242 : i32 to index
        %get3A_245 = arith.index_cast %mul3A_240 : i32 to index
        %get3A_246 = tpu.vector_load %arg6[%get3A_243, %get3A_244, %get3A_245] {strides = array<i32>} : memref<2x32x640xi32, #tpu.memory_space<vmem>>, vector<16xi32>,
        %broadcast_in_dim3A_247 = arith.constant 0 : i32
        %broadcast_in_dim3A_248 = vector.broadcast %broadcast_in_dim3A_247 : i32 to vector<16xi32>
        %gather3A_249 = tpu.vector_load_idx %arg5[%broadcast_in_dim3A_248, %get3A_246] : memref<4x10240xi32, #tpu.memory_space<vmem>>[vector<16xi32>, vector<16xi32>], vector<16xi32>,
        %bitcast3A_250 = vector.bitcast %gather3A_249 : vector<16xi32> to vector<32xbf16>
        %max3A_251 = arith.maximumf %max3A_223, %bitcast3A_250 : vector<32xbf16>
        %broadcast_in_dim3A_252 = arith.constant 1 : i32
        %broadcast_in_dim3A_253 = vector.broadcast %broadcast_in_dim3A_252 : i32 to vector<16xi32>
        %gather3A_254 = tpu.vector_load_idx %arg5[%broadcast_in_dim3A_253, %get3A_246] : memref<4x10240xi32, #tpu.memory_space<vmem>>[vector<16xi32>, vector<16xi32>], vector<16xi32>,
        %bitcast3A_255 = vector.bitcast %gather3A_254 : vector<16xi32> to vector<32xbf16>
        %max3A_256 = arith.maximumf %max3A_228, %bitcast3A_255 : vector<32xbf16>
        %broadcast_in_dim3A_257 = arith.constant 2 : i32
        %broadcast_in_dim3A_258 = vector.broadcast %broadcast_in_dim3A_257 : i32 to vector<16xi32>
        %gather3A_259 = tpu.vector_load_idx %arg5[%broadcast_in_dim3A_258, %get3A_246] : memref<4x10240xi32, #tpu.memory_space<vmem>>[vector<16xi32>, vector<16xi32>], vector<16xi32>,
        %bitcast3A_260 = vector.bitcast %gather3A_259 : vector<16xi32> to vector<32xbf16>
        %max3A_261 = arith.maximumf %max3A_233, %bitcast3A_260 : vector<32xbf16>
        %broadcast_in_dim3A_262 = arith.constant 3 : i32
        %broadcast_in_dim3A_263 = vector.broadcast %broadcast_in_dim3A_262 : i32 to vector<16xi32>
        %gather3A_264 = tpu.vector_load_idx %arg5[%broadcast_in_dim3A_263, %get3A_246] : memref<4x10240xi32, #tpu.memory_space<vmem>>[vector<16xi32>, vector<16xi32>], vector<16xi32>,
        %bitcast3A_265 = vector.bitcast %gather3A_264 : vector<16xi32> to vector<32xbf16>
        %max3A_266 = arith.maximumf %max3A_238, %bitcast3A_265 : vector<32xbf16>
        %mul3A_267 = arith.constant 16 : i32
        %mul3A_268 = arith.muli %scan3A_107, %mul3A_267 : i32
        %get3A_269 = arith.constant 0 : i32
        %get3A_270 = arith.constant 6 : i32
        %get3A_271 = arith.index_cast %get3A_269 : i32 to index
        %get3A_272 = arith.index_cast %get3A_270 : i32 to index
        %get3A_273 = arith.index_cast %mul3A_268 : i32 to index
        %get3A_274 = tpu.vector_load %arg6[%get3A_271, %get3A_272, %get3A_273] {strides = array<i32>} : memref<2x32x640xi32, #tpu.memory_space<vmem>>, vector<16xi32>,
        %broadcast_in_dim3A_275 = arith.constant 0 : i32
        %broadcast_in_dim3A_276 = vector.broadcast %broadcast_in_dim3A_275 : i32 to vector<16xi32>
        %gather3A_277 = tpu.vector_load_idx %arg5[%broadcast_in_dim3A_276, %get3A_274] : memref<4x10240xi32, #tpu.memory_space<vmem>>[vector<16xi32>, vector<16xi32>], vector<16xi32>,
        %bitcast3A_278 = vector.bitcast %gather3A_277 : vector<16xi32> to vector<32xbf16>
        %max3A_279 = arith.maximumf %max3A_251, %bitcast3A_278 : vector<32xbf16>
        %broadcast_in_dim3A_280 = arith.constant 1 : i32
        %broadcast_in_dim3A_281 = vector.broadcast %broadcast_in_dim3A_280 : i32 to vector<16xi32>
        %gather3A_282 = tpu.vector_load_idx %arg5[%broadcast_in_dim3A_281, %get3A_274] : memref<4x10240xi32, #tpu.memory_space<vmem>>[vector<16xi32>, vector<16xi32>], vector<16xi32>,
        %bitcast3A_283 = vector.bitcast %gather3A_282 : vector<16xi32> to vector<32xbf16>
        %max3A_284 = arith.maximumf %max3A_256, %bitcast3A_283 : vector<32xbf16>
        %broadcast_in_dim3A_285 = arith.constant 2 : i32
        %broadcast_in_dim3A_286 = vector.broadcast %broadcast_in_dim3A_285 : i32 to vector<16xi32>
        %gather3A_287 = tpu.vector_load_idx %arg5[%broadcast_in_dim3A_286, %get3A_274] : memref<4x10240xi32, #tpu.memory_space<vmem>>[vector<16xi32>, vector<16xi32>], vector<16xi32>,
        %bitcast3A_288 = vector.bitcast %gather3A_287 : vector<16xi32> to vector<32xbf16>
        %max3A_289 = arith.maximumf %max3A_261, %bitcast3A_288 : vector<32xbf16>
        %broadcast_in_dim3A_290 = arith.constant 3 : i32
        %broadcast_in_dim3A_291 = vector.broadcast %broadcast_in_dim3A_290 : i32 to vector<16xi32>
        %gather3A_292 = tpu.vector_load_idx %arg5[%broadcast_in_dim3A_291, %get3A_274] : memref<4x10240xi32, #tpu.memory_space<vmem>>[vector<16xi32>, vector<16xi32>], vector<16xi32>,
        %bitcast3A_293 = vector.bitcast %gather3A_292 : vector<16xi32> to vector<32xbf16>
        %max3A_294 = arith.maximumf %max3A_266, %bitcast3A_293 : vector<32xbf16>
        %mul3A_295 = arith.constant 16 : i32
        %mul3A_296 = arith.muli %scan3A_107, %mul3A_295 : i32
        %get3A_297 = arith.constant 0 : i32
        %get3A_298 = arith.constant 7 : i32
        %get3A_299 = arith.index_cast %get3A_297 : i32 to index
        %get3A_300 = arith.index_cast %get3A_298 : i32 to index
        %get3A_301 = arith.index_cast %mul3A_296 : i32 to index
        %get3A_302 = tpu.vector_load %arg6[%get3A_299, %get3A_300, %get3A_301] {strides = array<i32>} : memref<2x32x640xi32, #tpu.memory_space<vmem>>, vector<16xi32>,
        %broadcast_in_dim3A_303 = arith.constant 0 : i32
        %broadcast_in_dim3A_304 = vector.broadcast %broadcast_in_dim3A_303 : i32 to vector<16xi32>
        %gather3A_305 = tpu.vector_load_idx %arg5[%broadcast_in_dim3A_304, %get3A_302] : memref<4x10240xi32, #tpu.memory_space<vmem>>[vector<16xi32>, vector<16xi32>], vector<16xi32>,
        %bitcast3A_306 = vector.bitcast %gather3A_305 : vector<16xi32> to vector<32xbf16>
        %max3A_307 = arith.maximumf %max3A_279, %bitcast3A_306 : vector<32xbf16>
        %broadcast_in_dim3A_308 = arith.constant 1 : i32
        %broadcast_in_dim3A_309 = vector.broadcast %broadcast_in_dim3A_308 : i32 to vector<16xi32>
        %gather3A_310 = tpu.vector_load_idx %arg5[%broadcast_in_dim3A_309, %get3A_302] : memref<4x10240xi32, #tpu.memory_space<vmem>>[vector<16xi32>, vector<16xi32>], vector<16xi32>,
        %bitcast3A_311 = vector.bitcast %gather3A_310 : vector<16xi32> to vector<32xbf16>
        %max3A_312 = arith.maximumf %max3A_284, %bitcast3A_311 : vector<32xbf16>
        %broadcast_in_dim3A_313 = arith.constant 2 : i32
        %broadcast_in_dim3A_314 = vector.broadcast %broadcast_in_dim3A_313 : i32 to vector<16xi32>
        %gather3A_315 = tpu.vector_load_idx %arg5[%broadcast_in_dim3A_314, %get3A_302] : memref<4x10240xi32, #tpu.memory_space<vmem>>[vector<16xi32>, vector<16xi32>], vector<16xi32>,
        %bitcast3A_316 = vector.bitcast %gather3A_315 : vector<16xi32> to vector<32xbf16>
        %max3A_317 = arith.maximumf %max3A_289, %bitcast3A_316 : vector<32xbf16>
        %broadcast_in_dim3A_318 = arith.constant 3 : i32
        %broadcast_in_dim3A_319 = vector.broadcast %broadcast_in_dim3A_318 : i32 to vector<16xi32>
        %gather3A_320 = tpu.vector_load_idx %arg5[%broadcast_in_dim3A_319, %get3A_302] : memref<4x10240xi32, #tpu.memory_space<vmem>>[vector<16xi32>, vector<16xi32>], vector<16xi32>,
        %bitcast3A_321 = vector.bitcast %gather3A_320 : vector<16xi32> to vector<32xbf16>
        %max3A_322 = arith.maximumf %max3A_294, %bitcast3A_321 : vector<32xbf16>
        %mul3A_323 = arith.constant 16 : i32
        %mul3A_324 = arith.muli %scan3A_107, %mul3A_323 : i32
        %get3A_325 = arith.constant 0 : i32
        %get3A_326 = arith.constant 8 : i32
        %get3A_327 = arith.index_cast %get3A_325 : i32 to index
        %get3A_328 = arith.index_cast %get3A_326 : i32 to index
        %get3A_329 = arith.index_cast %mul3A_324 : i32 to index
        %get3A_330 = tpu.vector_load %arg6[%get3A_327, %get3A_328, %get3A_329] {strides = array<i32>} : memref<2x32x640xi32, #tpu.memory_space<vmem>>, vector<16xi32>,
        %broadcast_in_dim3A_331 = arith.constant 0 : i32
        %broadcast_in_dim3A_332 = vector.broadcast %broadcast_in_dim3A_331 : i32 to vector<16xi32>
        %gather3A_333 = tpu.vector_load_idx %arg5[%broadcast_in_dim3A_332, %get3A_330] : memref<4x10240xi32, #tpu.memory_space<vmem>>[vector<16xi32>, vector<16xi32>], vector<16xi32>,
        %bitcast3A_334 = vector.bitcast %gather3A_333 : vector<16xi32> to vector<32xbf16>
        %max3A_335 = arith.maximumf %max3A_307, %bitcast3A_334 : vector<32xbf16>
        %broadcast_in_dim3A_336 = arith.constant 1 : i32
        %broadcast_in_dim3A_337 = vector.broadcast %broadcast_in_dim3A_336 : i32 to vector<16xi32>
        %gather3A_338 = tpu.vector_load_idx %arg5[%broadcast_in_dim3A_337, %get3A_330] : memref<4x10240xi32, #tpu.memory_space<vmem>>[vector<16xi32>, vector<16xi32>], vector<16xi32>,
        %bitcast3A_339 = vector.bitcast %gather3A_338 : vector<16xi32> to vector<32xbf16>
        %max3A_340 = arith.maximumf %max3A_312, %bitcast3A_339 : vector<32xbf16>
        %broadcast_in_dim3A_341 = arith.constant 2 : i32
        %broadcast_in_dim3A_342 = vector.broadcast %broadcast_in_dim3A_341 : i32 to vector<16xi32>
        %gather3A_343 = tpu.vector_load_idx %arg5[%broadcast_in_dim3A_342, %get3A_330] : memref<4x10240xi32, #tpu.memory_space<vmem>>[vector<16xi32>, vector<16xi32>], vector<16xi32>,
        %bitcast3A_344 = vector.bitcast %gather3A_343 : vector<16xi32> to vector<32xbf16>
        %max3A_345 = arith.maximumf %max3A_317, %bitcast3A_344 : vector<32xbf16>
        %broadcast_in_dim3A_346 = arith.constant 3 : i32
        %broadcast_in_dim3A_347 = vector.broadcast %broadcast_in_dim3A_346 : i32 to vector<16xi32>
        %gather3A_348 = tpu.vector_load_idx %arg5[%broadcast_in_dim3A_347, %get3A_330] : memref<4x10240xi32, #tpu.memory_space<vmem>>[vector<16xi32>, vector<16xi32>], vector<16xi32>,
        %bitcast3A_349 = vector.bitcast %gather3A_348 : vector<16xi32> to vector<32xbf16>
        %max3A_350 = arith.maximumf %max3A_322, %bitcast3A_349 : vector<32xbf16>
        %mul3A_351 = arith.constant 16 : i32
        %mul3A_352 = arith.muli %scan3A_107, %mul3A_351 : i32
        %get3A_353 = arith.constant 0 : i32
        %get3A_354 = arith.constant 9 : i32
        %get3A_355 = arith.index_cast %get3A_353 : i32 to index
        %get3A_356 = arith.index_cast %get3A_354 : i32 to index
        %get3A_357 = arith.index_cast %mul3A_352 : i32 to index
        %get3A_358 = tpu.vector_load %arg6[%get3A_355, %get3A_356, %get3A_357] {strides = array<i32>} : memref<2x32x640xi32, #tpu.memory_space<vmem>>, vector<16xi32>,
        %broadcast_in_dim3A_359 = arith.constant 0 : i32
        %broadcast_in_dim3A_360 = vector.broadcast %broadcast_in_dim3A_359 : i32 to vector<16xi32>
        %gather3A_361 = tpu.vector_load_idx %arg5[%broadcast_in_dim3A_360, %get3A_358] : memref<4x10240xi32, #tpu.memory_space<vmem>>[vector<16xi32>, vector<16xi32>], vector<16xi32>,
        %bitcast3A_362 = vector.bitcast %gather3A_361 : vector<16xi32> to vector<32xbf16>
        %max3A_363 = arith.maximumf %max3A_335, %bitcast3A_362 : vector<32xbf16>
        %broadcast_in_dim3A_364 = arith.constant 1 : i32
        %broadcast_in_dim3A_365 = vector.broadcast %broadcast_in_dim3A_364 : i32 to vector<16xi32>
        %gather3A_366 = tpu.vector_load_idx %arg5[%broadcast_in_dim3A_365, %get3A_358] : memref<4x10240xi32, #tpu.memory_space<vmem>>[vector<16xi32>, vector<16xi32>], vector<16xi32>,
        %bitcast3A_367 = vector.bitcast %gather3A_366 : vector<16xi32> to vector<32xbf16>
        %max3A_368 = arith.maximumf %max3A_340, %bitcast3A_367 : vector<32xbf16>
        %broadcast_in_dim3A_369 = arith.constant 2 : i32
        %broadcast_in_dim3A_370 = vector.broadcast %broadcast_in_dim3A_369 : i32 to vector<16xi32>
        %gather3A_371 = tpu.vector_load_idx %arg5[%broadcast_in_dim3A_370, %get3A_358] : memref<4x10240xi32, #tpu.memory_space<vmem>>[vector<16xi32>, vector<16xi32>], vector<16xi32>,
        %bitcast3A_372 = vector.bitcast %gather3A_371 : vector<16xi32> to vector<32xbf16>
        %max3A_373 = arith.maximumf %max3A_345, %bitcast3A_372 : vector<32xbf16>
        %broadcast_in_dim3A_374 = arith.constant 3 : i32
        %broadcast_in_dim3A_375 = vector.broadcast %broadcast_in_dim3A_374 : i32 to vector<16xi32>
        %gather3A_376 = tpu.vector_load_idx %arg5[%broadcast_in_dim3A_375, %get3A_358] : memref<4x10240xi32, #tpu.memory_space<vmem>>[vector<16xi32>, vector<16xi32>], vector<16xi32>,
        %bitcast3A_377 = vector.bitcast %gather3A_376 : vector<16xi32> to vector<32xbf16>
        %max3A_378 = arith.maximumf %max3A_350, %bitcast3A_377 : vector<32xbf16>
        %mul3A_379 = arith.constant 16 : i32
        %mul3A_380 = arith.muli %scan3A_107, %mul3A_379 : i32
        %get3A_381 = arith.constant 0 : i32
        %get3A_382 = arith.constant 10 : i32
        %get3A_383 = arith.index_cast %get3A_381 : i32 to index
        %get3A_384 = arith.index_cast %get3A_382 : i32 to index
        %get3A_385 = arith.index_cast %mul3A_380 : i32 to index
        %get3A_386 = tpu.vector_load %arg6[%get3A_383, %get3A_384, %get3A_385] {strides = array<i32>} : memref<2x32x640xi32, #tpu.memory_space<vmem>>, vector<16xi32>,
        %broadcast_in_dim3A_387 = arith.constant 0 : i32
        %broadcast_in_dim3A_388 = vector.broadcast %broadcast_in_dim3A_387 : i32 to vector<16xi32>
        %gather3A_389 = tpu.vector_load_idx %arg5[%broadcast_in_dim3A_388, %get3A_386] : memref<4x10240xi32, #tpu.memory_space<vmem>>[vector<16xi32>, vector<16xi32>], vector<16xi32>,
        %bitcast3A_390 = vector.bitcast %gather3A_389 : vector<16xi32> to vector<32xbf16>
        %max3A_391 = arith.maximumf %max3A_363, %bitcast3A_390 : vector<32xbf16>
        %broadcast_in_dim3A_392 = arith.constant 1 : i32
        %broadcast_in_dim3A_393 = vector.broadcast %broadcast_in_dim3A_392 : i32 to vector<16xi32>
        %gather3A_394 = tpu.vector_load_idx %arg5[%broadcast_in_dim3A_393, %get3A_386] : memref<4x10240xi32, #tpu.memory_space<vmem>>[vector<16xi32>, vector<16xi32>], vector<16xi32>,
        %bitcast3A_395 = vector.bitcast %gather3A_394 : vector<16xi32> to vector<32xbf16>
        %max3A_396 = arith.maximumf %max3A_368, %bitcast3A_395 : vector<32xbf16>
        %broadcast_in_dim3A_397 = arith.constant 2 : i32
        %broadcast_in_dim3A_398 = vector.broadcast %broadcast_in_dim3A_397 : i32 to vector<16xi32>
        %gather3A_399 = tpu.vector_load_idx %arg5[%broadcast_in_dim3A_398, %get3A_386] : memref<4x10240xi32, #tpu.memory_space<vmem>>[vector<16xi32>, vector<16xi32>], vector<16xi32>,
        %bitcast3A_400 = vector.bitcast %gather3A_399 : vector<16xi32> to vector<32xbf16>
        %max3A_401 = arith.maximumf %max3A_373, %bitcast3A_400 : vector<32xbf16>
        %broadcast_in_dim3A_402 = arith.constant 3 : i32
        %broadcast_in_dim3A_403 = vector.broadcast %broadcast_in_dim3A_402 : i32 to vector<16xi32>
        %gather3A_404 = tpu.vector_load_idx %arg5[%broadcast_in_dim3A_403, %get3A_386] : memref<4x10240xi32, #tpu.memory_space<vmem>>[vector<16xi32>, vector<16xi32>], vector<16xi32>,
        %bitcast3A_405 = vector.bitcast %gather3A_404 : vector<16xi32> to vector<32xbf16>
        %max3A_406 = arith.maximumf %max3A_378, %bitcast3A_405 : vector<32xbf16>
        %mul3A_407 = arith.constant 16 : i32
        %mul3A_408 = arith.muli %scan3A_107, %mul3A_407 : i32
        %get3A_409 = arith.constant 0 : i32
        %get3A_410 = arith.constant 11 : i32
        %get3A_411 = arith.index_cast %get3A_409 : i32 to index
        %get3A_412 = arith.index_cast %get3A_410 : i32 to index
        %get3A_413 = arith.index_cast %mul3A_408 : i32 to index
        %get3A_414 = tpu.vector_load %arg6[%get3A_411, %get3A_412, %get3A_413] {strides = array<i32>} : memref<2x32x640xi32, #tpu.memory_space<vmem>>, vector<16xi32>,
        %broadcast_in_dim3A_415 = arith.constant 0 : i32
        %broadcast_in_dim3A_416 = vector.broadcast %broadcast_in_dim3A_415 : i32 to vector<16xi32>
        %gather3A_417 = tpu.vector_load_idx %arg5[%broadcast_in_dim3A_416, %get3A_414] : memref<4x10240xi32, #tpu.memory_space<vmem>>[vector<16xi32>, vector<16xi32>], vector<16xi32>,
        %bitcast3A_418 = vector.bitcast %gather3A_417 : vector<16xi32> to vector<32xbf16>
        %max3A_419 = arith.maximumf %max3A_391, %bitcast3A_418 : vector<32xbf16>
        %broadcast_in_dim3A_420 = arith.constant 1 : i32
        %broadcast_in_dim3A_421 = vector.broadcast %broadcast_in_dim3A_420 : i32 to vector<16xi32>
        %gather3A_422 = tpu.vector_load_idx %arg5[%broadcast_in_dim3A_421, %get3A_414] : memref<4x10240xi32, #tpu.memory_space<vmem>>[vector<16xi32>, vector<16xi32>], vector<16xi32>,
        %bitcast3A_423 = vector.bitcast %gather3A_422 : vector<16xi32> to vector<32xbf16>
        %max3A_424 = arith.maximumf %max3A_396, %bitcast3A_423 : vector<32xbf16>
        %broadcast_in_dim3A_425 = arith.constant 2 : i32
        %broadcast_in_dim3A_426 = vector.broadcast %broadcast_in_dim3A_425 : i32 to vector<16xi32>
        %gather3A_427 = tpu.vector_load_idx %arg5[%broadcast_in_dim3A_426, %get3A_414] : memref<4x10240xi32, #tpu.memory_space<vmem>>[vector<16xi32>, vector<16xi32>], vector<16xi32>,
        %bitcast3A_428 = vector.bitcast %gather3A_427 : vector<16xi32> to vector<32xbf16>
        %max3A_429 = arith.maximumf %max3A_401, %bitcast3A_428 : vector<32xbf16>
        %broadcast_in_dim3A_430 = arith.constant 3 : i32
        %broadcast_in_dim3A_431 = vector.broadcast %broadcast_in_dim3A_430 : i32 to vector<16xi32>
        %gather3A_432 = tpu.vector_load_idx %arg5[%broadcast_in_dim3A_431, %get3A_414] : memref<4x10240xi32, #tpu.memory_space<vmem>>[vector<16xi32>, vector<16xi32>], vector<16xi32>,
        %bitcast3A_433 = vector.bitcast %gather3A_432 : vector<16xi32> to vector<32xbf16>
        %max3A_434 = arith.maximumf %max3A_406, %bitcast3A_433 : vector<32xbf16>
        %mul3A_435 = arith.constant 16 : i32
        %mul3A_436 = arith.muli %scan3A_107, %mul3A_435 : i32
        %get3A_437 = arith.constant 0 : i32
        %get3A_438 = arith.constant 12 : i32
        %get3A_439 = arith.index_cast %get3A_437 : i32 to index
        %get3A_440 = arith.index_cast %get3A_438 : i32 to index
        %get3A_441 = arith.index_cast %mul3A_436 : i32 to index
        %get3A_442 = tpu.vector_load %arg6[%get3A_439, %get3A_440, %get3A_441] {strides = array<i32>} : memref<2x32x640xi32, #tpu.memory_space<vmem>>, vector<16xi32>,
        %broadcast_in_dim3A_443 = arith.constant 0 : i32
        %broadcast_in_dim3A_444 = vector.broadcast %broadcast_in_dim3A_443 : i32 to vector<16xi32>
        %gather3A_445 = tpu.vector_load_idx %arg5[%broadcast_in_dim3A_444, %get3A_442] : memref<4x10240xi32, #tpu.memory_space<vmem>>[vector<16xi32>, vector<16xi32>], vector<16xi32>,
        %bitcast3A_446 = vector.bitcast %gather3A_445 : vector<16xi32> to vector<32xbf16>
        %max3A_447 = arith.maximumf %max3A_419, %bitcast3A_446 : vector<32xbf16>
        %broadcast_in_dim3A_448 = arith.constant 1 : i32
        %broadcast_in_dim3A_449 = vector.broadcast %broadcast_in_dim3A_448 : i32 to vector<16xi32>
        %gather3A_450 = tpu.vector_load_idx %arg5[%broadcast_in_dim3A_449, %get3A_442] : memref<4x10240xi32, #tpu.memory_space<vmem>>[vector<16xi32>, vector<16xi32>], vector<16xi32>,
        %bitcast3A_451 = vector.bitcast %gather3A_450 : vector<16xi32> to vector<32xbf16>
        %max3A_452 = arith.maximumf %max3A_424, %bitcast3A_451 : vector<32xbf16>
        %broadcast_in_dim3A_453 = arith.constant 2 : i32
        %broadcast_in_dim3A_454 = vector.broadcast %broadcast_in_dim3A_453 : i32 to vector<16xi32>
        %gather3A_455 = tpu.vector_load_idx %arg5[%broadcast_in_dim3A_454, %get3A_442] : memref<4x10240xi32, #tpu.memory_space<vmem>>[vector<16xi32>, vector<16xi32>], vector<16xi32>,
        %bitcast3A_456 = vector.bitcast %gather3A_455 : vector<16xi32> to vector<32xbf16>
        %max3A_457 = arith.maximumf %max3A_429, %bitcast3A_456 : vector<32xbf16>
        %broadcast_in_dim3A_458 = arith.constant 3 : i32
        %broadcast_in_dim3A_459 = vector.broadcast %broadcast_in_dim3A_458 : i32 to vector<16xi32>
        %gather3A_460 = tpu.vector_load_idx %arg5[%broadcast_in_dim3A_459, %get3A_442] : memref<4x10240xi32, #tpu.memory_space<vmem>>[vector<16xi32>, vector<16xi32>], vector<16xi32>,
        %bitcast3A_461 = vector.bitcast %gather3A_460 : vector<16xi32> to vector<32xbf16>
        %max3A_462 = arith.maximumf %max3A_434, %bitcast3A_461 : vector<32xbf16>
        %mul3A_463 = arith.constant 16 : i32
        %mul3A_464 = arith.muli %scan3A_107, %mul3A_463 : i32
        %get3A_465 = arith.constant 0 : i32
        %get3A_466 = arith.constant 13 : i32
        %get3A_467 = arith.index_cast %get3A_465 : i32 to index
        %get3A_468 = arith.index_cast %get3A_466 : i32 to index
        %get3A_469 = arith.index_cast %mul3A_464 : i32 to index
        %get3A_470 = tpu.vector_load %arg6[%get3A_467, %get3A_468, %get3A_469] {strides = array<i32>} : memref<2x32x640xi32, #tpu.memory_space<vmem>>, vector<16xi32>,
        %broadcast_in_dim3A_471 = arith.constant 0 : i32
        %broadcast_in_dim3A_472 = vector.broadcast %broadcast_in_dim3A_471 : i32 to vector<16xi32>
        %gather3A_473 = tpu.vector_load_idx %arg5[%broadcast_in_dim3A_472, %get3A_470] : memref<4x10240xi32, #tpu.memory_space<vmem>>[vector<16xi32>, vector<16xi32>], vector<16xi32>,
        %bitcast3A_474 = vector.bitcast %gather3A_473 : vector<16xi32> to vector<32xbf16>
        %max3A_475 = arith.maximumf %max3A_447, %bitcast3A_474 : vector<32xbf16>
        %broadcast_in_dim3A_476 = arith.constant 1 : i32
        %broadcast_in_dim3A_477 = vector.broadcast %broadcast_in_dim3A_476 : i32 to vector<16xi32>
        %gather3A_478 = tpu.vector_load_idx %arg5[%broadcast_in_dim3A_477, %get3A_470] : memref<4x10240xi32, #tpu.memory_space<vmem>>[vector<16xi32>, vector<16xi32>], vector<16xi32>,
        %bitcast3A_479 = vector.bitcast %gather3A_478 : vector<16xi32> to vector<32xbf16>
        %max3A_480 = arith.maximumf %max3A_452, %bitcast3A_479 : vector<32xbf16>
        %broadcast_in_dim3A_481 = arith.constant 2 : i32
        %broadcast_in_dim3A_482 = vector.broadcast %broadcast_in_dim3A_481 : i32 to vector<16xi32>
        %gather3A_483 = tpu.vector_load_idx %arg5[%broadcast_in_dim3A_482, %get3A_470] : memref<4x10240xi32, #tpu.memory_space<vmem>>[vector<16xi32>, vector<16xi32>], vector<16xi32>,
        %bitcast3A_484 = vector.bitcast %gather3A_483 : vector<16xi32> to vector<32xbf16>
        %max3A_485 = arith.maximumf %max3A_457, %bitcast3A_484 : vector<32xbf16>
        %broadcast_in_dim3A_486 = arith.constant 3 : i32
        %broadcast_in_dim3A_487 = vector.broadcast %broadcast_in_dim3A_486 : i32 to vector<16xi32>
        %gather3A_488 = tpu.vector_load_idx %arg5[%broadcast_in_dim3A_487, %get3A_470] : memref<4x10240xi32, #tpu.memory_space<vmem>>[vector<16xi32>, vector<16xi32>], vector<16xi32>,
        %bitcast3A_489 = vector.bitcast %gather3A_488 : vector<16xi32> to vector<32xbf16>
        %max3A_490 = arith.maximumf %max3A_462, %bitcast3A_489 : vector<32xbf16>
        %mul3A_491 = arith.constant 16 : i32
        %mul3A_492 = arith.muli %scan3A_107, %mul3A_491 : i32
        %get3A_493 = arith.constant 0 : i32
        %get3A_494 = arith.constant 14 : i32
        %get3A_495 = arith.index_cast %get3A_493 : i32 to index
        %get3A_496 = arith.index_cast %get3A_494 : i32 to index
        %get3A_497 = arith.index_cast %mul3A_492 : i32 to index
        %get3A_498 = tpu.vector_load %arg6[%get3A_495, %get3A_496, %get3A_497] {strides = array<i32>} : memref<2x32x640xi32, #tpu.memory_space<vmem>>, vector<16xi32>,
        %broadcast_in_dim3A_499 = arith.constant 0 : i32
        %broadcast_in_dim3A_500 = vector.broadcast %broadcast_in_dim3A_499 : i32 to vector<16xi32>
        %gather3A_501 = tpu.vector_load_idx %arg5[%broadcast_in_dim3A_500, %get3A_498] : memref<4x10240xi32, #tpu.memory_space<vmem>>[vector<16xi32>, vector<16xi32>], vector<16xi32>,
        %bitcast3A_502 = vector.bitcast %gather3A_501 : vector<16xi32> to vector<32xbf16>
        %max3A_503 = arith.maximumf %max3A_475, %bitcast3A_502 : vector<32xbf16>
        %broadcast_in_dim3A_504 = arith.constant 1 : i32
        %broadcast_in_dim3A_505 = vector.broadcast %broadcast_in_dim3A_504 : i32 to vector<16xi32>
        %gather3A_506 = tpu.vector_load_idx %arg5[%broadcast_in_dim3A_505, %get3A_498] : memref<4x10240xi32, #tpu.memory_space<vmem>>[vector<16xi32>, vector<16xi32>], vector<16xi32>,
        %bitcast3A_507 = vector.bitcast %gather3A_506 : vector<16xi32> to vector<32xbf16>
        %max3A_508 = arith.maximumf %max3A_480, %bitcast3A_507 : vector<32xbf16>
        %broadcast_in_dim3A_509 = arith.constant 2 : i32
        %broadcast_in_dim3A_510 = vector.broadcast %broadcast_in_dim3A_509 : i32 to vector<16xi32>
        %gather3A_511 = tpu.vector_load_idx %arg5[%broadcast_in_dim3A_510, %get3A_498] : memref<4x10240xi32, #tpu.memory_space<vmem>>[vector<16xi32>, vector<16xi32>], vector<16xi32>,
        %bitcast3A_512 = vector.bitcast %gather3A_511 : vector<16xi32> to vector<32xbf16>
        %max3A_513 = arith.maximumf %max3A_485, %bitcast3A_512 : vector<32xbf16>
        %broadcast_in_dim3A_514 = arith.constant 3 : i32
        %broadcast_in_dim3A_515 = vector.broadcast %broadcast_in_dim3A_514 : i32 to vector<16xi32>
        %gather3A_516 = tpu.vector_load_idx %arg5[%broadcast_in_dim3A_515, %get3A_498] : memref<4x10240xi32, #tpu.memory_space<vmem>>[vector<16xi32>, vector<16xi32>], vector<16xi32>,
        %bitcast3A_517 = vector.bitcast %gather3A_516 : vector<16xi32> to vector<32xbf16>
        %max3A_518 = arith.maximumf %max3A_490, %bitcast3A_517 : vector<32xbf16>
        %mul3A_519 = arith.constant 16 : i32
        %mul3A_520 = arith.muli %scan3A_107, %mul3A_519 : i32
        %get3A_521 = arith.constant 0 : i32
        %get3A_522 = arith.constant 15 : i32
        %get3A_523 = arith.index_cast %get3A_521 : i32 to index
        %get3A_524 = arith.index_cast %get3A_522 : i32 to index
        %get3A_525 = arith.index_cast %mul3A_520 : i32 to index
        %get3A_526 = tpu.vector_load %arg6[%get3A_523, %get3A_524, %get3A_525] {strides = array<i32>} : memref<2x32x640xi32, #tpu.memory_space<vmem>>, vector<16xi32>,
        %broadcast_in_dim3A_527 = arith.constant 0 : i32
        %broadcast_in_dim3A_528 = vector.broadcast %broadcast_in_dim3A_527 : i32 to vector<16xi32>
        %gather3A_529 = tpu.vector_load_idx %arg5[%broadcast_in_dim3A_528, %get3A_526] : memref<4x10240xi32, #tpu.memory_space<vmem>>[vector<16xi32>, vector<16xi32>], vector<16xi32>,
        %bitcast3A_530 = vector.bitcast %gather3A_529 : vector<16xi32> to vector<32xbf16>
        %max3A_531 = arith.maximumf %max3A_503, %bitcast3A_530 : vector<32xbf16>
        %broadcast_in_dim3A_532 = arith.constant 1 : i32
        %broadcast_in_dim3A_533 = vector.broadcast %broadcast_in_dim3A_532 : i32 to vector<16xi32>
        %gather3A_534 = tpu.vector_load_idx %arg5[%broadcast_in_dim3A_533, %get3A_526] : memref<4x10240xi32, #tpu.memory_space<vmem>>[vector<16xi32>, vector<16xi32>], vector<16xi32>,
        %bitcast3A_535 = vector.bitcast %gather3A_534 : vector<16xi32> to vector<32xbf16>
        %max3A_536 = arith.maximumf %max3A_508, %bitcast3A_535 : vector<32xbf16>
        %broadcast_in_dim3A_537 = arith.constant 2 : i32
        %broadcast_in_dim3A_538 = vector.broadcast %broadcast_in_dim3A_537 : i32 to vector<16xi32>
        %gather3A_539 = tpu.vector_load_idx %arg5[%broadcast_in_dim3A_538, %get3A_526] : memref<4x10240xi32, #tpu.memory_space<vmem>>[vector<16xi32>, vector<16xi32>], vector<16xi32>,
        %bitcast3A_540 = vector.bitcast %gather3A_539 : vector<16xi32> to vector<32xbf16>
        %max3A_541 = arith.maximumf %max3A_513, %bitcast3A_540 : vector<32xbf16>
        %broadcast_in_dim3A_542 = arith.constant 3 : i32
        %broadcast_in_dim3A_543 = vector.broadcast %broadcast_in_dim3A_542 : i32 to vector<16xi32>
        %gather3A_544 = tpu.vector_load_idx %arg5[%broadcast_in_dim3A_543, %get3A_526] : memref<4x10240xi32, #tpu.memory_space<vmem>>[vector<16xi32>, vector<16xi32>], vector<16xi32>,
        %bitcast3A_545 = vector.bitcast %gather3A_544 : vector<16xi32> to vector<32xbf16>
        %max3A_546 = arith.maximumf %max3A_518, %bitcast3A_545 : vector<32xbf16>
        %mul3A_547 = arith.constant 16 : i32
        %mul3A_548 = arith.muli %scan3A_107, %mul3A_547 : i32
        %get3A_549 = arith.constant 0 : i32
        %get3A_550 = arith.constant 16 : i32
        %get3A_551 = arith.index_cast %get3A_549 : i32 to index
        %get3A_552 = arith.index_cast %get3A_550 : i32 to index
        %get3A_553 = arith.index_cast %mul3A_548 : i32 to index
        %get3A_554 = tpu.vector_load %arg6[%get3A_551, %get3A_552, %get3A_553] {strides = array<i32>} : memref<2x32x640xi32, #tpu.memory_space<vmem>>, vector<16xi32>,
        %broadcast_in_dim3A_555 = arith.constant 0 : i32
        %broadcast_in_dim3A_556 = vector.broadcast %broadcast_in_dim3A_555 : i32 to vector<16xi32>
        %gather3A_557 = tpu.vector_load_idx %arg5[%broadcast_in_dim3A_556, %get3A_554] : memref<4x10240xi32, #tpu.memory_space<vmem>>[vector<16xi32>, vector<16xi32>], vector<16xi32>,
        %bitcast3A_558 = vector.bitcast %gather3A_557 : vector<16xi32> to vector<32xbf16>
        %max3A_559 = arith.maximumf %max3A_531, %bitcast3A_558 : vector<32xbf16>
        %broadcast_in_dim3A_560 = arith.constant 1 : i32
        %broadcast_in_dim3A_561 = vector.broadcast %broadcast_in_dim3A_560 : i32 to vector<16xi32>
        %gather3A_562 = tpu.vector_load_idx %arg5[%broadcast_in_dim3A_561, %get3A_554] : memref<4x10240xi32, #tpu.memory_space<vmem>>[vector<16xi32>, vector<16xi32>], vector<16xi32>,
        %bitcast3A_563 = vector.bitcast %gather3A_562 : vector<16xi32> to vector<32xbf16>
        %max3A_564 = arith.maximumf %max3A_536, %bitcast3A_563 : vector<32xbf16>
        %broadcast_in_dim3A_565 = arith.constant 2 : i32
        %broadcast_in_dim3A_566 = vector.broadcast %broadcast_in_dim3A_565 : i32 to vector<16xi32>
        %gather3A_567 = tpu.vector_load_idx %arg5[%broadcast_in_dim3A_566, %get3A_554] : memref<4x10240xi32, #tpu.memory_space<vmem>>[vector<16xi32>, vector<16xi32>], vector<16xi32>,
        %bitcast3A_568 = vector.bitcast %gather3A_567 : vector<16xi32> to vector<32xbf16>
        %max3A_569 = arith.maximumf %max3A_541, %bitcast3A_568 : vector<32xbf16>
        %broadcast_in_dim3A_570 = arith.constant 3 : i32
        %broadcast_in_dim3A_571 = vector.broadcast %broadcast_in_dim3A_570 : i32 to vector<16xi32>
        %gather3A_572 = tpu.vector_load_idx %arg5[%broadcast_in_dim3A_571, %get3A_554] : memref<4x10240xi32, #tpu.memory_space<vmem>>[vector<16xi32>, vector<16xi32>], vector<16xi32>,
        %bitcast3A_573 = vector.bitcast %gather3A_572 : vector<16xi32> to vector<32xbf16>
        %max3A_574 = arith.maximumf %max3A_546, %bitcast3A_573 : vector<32xbf16>
        %mul3A_575 = arith.constant 16 : i32
        %mul3A_576 = arith.muli %scan3A_107, %mul3A_575 : i32
        %get3A_577 = arith.constant 0 : i32
        %get3A_578 = arith.constant 17 : i32
        %get3A_579 = arith.index_cast %get3A_577 : i32 to index
        %get3A_580 = arith.index_cast %get3A_578 : i32 to index
        %get3A_581 = arith.index_cast %mul3A_576 : i32 to index
        %get3A_582 = tpu.vector_load %arg6[%get3A_579, %get3A_580, %get3A_581] {strides = array<i32>} : memref<2x32x640xi32, #tpu.memory_space<vmem>>, vector<16xi32>,
        %broadcast_in_dim3A_583 = arith.constant 0 : i32
        %broadcast_in_dim3A_584 = vector.broadcast %broadcast_in_dim3A_583 : i32 to vector<16xi32>
        %gather3A_585 = tpu.vector_load_idx %arg5[%broadcast_in_dim3A_584, %get3A_582] : memref<4x10240xi32, #tpu.memory_space<vmem>>[vector<16xi32>, vector<16xi32>], vector<16xi32>,
        %bitcast3A_586 = vector.bitcast %gather3A_585 : vector<16xi32> to vector<32xbf16>
        %max3A_587 = arith.maximumf %max3A_559, %bitcast3A_586 : vector<32xbf16>
        %broadcast_in_dim3A_588 = arith.constant 1 : i32
        %broadcast_in_dim3A_589 = vector.broadcast %broadcast_in_dim3A_588 : i32 to vector<16xi32>
        %gather3A_590 = tpu.vector_load_idx %arg5[%broadcast_in_dim3A_589, %get3A_582] : memref<4x10240xi32, #tpu.memory_space<vmem>>[vector<16xi32>, vector<16xi32>], vector<16xi32>,
        %bitcast3A_591 = vector.bitcast %gather3A_590 : vector<16xi32> to vector<32xbf16>
        %max3A_592 = arith.maximumf %max3A_564, %bitcast3A_591 : vector<32xbf16>
        %broadcast_in_dim3A_593 = arith.constant 2 : i32
        %broadcast_in_dim3A_594 = vector.broadcast %broadcast_in_dim3A_593 : i32 to vector<16xi32>
        %gather3A_595 = tpu.vector_load_idx %arg5[%broadcast_in_dim3A_594, %get3A_582] : memref<4x10240xi32, #tpu.memory_space<vmem>>[vector<16xi32>, vector<16xi32>], vector<16xi32>,
        %bitcast3A_596 = vector.bitcast %gather3A_595 : vector<16xi32> to vector<32xbf16>
        %max3A_597 = arith.maximumf %max3A_569, %bitcast3A_596 : vector<32xbf16>
        %broadcast_in_dim3A_598 = arith.constant 3 : i32
        %broadcast_in_dim3A_599 = vector.broadcast %broadcast_in_dim3A_598 : i32 to vector<16xi32>
        %gather3A_600 = tpu.vector_load_idx %arg5[%broadcast_in_dim3A_599, %get3A_582] : memref<4x10240xi32, #tpu.memory_space<vmem>>[vector<16xi32>, vector<16xi32>], vector<16xi32>,
        %bitcast3A_601 = vector.bitcast %gather3A_600 : vector<16xi32> to vector<32xbf16>
        %max3A_602 = arith.maximumf %max3A_574, %bitcast3A_601 : vector<32xbf16>
        %mul3A_603 = arith.constant 16 : i32
        %mul3A_604 = arith.muli %scan3A_107, %mul3A_603 : i32
        %get3A_605 = arith.constant 0 : i32
        %get3A_606 = arith.constant 18 : i32
        %get3A_607 = arith.index_cast %get3A_605 : i32 to index
        %get3A_608 = arith.index_cast %get3A_606 : i32 to index
        %get3A_609 = arith.index_cast %mul3A_604 : i32 to index
        %get3A_610 = tpu.vector_load %arg6[%get3A_607, %get3A_608, %get3A_609] {strides = array<i32>} : memref<2x32x640xi32, #tpu.memory_space<vmem>>, vector<16xi32>,
        %broadcast_in_dim3A_611 = arith.constant 0 : i32
        %broadcast_in_dim3A_612 = vector.broadcast %broadcast_in_dim3A_611 : i32 to vector<16xi32>
        %gather3A_613 = tpu.vector_load_idx %arg5[%broadcast_in_dim3A_612, %get3A_610] : memref<4x10240xi32, #tpu.memory_space<vmem>>[vector<16xi32>, vector<16xi32>], vector<16xi32>,
        %bitcast3A_614 = vector.bitcast %gather3A_613 : vector<16xi32> to vector<32xbf16>
        %max3A_615 = arith.maximumf %max3A_587, %bitcast3A_614 : vector<32xbf16>
        %broadcast_in_dim3A_616 = arith.constant 1 : i32
        %broadcast_in_dim3A_617 = vector.broadcast %broadcast_in_dim3A_616 : i32 to vector<16xi32>
        %gather3A_618 = tpu.vector_load_idx %arg5[%broadcast_in_dim3A_617, %get3A_610] : memref<4x10240xi32, #tpu.memory_space<vmem>>[vector<16xi32>, vector<16xi32>], vector<16xi32>,
        %bitcast3A_619 = vector.bitcast %gather3A_618 : vector<16xi32> to vector<32xbf16>
        %max3A_620 = arith.maximumf %max3A_592, %bitcast3A_619 : vector<32xbf16>
        %broadcast_in_dim3A_621 = arith.constant 2 : i32
        %broadcast_in_dim3A_622 = vector.broadcast %broadcast_in_dim3A_621 : i32 to vector<16xi32>
        %gather3A_623 = tpu.vector_load_idx %arg5[%broadcast_in_dim3A_622, %get3A_610] : memref<4x10240xi32, #tpu.memory_space<vmem>>[vector<16xi32>, vector<16xi32>], vector<16xi32>,
        %bitcast3A_624 = vector.bitcast %gather3A_623 : vector<16xi32> to vector<32xbf16>
        %max3A_625 = arith.maximumf %max3A_597, %bitcast3A_624 : vector<32xbf16>
        %broadcast_in_dim3A_626 = arith.constant 3 : i32
        %broadcast_in_dim3A_627 = vector.broadcast %broadcast_in_dim3A_626 : i32 to vector<16xi32>
        %gather3A_628 = tpu.vector_load_idx %arg5[%broadcast_in_dim3A_627, %get3A_610] : memref<4x10240xi32, #tpu.memory_space<vmem>>[vector<16xi32>, vector<16xi32>], vector<16xi32>,
        %bitcast3A_629 = vector.bitcast %gather3A_628 : vector<16xi32> to vector<32xbf16>
        %max3A_630 = arith.maximumf %max3A_602, %bitcast3A_629 : vector<32xbf16>
        %mul3A_631 = arith.constant 16 : i32
        %mul3A_632 = arith.muli %scan3A_107, %mul3A_631 : i32
        %get3A_633 = arith.constant 0 : i32
        %get3A_634 = arith.constant 19 : i32
        %get3A_635 = arith.index_cast %get3A_633 : i32 to index
        %get3A_636 = arith.index_cast %get3A_634 : i32 to index
        %get3A_637 = arith.index_cast %mul3A_632 : i32 to index
        %get3A_638 = tpu.vector_load %arg6[%get3A_635, %get3A_636, %get3A_637] {strides = array<i32>} : memref<2x32x640xi32, #tpu.memory_space<vmem>>, vector<16xi32>,
        %broadcast_in_dim3A_639 = arith.constant 0 : i32
        %broadcast_in_dim3A_640 = vector.broadcast %broadcast_in_dim3A_639 : i32 to vector<16xi32>
        %gather3A_641 = tpu.vector_load_idx %arg5[%broadcast_in_dim3A_640, %get3A_638] : memref<4x10240xi32, #tpu.memory_space<vmem>>[vector<16xi32>, vector<16xi32>], vector<16xi32>,
        %bitcast3A_642 = vector.bitcast %gather3A_641 : vector<16xi32> to vector<32xbf16>
        %max3A_643 = arith.maximumf %max3A_615, %bitcast3A_642 : vector<32xbf16>
        %broadcast_in_dim3A_644 = arith.constant 1 : i32
        %broadcast_in_dim3A_645 = vector.broadcast %broadcast_in_dim3A_644 : i32 to vector<16xi32>
        %gather3A_646 = tpu.vector_load_idx %arg5[%broadcast_in_dim3A_645, %get3A_638] : memref<4x10240xi32, #tpu.memory_space<vmem>>[vector<16xi32>, vector<16xi32>], vector<16xi32>,
        %bitcast3A_647 = vector.bitcast %gather3A_646 : vector<16xi32> to vector<32xbf16>
        %max3A_648 = arith.maximumf %max3A_620, %bitcast3A_647 : vector<32xbf16>
        %broadcast_in_dim3A_649 = arith.constant 2 : i32
        %broadcast_in_dim3A_650 = vector.broadcast %broadcast_in_dim3A_649 : i32 to vector<16xi32>
        %gather3A_651 = tpu.vector_load_idx %arg5[%broadcast_in_dim3A_650, %get3A_638] : memref<4x10240xi32, #tpu.memory_space<vmem>>[vector<16xi32>, vector<16xi32>], vector<16xi32>,
        %bitcast3A_652 = vector.bitcast %gather3A_651 : vector<16xi32> to vector<32xbf16>
        %max3A_653 = arith.maximumf %max3A_625, %bitcast3A_652 : vector<32xbf16>
        %broadcast_in_dim3A_654 = arith.constant 3 : i32
        %broadcast_in_dim3A_655 = vector.broadcast %broadcast_in_dim3A_654 : i32 to vector<16xi32>
        %gather3A_656 = tpu.vector_load_idx %arg5[%broadcast_in_dim3A_655, %get3A_638] : memref<4x10240xi32, #tpu.memory_space<vmem>>[vector<16xi32>, vector<16xi32>], vector<16xi32>,
        %bitcast3A_657 = vector.bitcast %gather3A_656 : vector<16xi32> to vector<32xbf16>
        %max3A_658 = arith.maximumf %max3A_630, %bitcast3A_657 : vector<32xbf16>
        %mul3A_659 = arith.constant 16 : i32
        %mul3A_660 = arith.muli %scan3A_107, %mul3A_659 : i32
        %get3A_661 = arith.constant 0 : i32
        %get3A_662 = arith.constant 20 : i32
        %get3A_663 = arith.index_cast %get3A_661 : i32 to index
        %get3A_664 = arith.index_cast %get3A_662 : i32 to index
        %get3A_665 = arith.index_cast %mul3A_660 : i32 to index
        %get3A_666 = tpu.vector_load %arg6[%get3A_663, %get3A_664, %get3A_665] {strides = array<i32>} : memref<2x32x640xi32, #tpu.memory_space<vmem>>, vector<16xi32>,
        %broadcast_in_dim3A_667 = arith.constant 0 : i32
        %broadcast_in_dim3A_668 = vector.broadcast %broadcast_in_dim3A_667 : i32 to vector<16xi32>
        %gather3A_669 = tpu.vector_load_idx %arg5[%broadcast_in_dim3A_668, %get3A_666] : memref<4x10240xi32, #tpu.memory_space<vmem>>[vector<16xi32>, vector<16xi32>], vector<16xi32>,
        %bitcast3A_670 = vector.bitcast %gather3A_669 : vector<16xi32> to vector<32xbf16>
        %max3A_671 = arith.maximumf %max3A_643, %bitcast3A_670 : vector<32xbf16>
        %broadcast_in_dim3A_672 = arith.constant 1 : i32
        %broadcast_in_dim3A_673 = vector.broadcast %broadcast_in_dim3A_672 : i32 to vector<16xi32>
        %gather3A_674 = tpu.vector_load_idx %arg5[%broadcast_in_dim3A_673, %get3A_666] : memref<4x10240xi32, #tpu.memory_space<vmem>>[vector<16xi32>, vector<16xi32>], vector<16xi32>,
        %bitcast3A_675 = vector.bitcast %gather3A_674 : vector<16xi32> to vector<32xbf16>
        %max3A_676 = arith.maximumf %max3A_648, %bitcast3A_675 : vector<32xbf16>
        %broadcast_in_dim3A_677 = arith.constant 2 : i32
        %broadcast_in_dim3A_678 = vector.broadcast %broadcast_in_dim3A_677 : i32 to vector<16xi32>
        %gather3A_679 = tpu.vector_load_idx %arg5[%broadcast_in_dim3A_678, %get3A_666] : memref<4x10240xi32, #tpu.memory_space<vmem>>[vector<16xi32>, vector<16xi32>], vector<16xi32>,
        %bitcast3A_680 = vector.bitcast %gather3A_679 : vector<16xi32> to vector<32xbf16>
        %max3A_681 = arith.maximumf %max3A_653, %bitcast3A_680 : vector<32xbf16>
        %broadcast_in_dim3A_682 = arith.constant 3 : i32
        %broadcast_in_dim3A_683 = vector.broadcast %broadcast_in_dim3A_682 : i32 to vector<16xi32>
        %gather3A_684 = tpu.vector_load_idx %arg5[%broadcast_in_dim3A_683, %get3A_666] : memref<4x10240xi32, #tpu.memory_space<vmem>>[vector<16xi32>, vector<16xi32>], vector<16xi32>,
        %bitcast3A_685 = vector.bitcast %gather3A_684 : vector<16xi32> to vector<32xbf16>
        %max3A_686 = arith.maximumf %max3A_658, %bitcast3A_685 : vector<32xbf16>
        %mul3A_687 = arith.constant 16 : i32
        %mul3A_688 = arith.muli %scan3A_107, %mul3A_687 : i32
        %get3A_689 = arith.constant 0 : i32
        %get3A_690 = arith.constant 21 : i32
        %get3A_691 = arith.index_cast %get3A_689 : i32 to index
        %get3A_692 = arith.index_cast %get3A_690 : i32 to index
        %get3A_693 = arith.index_cast %mul3A_688 : i32 to index
        %get3A_694 = tpu.vector_load %arg6[%get3A_691, %get3A_692, %get3A_693] {strides = array<i32>} : memref<2x32x640xi32, #tpu.memory_space<vmem>>, vector<16xi32>,
        %broadcast_in_dim3A_695 = arith.constant 0 : i32
        %broadcast_in_dim3A_696 = vector.broadcast %broadcast_in_dim3A_695 : i32 to vector<16xi32>
        %gather3A_697 = tpu.vector_load_idx %arg5[%broadcast_in_dim3A_696, %get3A_694] : memref<4x10240xi32, #tpu.memory_space<vmem>>[vector<16xi32>, vector<16xi32>], vector<16xi32>,
        %bitcast3A_698 = vector.bitcast %gather3A_697 : vector<16xi32> to vector<32xbf16>
        %max3A_699 = arith.maximumf %max3A_671, %bitcast3A_698 : vector<32xbf16>
        %broadcast_in_dim3A_700 = arith.constant 1 : i32
        %broadcast_in_dim3A_701 = vector.broadcast %broadcast_in_dim3A_700 : i32 to vector<16xi32>
        %gather3A_702 = tpu.vector_load_idx %arg5[%broadcast_in_dim3A_701, %get3A_694] : memref<4x10240xi32, #tpu.memory_space<vmem>>[vector<16xi32>, vector<16xi32>], vector<16xi32>,
        %bitcast3A_703 = vector.bitcast %gather3A_702 : vector<16xi32> to vector<32xbf16>
        %max3A_704 = arith.maximumf %max3A_676, %bitcast3A_703 : vector<32xbf16>
        %broadcast_in_dim3A_705 = arith.constant 2 : i32
        %broadcast_in_dim3A_706 = vector.broadcast %broadcast_in_dim3A_705 : i32 to vector<16xi32>
        %gather3A_707 = tpu.vector_load_idx %arg5[%broadcast_in_dim3A_706, %get3A_694] : memref<4x10240xi32, #tpu.memory_space<vmem>>[vector<16xi32>, vector<16xi32>], vector<16xi32>,
        %bitcast3A_708 = vector.bitcast %gather3A_707 : vector<16xi32> to vector<32xbf16>
        %max3A_709 = arith.maximumf %max3A_681, %bitcast3A_708 : vector<32xbf16>
        %broadcast_in_dim3A_710 = arith.constant 3 : i32
        %broadcast_in_dim3A_711 = vector.broadcast %broadcast_in_dim3A_710 : i32 to vector<16xi32>
        %gather3A_712 = tpu.vector_load_idx %arg5[%broadcast_in_dim3A_711, %get3A_694] : memref<4x10240xi32, #tpu.memory_space<vmem>>[vector<16xi32>, vector<16xi32>], vector<16xi32>,
        %bitcast3A_713 = vector.bitcast %gather3A_712 : vector<16xi32> to vector<32xbf16>
        %max3A_714 = arith.maximumf %max3A_686, %bitcast3A_713 : vector<32xbf16>
        %mul3A_715 = arith.constant 16 : i32
        %mul3A_716 = arith.muli %scan3A_107, %mul3A_715 : i32
        %get3A_717 = arith.constant 0 : i32
        %get3A_718 = arith.constant 22 : i32
        %get3A_719 = arith.index_cast %get3A_717 : i32 to index
        %get3A_720 = arith.index_cast %get3A_718 : i32 to index
        %get3A_721 = arith.index_cast %mul3A_716 : i32 to index
        %get3A_722 = tpu.vector_load %arg6[%get3A_719, %get3A_720, %get3A_721] {strides = array<i32>} : memref<2x32x640xi32, #tpu.memory_space<vmem>>, vector<16xi32>,
        %broadcast_in_dim3A_723 = arith.constant 0 : i32
        %broadcast_in_dim3A_724 = vector.broadcast %broadcast_in_dim3A_723 : i32 to vector<16xi32>
        %gather3A_725 = tpu.vector_load_idx %arg5[%broadcast_in_dim3A_724, %get3A_722] : memref<4x10240xi32, #tpu.memory_space<vmem>>[vector<16xi32>, vector<16xi32>], vector<16xi32>,
        %bitcast3A_726 = vector.bitcast %gather3A_725 : vector<16xi32> to vector<32xbf16>
        %max3A_727 = arith.maximumf %max3A_699, %bitcast3A_726 : vector<32xbf16>
        %broadcast_in_dim3A_728 = arith.constant 1 : i32
        %broadcast_in_dim3A_729 = vector.broadcast %broadcast_in_dim3A_728 : i32 to vector<16xi32>
        %gather3A_730 = tpu.vector_load_idx %arg5[%broadcast_in_dim3A_729, %get3A_722] : memref<4x10240xi32, #tpu.memory_space<vmem>>[vector<16xi32>, vector<16xi32>], vector<16xi32>,
        %bitcast3A_731 = vector.bitcast %gather3A_730 : vector<16xi32> to vector<32xbf16>
        %max3A_732 = arith.maximumf %max3A_704, %bitcast3A_731 : vector<32xbf16>
        %broadcast_in_dim3A_733 = arith.constant 2 : i32
        %broadcast_in_dim3A_734 = vector.broadcast %broadcast_in_dim3A_733 : i32 to vector<16xi32>
        %gather3A_735 = tpu.vector_load_idx %arg5[%broadcast_in_dim3A_734, %get3A_722] : memref<4x10240xi32, #tpu.memory_space<vmem>>[vector<16xi32>, vector<16xi32>], vector<16xi32>,
        %bitcast3A_736 = vector.bitcast %gather3A_735 : vector<16xi32> to vector<32xbf16>
        %max3A_737 = arith.maximumf %max3A_709, %bitcast3A_736 : vector<32xbf16>
        %broadcast_in_dim3A_738 = arith.constant 3 : i32
        %broadcast_in_dim3A_739 = vector.broadcast %broadcast_in_dim3A_738 : i32 to vector<16xi32>
        %gather3A_740 = tpu.vector_load_idx %arg5[%broadcast_in_dim3A_739, %get3A_722] : memref<4x10240xi32, #tpu.memory_space<vmem>>[vector<16xi32>, vector<16xi32>], vector<16xi32>,
        %bitcast3A_741 = vector.bitcast %gather3A_740 : vector<16xi32> to vector<32xbf16>
        %max3A_742 = arith.maximumf %max3A_714, %bitcast3A_741 : vector<32xbf16>
        %mul3A_743 = arith.constant 16 : i32
        %mul3A_744 = arith.muli %scan3A_107, %mul3A_743 : i32
        %get3A_745 = arith.constant 0 : i32
        %get3A_746 = arith.constant 23 : i32
        %get3A_747 = arith.index_cast %get3A_745 : i32 to index
        %get3A_748 = arith.index_cast %get3A_746 : i32 to index
        %get3A_749 = arith.index_cast %mul3A_744 : i32 to index
        %get3A_750 = tpu.vector_load %arg6[%get3A_747, %get3A_748, %get3A_749] {strides = array<i32>} : memref<2x32x640xi32, #tpu.memory_space<vmem>>, vector<16xi32>,
        %broadcast_in_dim3A_751 = arith.constant 0 : i32
        %broadcast_in_dim3A_752 = vector.broadcast %broadcast_in_dim3A_751 : i32 to vector<16xi32>
        %gather3A_753 = tpu.vector_load_idx %arg5[%broadcast_in_dim3A_752, %get3A_750] : memref<4x10240xi32, #tpu.memory_space<vmem>>[vector<16xi32>, vector<16xi32>], vector<16xi32>,
        %bitcast3A_754 = vector.bitcast %gather3A_753 : vector<16xi32> to vector<32xbf16>
        %max3A_755 = arith.maximumf %max3A_727, %bitcast3A_754 : vector<32xbf16>
        %broadcast_in_dim3A_756 = arith.constant 1 : i32
        %broadcast_in_dim3A_757 = vector.broadcast %broadcast_in_dim3A_756 : i32 to vector<16xi32>
        %gather3A_758 = tpu.vector_load_idx %arg5[%broadcast_in_dim3A_757, %get3A_750] : memref<4x10240xi32, #tpu.memory_space<vmem>>[vector<16xi32>, vector<16xi32>], vector<16xi32>,
        %bitcast3A_759 = vector.bitcast %gather3A_758 : vector<16xi32> to vector<32xbf16>
        %max3A_760 = arith.maximumf %max3A_732, %bitcast3A_759 : vector<32xbf16>
        %broadcast_in_dim3A_761 = arith.constant 2 : i32
        %broadcast_in_dim3A_762 = vector.broadcast %broadcast_in_dim3A_761 : i32 to vector<16xi32>
        %gather3A_763 = tpu.vector_load_idx %arg5[%broadcast_in_dim3A_762, %get3A_750] : memref<4x10240xi32, #tpu.memory_space<vmem>>[vector<16xi32>, vector<16xi32>], vector<16xi32>,
        %bitcast3A_764 = vector.bitcast %gather3A_763 : vector<16xi32> to vector<32xbf16>
        %max3A_765 = arith.maximumf %max3A_737, %bitcast3A_764 : vector<32xbf16>
        %broadcast_in_dim3A_766 = arith.constant 3 : i32
        %broadcast_in_dim3A_767 = vector.broadcast %broadcast_in_dim3A_766 : i32 to vector<16xi32>
        %gather3A_768 = tpu.vector_load_idx %arg5[%broadcast_in_dim3A_767, %get3A_750] : memref<4x10240xi32, #tpu.memory_space<vmem>>[vector<16xi32>, vector<16xi32>], vector<16xi32>,
        %bitcast3A_769 = vector.bitcast %gather3A_768 : vector<16xi32> to vector<32xbf16>
        %max3A_770 = arith.maximumf %max3A_742, %bitcast3A_769 : vector<32xbf16>
        %mul3A_771 = arith.constant 16 : i32
        %mul3A_772 = arith.muli %scan3A_107, %mul3A_771 : i32
        %get3A_773 = arith.constant 0 : i32
        %get3A_774 = arith.constant 24 : i32
        %get3A_775 = arith.index_cast %get3A_773 : i32 to index
        %get3A_776 = arith.index_cast %get3A_774 : i32 to index
        %get3A_777 = arith.index_cast %mul3A_772 : i32 to index
        %get3A_778 = tpu.vector_load %arg6[%get3A_775, %get3A_776, %get3A_777] {strides = array<i32>} : memref<2x32x640xi32, #tpu.memory_space<vmem>>, vector<16xi32>,
        %broadcast_in_dim3A_779 = arith.constant 0 : i32
        %broadcast_in_dim3A_780 = vector.broadcast %broadcast_in_dim3A_779 : i32 to vector<16xi32>
        %gather3A_781 = tpu.vector_load_idx %arg5[%broadcast_in_dim3A_780, %get3A_778] : memref<4x10240xi32, #tpu.memory_space<vmem>>[vector<16xi32>, vector<16xi32>], vector<16xi32>,
        %bitcast3A_782 = vector.bitcast %gather3A_781 : vector<16xi32> to vector<32xbf16>
        %max3A_783 = arith.maximumf %max3A_755, %bitcast3A_782 : vector<32xbf16>
        %broadcast_in_dim3A_784 = arith.constant 1 : i32
        %broadcast_in_dim3A_785 = vector.broadcast %broadcast_in_dim3A_784 : i32 to vector<16xi32>
        %gather3A_786 = tpu.vector_load_idx %arg5[%broadcast_in_dim3A_785, %get3A_778] : memref<4x10240xi32, #tpu.memory_space<vmem>>[vector<16xi32>, vector<16xi32>], vector<16xi32>,
        %bitcast3A_787 = vector.bitcast %gather3A_786 : vector<16xi32> to vector<32xbf16>
        %max3A_788 = arith.maximumf %max3A_760, %bitcast3A_787 : vector<32xbf16>
        %broadcast_in_dim3A_789 = arith.constant 2 : i32
        %broadcast_in_dim3A_790 = vector.broadcast %broadcast_in_dim3A_789 : i32 to vector<16xi32>
        %gather3A_791 = tpu.vector_load_idx %arg5[%broadcast_in_dim3A_790, %get3A_778] : memref<4x10240xi32, #tpu.memory_space<vmem>>[vector<16xi32>, vector<16xi32>], vector<16xi32>,
        %bitcast3A_792 = vector.bitcast %gather3A_791 : vector<16xi32> to vector<32xbf16>
        %max3A_793 = arith.maximumf %max3A_765, %bitcast3A_792 : vector<32xbf16>
        %broadcast_in_dim3A_794 = arith.constant 3 : i32
        %broadcast_in_dim3A_795 = vector.broadcast %broadcast_in_dim3A_794 : i32 to vector<16xi32>
        %gather3A_796 = tpu.vector_load_idx %arg5[%broadcast_in_dim3A_795, %get3A_778] : memref<4x10240xi32, #tpu.memory_space<vmem>>[vector<16xi32>, vector<16xi32>], vector<16xi32>,
        %bitcast3A_797 = vector.bitcast %gather3A_796 : vector<16xi32> to vector<32xbf16>
        %max3A_798 = arith.maximumf %max3A_770, %bitcast3A_797 : vector<32xbf16>
        %mul3A_799 = arith.constant 16 : i32
        %mul3A_800 = arith.muli %scan3A_107, %mul3A_799 : i32
        %get3A_801 = arith.constant 0 : i32
        %get3A_802 = arith.constant 25 : i32
        %get3A_803 = arith.index_cast %get3A_801 : i32 to index
        %get3A_804 = arith.index_cast %get3A_802 : i32 to index
        %get3A_805 = arith.index_cast %mul3A_800 : i32 to index
        %get3A_806 = tpu.vector_load %arg6[%get3A_803, %get3A_804, %get3A_805] {strides = array<i32>} : memref<2x32x640xi32, #tpu.memory_space<vmem>>, vector<16xi32>,
        %broadcast_in_dim3A_807 = arith.constant 0 : i32
        %broadcast_in_dim3A_808 = vector.broadcast %broadcast_in_dim3A_807 : i32 to vector<16xi32>
        %gather3A_809 = tpu.vector_load_idx %arg5[%broadcast_in_dim3A_808, %get3A_806] : memref<4x10240xi32, #tpu.memory_space<vmem>>[vector<16xi32>, vector<16xi32>], vector<16xi32>,
        %bitcast3A_810 = vector.bitcast %gather3A_809 : vector<16xi32> to vector<32xbf16>
        %max3A_811 = arith.maximumf %max3A_783, %bitcast3A_810 : vector<32xbf16>
        %broadcast_in_dim3A_812 = arith.constant 1 : i32
        %broadcast_in_dim3A_813 = vector.broadcast %broadcast_in_dim3A_812 : i32 to vector<16xi32>
        %gather3A_814 = tpu.vector_load_idx %arg5[%broadcast_in_dim3A_813, %get3A_806] : memref<4x10240xi32, #tpu.memory_space<vmem>>[vector<16xi32>, vector<16xi32>], vector<16xi32>,
        %bitcast3A_815 = vector.bitcast %gather3A_814 : vector<16xi32> to vector<32xbf16>
        %max3A_816 = arith.maximumf %max3A_788, %bitcast3A_815 : vector<32xbf16>
        %broadcast_in_dim3A_817 = arith.constant 2 : i32
        %broadcast_in_dim3A_818 = vector.broadcast %broadcast_in_dim3A_817 : i32 to vector<16xi32>
        %gather3A_819 = tpu.vector_load_idx %arg5[%broadcast_in_dim3A_818, %get3A_806] : memref<4x10240xi32, #tpu.memory_space<vmem>>[vector<16xi32>, vector<16xi32>], vector<16xi32>,
        %bitcast3A_820 = vector.bitcast %gather3A_819 : vector<16xi32> to vector<32xbf16>
        %max3A_821 = arith.maximumf %max3A_793, %bitcast3A_820 : vector<32xbf16>
        %broadcast_in_dim3A_822 = arith.constant 3 : i32
        %broadcast_in_dim3A_823 = vector.broadcast %broadcast_in_dim3A_822 : i32 to vector<16xi32>
        %gather3A_824 = tpu.vector_load_idx %arg5[%broadcast_in_dim3A_823, %get3A_806] : memref<4x10240xi32, #tpu.memory_space<vmem>>[vector<16xi32>, vector<16xi32>], vector<16xi32>,
        %bitcast3A_825 = vector.bitcast %gather3A_824 : vector<16xi32> to vector<32xbf16>
        %max3A_826 = arith.maximumf %max3A_798, %bitcast3A_825 : vector<32xbf16>
        %mul3A_827 = arith.constant 16 : i32
        %mul3A_828 = arith.muli %scan3A_107, %mul3A_827 : i32
        %get3A_829 = arith.constant 0 : i32
        %get3A_830 = arith.constant 26 : i32
        %get3A_831 = arith.index_cast %get3A_829 : i32 to index
        %get3A_832 = arith.index_cast %get3A_830 : i32 to index
        %get3A_833 = arith.index_cast %mul3A_828 : i32 to index
        %get3A_834 = tpu.vector_load %arg6[%get3A_831, %get3A_832, %get3A_833] {strides = array<i32>} : memref<2x32x640xi32, #tpu.memory_space<vmem>>, vector<16xi32>,
        %broadcast_in_dim3A_835 = arith.constant 0 : i32
        %broadcast_in_dim3A_836 = vector.broadcast %broadcast_in_dim3A_835 : i32 to vector<16xi32>
        %gather3A_837 = tpu.vector_load_idx %arg5[%broadcast_in_dim3A_836, %get3A_834] : memref<4x10240xi32, #tpu.memory_space<vmem>>[vector<16xi32>, vector<16xi32>], vector<16xi32>,
        %bitcast3A_838 = vector.bitcast %gather3A_837 : vector<16xi32> to vector<32xbf16>
        %max3A_839 = arith.maximumf %max3A_811, %bitcast3A_838 : vector<32xbf16>
        %broadcast_in_dim3A_840 = arith.constant 1 : i32
        %broadcast_in_dim3A_841 = vector.broadcast %broadcast_in_dim3A_840 : i32 to vector<16xi32>
        %gather3A_842 = tpu.vector_load_idx %arg5[%broadcast_in_dim3A_841, %get3A_834] : memref<4x10240xi32, #tpu.memory_space<vmem>>[vector<16xi32>, vector<16xi32>], vector<16xi32>,
        %bitcast3A_843 = vector.bitcast %gather3A_842 : vector<16xi32> to vector<32xbf16>
        %max3A_844 = arith.maximumf %max3A_816, %bitcast3A_843 : vector<32xbf16>
        %broadcast_in_dim3A_845 = arith.constant 2 : i32
        %broadcast_in_dim3A_846 = vector.broadcast %broadcast_in_dim3A_845 : i32 to vector<16xi32>
        %gather3A_847 = tpu.vector_load_idx %arg5[%broadcast_in_dim3A_846, %get3A_834] : memref<4x10240xi32, #tpu.memory_space<vmem>>[vector<16xi32>, vector<16xi32>], vector<16xi32>,
        %bitcast3A_848 = vector.bitcast %gather3A_847 : vector<16xi32> to vector<32xbf16>
        %max3A_849 = arith.maximumf %max3A_821, %bitcast3A_848 : vector<32xbf16>
        %broadcast_in_dim3A_850 = arith.constant 3 : i32
        %broadcast_in_dim3A_851 = vector.broadcast %broadcast_in_dim3A_850 : i32 to vector<16xi32>
        %gather3A_852 = tpu.vector_load_idx %arg5[%broadcast_in_dim3A_851, %get3A_834] : memref<4x10240xi32, #tpu.memory_space<vmem>>[vector<16xi32>, vector<16xi32>], vector<16xi32>,
        %bitcast3A_853 = vector.bitcast %gather3A_852 : vector<16xi32> to vector<32xbf16>
        %max3A_854 = arith.maximumf %max3A_826, %bitcast3A_853 : vector<32xbf16>
        %mul3A_855 = arith.constant 16 : i32
        %mul3A_856 = arith.muli %scan3A_107, %mul3A_855 : i32
        %get3A_857 = arith.constant 0 : i32
        %get3A_858 = arith.constant 27 : i32
        %get3A_859 = arith.index_cast %get3A_857 : i32 to index
        %get3A_860 = arith.index_cast %get3A_858 : i32 to index
        %get3A_861 = arith.index_cast %mul3A_856 : i32 to index
        %get3A_862 = tpu.vector_load %arg6[%get3A_859, %get3A_860, %get3A_861] {strides = array<i32>} : memref<2x32x640xi32, #tpu.memory_space<vmem>>, vector<16xi32>,
        %broadcast_in_dim3A_863 = arith.constant 0 : i32
        %broadcast_in_dim3A_864 = vector.broadcast %broadcast_in_dim3A_863 : i32 to vector<16xi32>
        %gather3A_865 = tpu.vector_load_idx %arg5[%broadcast_in_dim3A_864, %get3A_862] : memref<4x10240xi32, #tpu.memory_space<vmem>>[vector<16xi32>, vector<16xi32>], vector<16xi32>,
        %bitcast3A_866 = vector.bitcast %gather3A_865 : vector<16xi32> to vector<32xbf16>
        %max3A_867 = arith.maximumf %max3A_839, %bitcast3A_866 : vector<32xbf16>
        %broadcast_in_dim3A_868 = arith.constant 1 : i32
        %broadcast_in_dim3A_869 = vector.broadcast %broadcast_in_dim3A_868 : i32 to vector<16xi32>
        %gather3A_870 = tpu.vector_load_idx %arg5[%broadcast_in_dim3A_869, %get3A_862] : memref<4x10240xi32, #tpu.memory_space<vmem>>[vector<16xi32>, vector<16xi32>], vector<16xi32>,
        %bitcast3A_871 = vector.bitcast %gather3A_870 : vector<16xi32> to vector<32xbf16>
        %max3A_872 = arith.maximumf %max3A_844, %bitcast3A_871 : vector<32xbf16>
        %broadcast_in_dim3A_873 = arith.constant 2 : i32
        %broadcast_in_dim3A_874 = vector.broadcast %broadcast_in_dim3A_873 : i32 to vector<16xi32>
        %gather3A_875 = tpu.vector_load_idx %arg5[%broadcast_in_dim3A_874, %get3A_862] : memref<4x10240xi32, #tpu.memory_space<vmem>>[vector<16xi32>, vector<16xi32>], vector<16xi32>,
        %bitcast3A_876 = vector.bitcast %gather3A_875 : vector<16xi32> to vector<32xbf16>
        %max3A_877 = arith.maximumf %max3A_849, %bitcast3A_876 : vector<32xbf16>
        %broadcast_in_dim3A_878 = arith.constant 3 : i32
        %broadcast_in_dim3A_879 = vector.broadcast %broadcast_in_dim3A_878 : i32 to vector<16xi32>
        %gather3A_880 = tpu.vector_load_idx %arg5[%broadcast_in_dim3A_879, %get3A_862] : memref<4x10240xi32, #tpu.memory_space<vmem>>[vector<16xi32>, vector<16xi32>], vector<16xi32>,
        %bitcast3A_881 = vector.bitcast %gather3A_880 : vector<16xi32> to vector<32xbf16>
        %max3A_882 = arith.maximumf %max3A_854, %bitcast3A_881 : vector<32xbf16>
        %mul3A_883 = arith.constant 16 : i32
        %mul3A_884 = arith.muli %scan3A_107, %mul3A_883 : i32
        %get3A_885 = arith.constant 0 : i32
        %get3A_886 = arith.constant 28 : i32
        %get3A_887 = arith.index_cast %get3A_885 : i32 to index
        %get3A_888 = arith.index_cast %get3A_886 : i32 to index
        %get3A_889 = arith.index_cast %mul3A_884 : i32 to index
        %get3A_890 = tpu.vector_load %arg6[%get3A_887, %get3A_888, %get3A_889] {strides = array<i32>} : memref<2x32x640xi32, #tpu.memory_space<vmem>>, vector<16xi32>,
        %broadcast_in_dim3A_891 = arith.constant 0 : i32
        %broadcast_in_dim3A_892 = vector.broadcast %broadcast_in_dim3A_891 : i32 to vector<16xi32>
        %gather3A_893 = tpu.vector_load_idx %arg5[%broadcast_in_dim3A_892, %get3A_890] : memref<4x10240xi32, #tpu.memory_space<vmem>>[vector<16xi32>, vector<16xi32>], vector<16xi32>,
        %bitcast3A_894 = vector.bitcast %gather3A_893 : vector<16xi32> to vector<32xbf16>
        %max3A_895 = arith.maximumf %max3A_867, %bitcast3A_894 : vector<32xbf16>
        %broadcast_in_dim3A_896 = arith.constant 1 : i32
        %broadcast_in_dim3A_897 = vector.broadcast %broadcast_in_dim3A_896 : i32 to vector<16xi32>
        %gather3A_898 = tpu.vector_load_idx %arg5[%broadcast_in_dim3A_897, %get3A_890] : memref<4x10240xi32, #tpu.memory_space<vmem>>[vector<16xi32>, vector<16xi32>], vector<16xi32>,
        %bitcast3A_899 = vector.bitcast %gather3A_898 : vector<16xi32> to vector<32xbf16>
        %max3A_900 = arith.maximumf %max3A_872, %bitcast3A_899 : vector<32xbf16>
        %broadcast_in_dim3A_901 = arith.constant 2 : i32
        %broadcast_in_dim3A_902 = vector.broadcast %broadcast_in_dim3A_901 : i32 to vector<16xi32>
        %gather3A_903 = tpu.vector_load_idx %arg5[%broadcast_in_dim3A_902, %get3A_890] : memref<4x10240xi32, #tpu.memory_space<vmem>>[vector<16xi32>, vector<16xi32>], vector<16xi32>,
        %bitcast3A_904 = vector.bitcast %gather3A_903 : vector<16xi32> to vector<32xbf16>
        %max3A_905 = arith.maximumf %max3A_877, %bitcast3A_904 : vector<32xbf16>
        %broadcast_in_dim3A_906 = arith.constant 3 : i32
        %broadcast_in_dim3A_907 = vector.broadcast %broadcast_in_dim3A_906 : i32 to vector<16xi32>
        %gather3A_908 = tpu.vector_load_idx %arg5[%broadcast_in_dim3A_907, %get3A_890] : memref<4x10240xi32, #tpu.memory_space<vmem>>[vector<16xi32>, vector<16xi32>], vector<16xi32>,
        %bitcast3A_909 = vector.bitcast %gather3A_908 : vector<16xi32> to vector<32xbf16>
        %max3A_910 = arith.maximumf %max3A_882, %bitcast3A_909 : vector<32xbf16>
        %mul3A_911 = arith.constant 16 : i32
        %mul3A_912 = arith.muli %scan3A_107, %mul3A_911 : i32
        %get3A_913 = arith.constant 0 : i32
        %get3A_914 = arith.constant 29 : i32
        %get3A_915 = arith.index_cast %get3A_913 : i32 to index
        %get3A_916 = arith.index_cast %get3A_914 : i32 to index
        %get3A_917 = arith.index_cast %mul3A_912 : i32 to index
        %get3A_918 = tpu.vector_load %arg6[%get3A_915, %get3A_916, %get3A_917] {strides = array<i32>} : memref<2x32x640xi32, #tpu.memory_space<vmem>>, vector<16xi32>,
        %broadcast_in_dim3A_919 = arith.constant 0 : i32
        %broadcast_in_dim3A_920 = vector.broadcast %broadcast_in_dim3A_919 : i32 to vector<16xi32>
        %gather3A_921 = tpu.vector_load_idx %arg5[%broadcast_in_dim3A_920, %get3A_918] : memref<4x10240xi32, #tpu.memory_space<vmem>>[vector<16xi32>, vector<16xi32>], vector<16xi32>,
        %bitcast3A_922 = vector.bitcast %gather3A_921 : vector<16xi32> to vector<32xbf16>
        %max3A_923 = arith.maximumf %max3A_895, %bitcast3A_922 : vector<32xbf16>
        %broadcast_in_dim3A_924 = arith.constant 1 : i32
        %broadcast_in_dim3A_925 = vector.broadcast %broadcast_in_dim3A_924 : i32 to vector<16xi32>
        %gather3A_926 = tpu.vector_load_idx %arg5[%broadcast_in_dim3A_925, %get3A_918] : memref<4x10240xi32, #tpu.memory_space<vmem>>[vector<16xi32>, vector<16xi32>], vector<16xi32>,
        %bitcast3A_927 = vector.bitcast %gather3A_926 : vector<16xi32> to vector<32xbf16>
        %max3A_928 = arith.maximumf %max3A_900, %bitcast3A_927 : vector<32xbf16>
        %broadcast_in_dim3A_929 = arith.constant 2 : i32
        %broadcast_in_dim3A_930 = vector.broadcast %broadcast_in_dim3A_929 : i32 to vector<16xi32>
        %gather3A_931 = tpu.vector_load_idx %arg5[%broadcast_in_dim3A_930, %get3A_918] : memref<4x10240xi32, #tpu.memory_space<vmem>>[vector<16xi32>, vector<16xi32>], vector<16xi32>,
        %bitcast3A_932 = vector.bitcast %gather3A_931 : vector<16xi32> to vector<32xbf16>
        %max3A_933 = arith.maximumf %max3A_905, %bitcast3A_932 : vector<32xbf16>
        %broadcast_in_dim3A_934 = arith.constant 3 : i32
        %broadcast_in_dim3A_935 = vector.broadcast %broadcast_in_dim3A_934 : i32 to vector<16xi32>
        %gather3A_936 = tpu.vector_load_idx %arg5[%broadcast_in_dim3A_935, %get3A_918] : memref<4x10240xi32, #tpu.memory_space<vmem>>[vector<16xi32>, vector<16xi32>], vector<16xi32>,
        %bitcast3A_937 = vector.bitcast %gather3A_936 : vector<16xi32> to vector<32xbf16>
        %max3A_938 = arith.maximumf %max3A_910, %bitcast3A_937 : vector<32xbf16>
        %mul3A_939 = arith.constant 16 : i32
        %mul3A_940 = arith.muli %scan3A_107, %mul3A_939 : i32
        %get3A_941 = arith.constant 0 : i32
        %get3A_942 = arith.constant 30 : i32
        %get3A_943 = arith.index_cast %get3A_941 : i32 to index
        %get3A_944 = arith.index_cast %get3A_942 : i32 to index
        %get3A_945 = arith.index_cast %mul3A_940 : i32 to index
        %get3A_946 = tpu.vector_load %arg6[%get3A_943, %get3A_944, %get3A_945] {strides = array<i32>} : memref<2x32x640xi32, #tpu.memory_space<vmem>>, vector<16xi32>,
        %broadcast_in_dim3A_947 = arith.constant 0 : i32
        %broadcast_in_dim3A_948 = vector.broadcast %broadcast_in_dim3A_947 : i32 to vector<16xi32>
        %gather3A_949 = tpu.vector_load_idx %arg5[%broadcast_in_dim3A_948, %get3A_946] : memref<4x10240xi32, #tpu.memory_space<vmem>>[vector<16xi32>, vector<16xi32>], vector<16xi32>,
        %bitcast3A_950 = vector.bitcast %gather3A_949 : vector<16xi32> to vector<32xbf16>
        %max3A_951 = arith.maximumf %max3A_923, %bitcast3A_950 : vector<32xbf16>
        %broadcast_in_dim3A_952 = arith.constant 1 : i32
        %broadcast_in_dim3A_953 = vector.broadcast %broadcast_in_dim3A_952 : i32 to vector<16xi32>
        %gather3A_954 = tpu.vector_load_idx %arg5[%broadcast_in_dim3A_953, %get3A_946] : memref<4x10240xi32, #tpu.memory_space<vmem>>[vector<16xi32>, vector<16xi32>], vector<16xi32>,
        %bitcast3A_955 = vector.bitcast %gather3A_954 : vector<16xi32> to vector<32xbf16>
        %max3A_956 = arith.maximumf %max3A_928, %bitcast3A_955 : vector<32xbf16>
        %broadcast_in_dim3A_957 = arith.constant 2 : i32
        %broadcast_in_dim3A_958 = vector.broadcast %broadcast_in_dim3A_957 : i32 to vector<16xi32>
        %gather3A_959 = tpu.vector_load_idx %arg5[%broadcast_in_dim3A_958, %get3A_946] : memref<4x10240xi32, #tpu.memory_space<vmem>>[vector<16xi32>, vector<16xi32>], vector<16xi32>,
        %bitcast3A_960 = vector.bitcast %gather3A_959 : vector<16xi32> to vector<32xbf16>
        %max3A_961 = arith.maximumf %max3A_933, %bitcast3A_960 : vector<32xbf16>
        %broadcast_in_dim3A_962 = arith.constant 3 : i32
        %broadcast_in_dim3A_963 = vector.broadcast %broadcast_in_dim3A_962 : i32 to vector<16xi32>
        %gather3A_964 = tpu.vector_load_idx %arg5[%broadcast_in_dim3A_963, %get3A_946] : memref<4x10240xi32, #tpu.memory_space<vmem>>[vector<16xi32>, vector<16xi32>], vector<16xi32>,
        %bitcast3A_965 = vector.bitcast %gather3A_964 : vector<16xi32> to vector<32xbf16>
        %max3A_966 = arith.maximumf %max3A_938, %bitcast3A_965 : vector<32xbf16>
        %mul3A_967 = arith.constant 16 : i32
        %mul3A_968 = arith.muli %scan3A_107, %mul3A_967 : i32
        %get3A_969 = arith.constant 0 : i32
        %get3A_970 = arith.constant 31 : i32
        %get3A_971 = arith.index_cast %get3A_969 : i32 to index
        %get3A_972 = arith.index_cast %get3A_970 : i32 to index
        %get3A_973 = arith.index_cast %mul3A_968 : i32 to index
        %get3A_974 = tpu.vector_load %arg6[%get3A_971, %get3A_972, %get3A_973] {strides = array<i32>} : memref<2x32x640xi32, #tpu.memory_space<vmem>>, vector<16xi32>,
        %broadcast_in_dim3A_975 = arith.constant 0 : i32
        %broadcast_in_dim3A_976 = vector.broadcast %broadcast_in_dim3A_975 : i32 to vector<16xi32>
        %gather3A_977 = tpu.vector_load_idx %arg5[%broadcast_in_dim3A_976, %get3A_974] : memref<4x10240xi32, #tpu.memory_space<vmem>>[vector<16xi32>, vector<16xi32>], vector<16xi32>,
        %bitcast3A_978 = vector.bitcast %gather3A_977 : vector<16xi32> to vector<32xbf16>
        %max3A_979 = arith.maximumf %max3A_951, %bitcast3A_978 : vector<32xbf16>
        %broadcast_in_dim3A_980 = arith.constant 1 : i32
        %broadcast_in_dim3A_981 = vector.broadcast %broadcast_in_dim3A_980 : i32 to vector<16xi32>
        %gather3A_982 = tpu.vector_load_idx %arg5[%broadcast_in_dim3A_981, %get3A_974] : memref<4x10240xi32, #tpu.memory_space<vmem>>[vector<16xi32>, vector<16xi32>], vector<16xi32>,
        %bitcast3A_983 = vector.bitcast %gather3A_982 : vector<16xi32> to vector<32xbf16>
        %max3A_984 = arith.maximumf %max3A_956, %bitcast3A_983 : vector<32xbf16>
        %broadcast_in_dim3A_985 = arith.constant 2 : i32
        %broadcast_in_dim3A_986 = vector.broadcast %broadcast_in_dim3A_985 : i32 to vector<16xi32>
        %gather3A_987 = tpu.vector_load_idx %arg5[%broadcast_in_dim3A_986, %get3A_974] : memref<4x10240xi32, #tpu.memory_space<vmem>>[vector<16xi32>, vector<16xi32>], vector<16xi32>,
        %bitcast3A_988 = vector.bitcast %gather3A_987 : vector<16xi32> to vector<32xbf16>
        %max3A_989 = arith.maximumf %max3A_961, %bitcast3A_988 : vector<32xbf16>
        %broadcast_in_dim3A_990 = arith.constant 3 : i32
        %broadcast_in_dim3A_991 = vector.broadcast %broadcast_in_dim3A_990 : i32 to vector<16xi32>
        %gather3A_992 = tpu.vector_load_idx %arg5[%broadcast_in_dim3A_991, %get3A_974] : memref<4x10240xi32, #tpu.memory_space<vmem>>[vector<16xi32>, vector<16xi32>], vector<16xi32>,
        %bitcast3A_993 = vector.bitcast %gather3A_992 : vector<16xi32> to vector<32xbf16>
        %max3A_994 = arith.maximumf %max3A_966, %bitcast3A_993 : vector<32xbf16>
        %bitcast3A_995 = vector.bitcast %max3A_979 : vector<32xbf16> to vector<16xi32>
        %mul3A_996 = arith.constant 640 : i32
        %mul3A_997 = arith.muli %add3A_46, %mul3A_996 : i32
        %mul3A_998 = arith.constant 16 : i32
        %mul3A_999 = arith.muli %scan3A_107, %mul3A_998 : i32
        %add3A_1000 = arith.addi %mul3A_997, %mul3A_999 : i32
        %swap3A = arith.constant 0 : i32
        %swap3A_1001 = arith.index_cast %swap3A : i32 to index
        %swap3A_1002 = arith.index_cast %add3A_1000 : i32 to index
        %swap3A_1003 = tpu.vector_load %arg7[%swap3A_1001, %swap3A_1002] {strides = array<i32>} : memref<4x5120xi32, #tpu.memory_space<vmem>>, vector<16xi32>,
        tpu.vector_store %arg7[%swap3A_1001, %swap3A_1002], %bitcast3A_995 {strides = array<i32>} : memref<4x5120xi32, #tpu.memory_space<vmem>>, vector<16xi32>,
        %bitcast3A_1004 = vector.bitcast %max3A_984 : vector<32xbf16> to vector<16xi32>
        %mul3A_1005 = arith.constant 640 : i32
        %mul3A_1006 = arith.muli %add3A_46, %mul3A_1005 : i32
        %mul3A_1007 = arith.constant 16 : i32
        %mul3A_1008 = arith.muli %scan3A_107, %mul3A_1007 : i32
        %add3A_1009 = arith.addi %mul3A_1006, %mul3A_1008 : i32
        %swap3A_1010 = arith.constant 1 : i32
        %swap3A_1011 = arith.index_cast %swap3A_1010 : i32 to index
        %swap3A_1012 = arith.index_cast %add3A_1009 : i32 to index
        %swap3A_1013 = tpu.vector_load %arg7[%swap3A_1011, %swap3A_1012] {strides = array<i32>} : memref<4x5120xi32, #tpu.memory_space<vmem>>, vector<16xi32>,
        tpu.vector_store %arg7[%swap3A_1011, %swap3A_1012], %bitcast3A_1004 {strides = array<i32>} : memref<4x5120xi32, #tpu.memory_space<vmem>>, vector<16xi32>,
        %bitcast3A_1014 = vector.bitcast %max3A_989 : vector<32xbf16> to vector<16xi32>
        %mul3A_1015 = arith.constant 640 : i32
        %mul3A_1016 = arith.muli %add3A_46, %mul3A_1015 : i32
        %mul3A_1017 = arith.constant 16 : i32
        %mul3A_1018 = arith.muli %scan3A_107, %mul3A_1017 : i32
        %add3A_1019 = arith.addi %mul3A_1016, %mul3A_1018 : i32
        %swap3A_1020 = arith.constant 2 : i32
        %swap3A_1021 = arith.index_cast %swap3A_1020 : i32 to index
        %swap3A_1022 = arith.index_cast %add3A_1019 : i32 to index
        %swap3A_1023 = tpu.vector_load %arg7[%swap3A_1021, %swap3A_1022] {strides = array<i32>} : memref<4x5120xi32, #tpu.memory_space<vmem>>, vector<16xi32>,
        tpu.vector_store %arg7[%swap3A_1021, %swap3A_1022], %bitcast3A_1014 {strides = array<i32>} : memref<4x5120xi32, #tpu.memory_space<vmem>>, vector<16xi32>,
        %bitcast3A_1024 = vector.bitcast %max3A_994 : vector<32xbf16> to vector<16xi32>
        %mul3A_1025 = arith.constant 640 : i32
        %mul3A_1026 = arith.muli %add3A_46, %mul3A_1025 : i32
        %mul3A_1027 = arith.constant 16 : i32
        %mul3A_1028 = arith.muli %scan3A_107, %mul3A_1027 : i32
        %add3A_1029 = arith.addi %mul3A_1026, %mul3A_1028 : i32
        %swap3A_1030 = arith.constant 3 : i32
        %swap3A_1031 = arith.index_cast %swap3A_1030 : i32 to index
        %swap3A_1032 = arith.index_cast %add3A_1029 : i32 to index
        %swap3A_1033 = tpu.vector_load %arg7[%swap3A_1031, %swap3A_1032] {strides = array<i32>} : memref<4x5120xi32, #tpu.memory_space<vmem>>, vector<16xi32>,
        tpu.vector_store %arg7[%swap3A_1031, %swap3A_1032], %bitcast3A_1024 {strides = array<i32>} : memref<4x5120xi32, #tpu.memory_space<vmem>>, vector<16xi32>,
      }
      %scan3A_68 = arith.constant 40 : i32
      %add3A_69 = arith.constant 2 : i32
      %add3A_70 = arith.addi %add3A_46, %add3A_69 : i32
      %lt3A = arith.constant 8 : i32
      %lt3A_71 = arith.cmpi slt, %add3A_70, %lt3A : i32
      %convert_element_type3A = arith.extui %lt3A_71 : i1 to i32
      %cond3A = arith.constant 0 : i32
      %cond3A_72 = arith.cmpi ne, %convert_element_type3A, %cond3A : i32
      scf.if %cond3A_72 {
        %add3A_107 = arith.constant 2 : i32
        %add3A_108 = arith.addi %add3A_46, %add3A_107 : i32
        %dma_start3A_109 = arith.constant 0 : i32
        %dma_start3A_110 = arith.constant 0 : i32
        %dma_start3A_111 = arith.constant 0 : i32
        %dma_start3A_112 = tpu.memref_slice %arg6[%dma_start3A_109, %dma_start3A_110, %dma_start3A_111] : memref<2x32x640xi32, #tpu.memory_space<vmem>> -> memref<1x32x640xi32, #tpu.memory_space<vmem>>
        %dma_start3A_113 = tpu.memref_squeeze %dma_start3A_112 : memref<1x32x640xi32, #tpu.memory_space<vmem>> -> memref<32x640xi32, #tpu.memory_space<vmem>>
        %dma_start3A_114 = arith.constant 0 : i32
        %dma_start3A_115 = arith.constant 0 : i32
        %dma_start3A_116 = tpu.memref_slice %arg3[%arg0, %add3A_108, %dma_start3A_114, %dma_start3A_115] : memref<2x8x32x640xi32, #tpu.memory_space<hbm>> -> memref<1x1x32x640xi32, #tpu.memory_space<hbm>>
        %dma_start3A_117 = tpu.memref_squeeze %dma_start3A_116 : memref<1x1x32x640xi32, #tpu.memory_space<hbm>> -> memref<32x640xi32, #tpu.memory_space<hbm>>
        %dma_start3A_118 = arith.constant 0 : i32
        %dma_start3A_119 = arith.constant 0 : i32
        %dma_start3A_120 = tpu.memref_slice %arg6[%dma_start3A_109, %dma_start3A_118, %dma_start3A_119] : memref<2x32x640xi32, #tpu.memory_space<vmem>> -> memref<1x32x640xi32, #tpu.memory_space<vmem>>
        %dma_start3A_121 = tpu.memref_squeeze %dma_start3A_120 : memref<1x32x640xi32, #tpu.memory_space<vmem>> -> memref<32x640xi32, #tpu.memory_space<vmem>>
        %dma_start3A_122 = arith.constant 0 : i32
        %dma_start3A_123 = arith.constant 0 : i32
        %dma_start3A_124 = tpu.memref_slice %arg3[%arg0, %add3A_108, %dma_start3A_122, %dma_start3A_123] : memref<2x8x32x640xi32, #tpu.memory_space<hbm>> -> memref<1x1x32x640xi32, #tpu.memory_space<hbm>>
        %dma_start3A_125 = tpu.memref_squeeze %dma_start3A_124 : memref<1x1x32x640xi32, #tpu.memory_space<hbm>> -> memref<32x640xi32, #tpu.memory_space<hbm>>
        tpu.enqueue_dma source(%dma_start3A_125 : memref<32x640xi32, #tpu.memory_space<hbm>>) target(%dma_start3A_121 : memref<32x640xi32, #tpu.memory_space<vmem>>) target_semaphore(%arg8 : memref<!tpu.dma_semaphore, #tpu.memory_space<semaphore_mem>>)
      } else {
      }
      %mul3A_73 = arith.constant 2 : i32
      %mul3A_74 = arith.muli %scan3A_43, %mul3A_73 : i32
      %add3A_75 = arith.constant 1 : i32
      %add3A_76 = arith.addi %mul3A_74, %add3A_75 : i32
      %dma_wait3A_77 = arith.constant 1 : i32
      %dma_wait3A_78 = arith.constant 0 : i32
      %dma_wait3A_79 = arith.constant 0 : i32
      %dma_wait3A_80 = tpu.memref_slice %arg6[%dma_wait3A_77, %dma_wait3A_78, %dma_wait3A_79] : memref<2x32x640xi32, #tpu.memory_space<vmem>> -> memref<1x32x640xi32, #tpu.memory_space<vmem>>
      %dma_wait3A_81 = tpu.memref_squeeze %dma_wait3A_80 : memref<1x32x640xi32, #tpu.memory_space<vmem>> -> memref<32x640xi32, #tpu.memory_space<vmem>>
      %dma_wait3A_82 = arith.constant 0 : i32
      %dma_wait3A_83 = arith.constant 0 : i32
      %dma_wait3A_84 = tpu.memref_slice %arg3[%arg0, %add3A_76, %dma_wait3A_82, %dma_wait3A_83] : memref<2x8x32x640xi32, #tpu.memory_space<hbm>> -> memref<1x1x32x640xi32, #tpu.memory_space<hbm>>
      %dma_wait3A_85 = tpu.memref_squeeze %dma_wait3A_84 : memref<1x1x32x640xi32, #tpu.memory_space<hbm>> -> memref<32x640xi32, #tpu.memory_space<hbm>>
      %dma_wait3A_86 = arith.constant 0 : i32
      %dma_wait3A_87 = arith.constant 0 : i32
      %dma_wait3A_88 = tpu.memref_slice %arg6[%dma_wait3A_77, %dma_wait3A_86, %dma_wait3A_87] : memref<2x32x640xi32, #tpu.memory_space<vmem>> -> memref<1x32x640xi32, #tpu.memory_space<vmem>>
      %dma_wait3A_89 = tpu.memref_squeeze %dma_wait3A_88 : memref<1x32x640xi32, #tpu.memory_space<vmem>> -> memref<32x640xi32, #tpu.memory_space<vmem>>
      %dma_wait3A_90 = arith.constant 0 : i32
      %dma_wait3A_91 = arith.constant 0 : i32
      %dma_wait3A_92 = tpu.memref_slice %arg3[%arg0, %add3A_76, %dma_wait3A_90, %dma_wait3A_91] : memref<2x8x32x640xi32, #tpu.memory_space<hbm>> -> memref<1x1x32x640xi32, #tpu.memory_space<hbm>>
      %dma_wait3A_93 = tpu.memref_squeeze %dma_wait3A_92 : memref<1x1x32x640xi32, #tpu.memory_space<hbm>> -> memref<32x640xi32, #tpu.memory_space<hbm>>
      tpu.wait_dma2 semaphore(%arg9 : memref<!tpu.dma_semaphore, #tpu.memory_space<semaphore_mem>>) src(%dma_wait3A_93 : memref<32x640xi32, #tpu.memory_space<hbm>>) dst(%dma_wait3A_89 : memref<32x640xi32, #tpu.memory_space<vmem>>)
      %scan3A_94 = arith.constant 0 : i32
      %scan3A_95 = arith.constant 0 : i32
      %scan3A_96 = arith.constant 40 : i32
      %scan3A_97 = arith.addi %scan3A_95, %scan3A_96 : i32
      %scan3A_98 = arith.constant 1 : i32
      scf.for %scan3A_107 = %scan3A_95 to %scan3A_97 step %scan3A_98  : i32 {
        %mul3A_108 = arith.constant 16 : i32
        %mul3A_109 = arith.muli %scan3A_107, %mul3A_108 : i32
        %get3A = arith.constant 1 : i32
        %get3A_110 = arith.constant 0 : i32
        %get3A_111 = arith.index_cast %get3A : i32 to index
        %get3A_112 = arith.index_cast %get3A_110 : i32 to index
        %get3A_113 = arith.index_cast %mul3A_109 : i32 to index
        %get3A_114 = tpu.vector_load %arg6[%get3A_111, %get3A_112, %get3A_113] {strides = array<i32>} : memref<2x32x640xi32, #tpu.memory_space<vmem>>, vector<16xi32>,
        %broadcast_in_dim3A = arith.constant 0 : i32
        %broadcast_in_dim3A_115 = vector.broadcast %broadcast_in_dim3A : i32 to vector<16xi32>
        %gather3A = tpu.vector_load_idx %arg5[%broadcast_in_dim3A_115, %get3A_114] : memref<4x10240xi32, #tpu.memory_space<vmem>>[vector<16xi32>, vector<16xi32>], vector<16xi32>,
        %bitcast3A = vector.bitcast %gather3A : vector<16xi32> to vector<32xbf16>
        %broadcast_in_dim3A_116 = arith.constant 1 : i32
        %broadcast_in_dim3A_117 = vector.broadcast %broadcast_in_dim3A_116 : i32 to vector<16xi32>
        %gather3A_118 = tpu.vector_load_idx %arg5[%broadcast_in_dim3A_117, %get3A_114] : memref<4x10240xi32, #tpu.memory_space<vmem>>[vector<16xi32>, vector<16xi32>], vector<16xi32>,
        %bitcast3A_119 = vector.bitcast %gather3A_118 : vector<16xi32> to vector<32xbf16>
        %broadcast_in_dim3A_120 = arith.constant 2 : i32
        %broadcast_in_dim3A_121 = vector.broadcast %broadcast_in_dim3A_120 : i32 to vector<16xi32>
        %gather3A_122 = tpu.vector_load_idx %arg5[%broadcast_in_dim3A_121, %get3A_114] : memref<4x10240xi32, #tpu.memory_space<vmem>>[vector<16xi32>, vector<16xi32>], vector<16xi32>,
        %bitcast3A_123 = vector.bitcast %gather3A_122 : vector<16xi32> to vector<32xbf16>
        %broadcast_in_dim3A_124 = arith.constant 3 : i32
        %broadcast_in_dim3A_125 = vector.broadcast %broadcast_in_dim3A_124 : i32 to vector<16xi32>
        %gather3A_126 = tpu.vector_load_idx %arg5[%broadcast_in_dim3A_125, %get3A_114] : memref<4x10240xi32, #tpu.memory_space<vmem>>[vector<16xi32>, vector<16xi32>], vector<16xi32>,
        %bitcast3A_127 = vector.bitcast %gather3A_126 : vector<16xi32> to vector<32xbf16>
        %mul3A_128 = arith.constant 16 : i32
        %mul3A_129 = arith.muli %scan3A_107, %mul3A_128 : i32
        %get3A_130 = arith.constant 1 : i32
        %get3A_131 = arith.constant 1 : i32
        %get3A_132 = arith.index_cast %get3A_130 : i32 to index
        %get3A_133 = arith.index_cast %get3A_131 : i32 to index
        %get3A_134 = arith.index_cast %mul3A_129 : i32 to index
        %get3A_135 = tpu.vector_load %arg6[%get3A_132, %get3A_133, %get3A_134] {strides = array<i32>} : memref<2x32x640xi32, #tpu.memory_space<vmem>>, vector<16xi32>,
        %broadcast_in_dim3A_136 = arith.constant 0 : i32
        %broadcast_in_dim3A_137 = vector.broadcast %broadcast_in_dim3A_136 : i32 to vector<16xi32>
        %gather3A_138 = tpu.vector_load_idx %arg5[%broadcast_in_dim3A_137, %get3A_135] : memref<4x10240xi32, #tpu.memory_space<vmem>>[vector<16xi32>, vector<16xi32>], vector<16xi32>,
        %bitcast3A_139 = vector.bitcast %gather3A_138 : vector<16xi32> to vector<32xbf16>
        %max3A = arith.maximumf %bitcast3A, %bitcast3A_139 : vector<32xbf16>
        %broadcast_in_dim3A_140 = arith.constant 1 : i32
        %broadcast_in_dim3A_141 = vector.broadcast %broadcast_in_dim3A_140 : i32 to vector<16xi32>
        %gather3A_142 = tpu.vector_load_idx %arg5[%broadcast_in_dim3A_141, %get3A_135] : memref<4x10240xi32, #tpu.memory_space<vmem>>[vector<16xi32>, vector<16xi32>], vector<16xi32>,
        %bitcast3A_143 = vector.bitcast %gather3A_142 : vector<16xi32> to vector<32xbf16>
        %max3A_144 = arith.maximumf %bitcast3A_119, %bitcast3A_143 : vector<32xbf16>
        %broadcast_in_dim3A_145 = arith.constant 2 : i32
        %broadcast_in_dim3A_146 = vector.broadcast %broadcast_in_dim3A_145 : i32 to vector<16xi32>
        %gather3A_147 = tpu.vector_load_idx %arg5[%broadcast_in_dim3A_146, %get3A_135] : memref<4x10240xi32, #tpu.memory_space<vmem>>[vector<16xi32>, vector<16xi32>], vector<16xi32>,
        %bitcast3A_148 = vector.bitcast %gather3A_147 : vector<16xi32> to vector<32xbf16>
        %max3A_149 = arith.maximumf %bitcast3A_123, %bitcast3A_148 : vector<32xbf16>
        %broadcast_in_dim3A_150 = arith.constant 3 : i32
        %broadcast_in_dim3A_151 = vector.broadcast %broadcast_in_dim3A_150 : i32 to vector<16xi32>
        %gather3A_152 = tpu.vector_load_idx %arg5[%broadcast_in_dim3A_151, %get3A_135] : memref<4x10240xi32, #tpu.memory_space<vmem>>[vector<16xi32>, vector<16xi32>], vector<16xi32>,
        %bitcast3A_153 = vector.bitcast %gather3A_152 : vector<16xi32> to vector<32xbf16>
        %max3A_154 = arith.maximumf %bitcast3A_127, %bitcast3A_153 : vector<32xbf16>
        %mul3A_155 = arith.constant 16 : i32
        %mul3A_156 = arith.muli %scan3A_107, %mul3A_155 : i32
        %get3A_157 = arith.constant 1 : i32
        %get3A_158 = arith.constant 2 : i32
        %get3A_159 = arith.index_cast %get3A_157 : i32 to index
        %get3A_160 = arith.index_cast %get3A_158 : i32 to index
        %get3A_161 = arith.index_cast %mul3A_156 : i32 to index
        %get3A_162 = tpu.vector_load %arg6[%get3A_159, %get3A_160, %get3A_161] {strides = array<i32>} : memref<2x32x640xi32, #tpu.memory_space<vmem>>, vector<16xi32>,
        %broadcast_in_dim3A_163 = arith.constant 0 : i32
        %broadcast_in_dim3A_164 = vector.broadcast %broadcast_in_dim3A_163 : i32 to vector<16xi32>
        %gather3A_165 = tpu.vector_load_idx %arg5[%broadcast_in_dim3A_164, %get3A_162] : memref<4x10240xi32, #tpu.memory_space<vmem>>[vector<16xi32>, vector<16xi32>], vector<16xi32>,
        %bitcast3A_166 = vector.bitcast %gather3A_165 : vector<16xi32> to vector<32xbf16>
        %max3A_167 = arith.maximumf %max3A, %bitcast3A_166 : vector<32xbf16>
        %broadcast_in_dim3A_168 = arith.constant 1 : i32
        %broadcast_in_dim3A_169 = vector.broadcast %broadcast_in_dim3A_168 : i32 to vector<16xi32>
        %gather3A_170 = tpu.vector_load_idx %arg5[%broadcast_in_dim3A_169, %get3A_162] : memref<4x10240xi32, #tpu.memory_space<vmem>>[vector<16xi32>, vector<16xi32>], vector<16xi32>,
        %bitcast3A_171 = vector.bitcast %gather3A_170 : vector<16xi32> to vector<32xbf16>
        %max3A_172 = arith.maximumf %max3A_144, %bitcast3A_171 : vector<32xbf16>
        %broadcast_in_dim3A_173 = arith.constant 2 : i32
        %broadcast_in_dim3A_174 = vector.broadcast %broadcast_in_dim3A_173 : i32 to vector<16xi32>
        %gather3A_175 = tpu.vector_load_idx %arg5[%broadcast_in_dim3A_174, %get3A_162] : memref<4x10240xi32, #tpu.memory_space<vmem>>[vector<16xi32>, vector<16xi32>], vector<16xi32>,
        %bitcast3A_176 = vector.bitcast %gather3A_175 : vector<16xi32> to vector<32xbf16>
        %max3A_177 = arith.maximumf %max3A_149, %bitcast3A_176 : vector<32xbf16>
        %broadcast_in_dim3A_178 = arith.constant 3 : i32
        %broadcast_in_dim3A_179 = vector.broadcast %broadcast_in_dim3A_178 : i32 to vector<16xi32>
        %gather3A_180 = tpu.vector_load_idx %arg5[%broadcast_in_dim3A_179, %get3A_162] : memref<4x10240xi32, #tpu.memory_space<vmem>>[vector<16xi32>, vector<16xi32>], vector<16xi32>,
        %bitcast3A_181 = vector.bitcast %gather3A_180 : vector<16xi32> to vector<32xbf16>
        %max3A_182 = arith.maximumf %max3A_154, %bitcast3A_181 : vector<32xbf16>
        %mul3A_183 = arith.constant 16 : i32
        %mul3A_184 = arith.muli %scan3A_107, %mul3A_183 : i32
        %get3A_185 = arith.constant 1 : i32
        %get3A_186 = arith.constant 3 : i32
        %get3A_187 = arith.index_cast %get3A_185 : i32 to index
        %get3A_188 = arith.index_cast %get3A_186 : i32 to index
        %get3A_189 = arith.index_cast %mul3A_184 : i32 to index
        %get3A_190 = tpu.vector_load %arg6[%get3A_187, %get3A_188, %get3A_189] {strides = array<i32>} : memref<2x32x640xi32, #tpu.memory_space<vmem>>, vector<16xi32>,
        %broadcast_in_dim3A_191 = arith.constant 0 : i32
        %broadcast_in_dim3A_192 = vector.broadcast %broadcast_in_dim3A_191 : i32 to vector<16xi32>
        %gather3A_193 = tpu.vector_load_idx %arg5[%broadcast_in_dim3A_192, %get3A_190] : memref<4x10240xi32, #tpu.memory_space<vmem>>[vector<16xi32>, vector<16xi32>], vector<16xi32>,
        %bitcast3A_194 = vector.bitcast %gather3A_193 : vector<16xi32> to vector<32xbf16>
        %max3A_195 = arith.maximumf %max3A_167, %bitcast3A_194 : vector<32xbf16>
        %broadcast_in_dim3A_196 = arith.constant 1 : i32
        %broadcast_in_dim3A_197 = vector.broadcast %broadcast_in_dim3A_196 : i32 to vector<16xi32>
        %gather3A_198 = tpu.vector_load_idx %arg5[%broadcast_in_dim3A_197, %get3A_190] : memref<4x10240xi32, #tpu.memory_space<vmem>>[vector<16xi32>, vector<16xi32>], vector<16xi32>,
        %bitcast3A_199 = vector.bitcast %gather3A_198 : vector<16xi32> to vector<32xbf16>
        %max3A_200 = arith.maximumf %max3A_172, %bitcast3A_199 : vector<32xbf16>
        %broadcast_in_dim3A_201 = arith.constant 2 : i32
        %broadcast_in_dim3A_202 = vector.broadcast %broadcast_in_dim3A_201 : i32 to vector<16xi32>
        %gather3A_203 = tpu.vector_load_idx %arg5[%broadcast_in_dim3A_202, %get3A_190] : memref<4x10240xi32, #tpu.memory_space<vmem>>[vector<16xi32>, vector<16xi32>], vector<16xi32>,
        %bitcast3A_204 = vector.bitcast %gather3A_203 : vector<16xi32> to vector<32xbf16>
        %max3A_205 = arith.maximumf %max3A_177, %bitcast3A_204 : vector<32xbf16>
        %broadcast_in_dim3A_206 = arith.constant 3 : i32
        %broadcast_in_dim3A_207 = vector.broadcast %broadcast_in_dim3A_206 : i32 to vector<16xi32>
        %gather3A_208 = tpu.vector_load_idx %arg5[%broadcast_in_dim3A_207, %get3A_190] : memref<4x10240xi32, #tpu.memory_space<vmem>>[vector<16xi32>, vector<16xi32>], vector<16xi32>,
        %bitcast3A_209 = vector.bitcast %gather3A_208 : vector<16xi32> to vector<32xbf16>
        %max3A_210 = arith.maximumf %max3A_182, %bitcast3A_209 : vector<32xbf16>
        %mul3A_211 = arith.constant 16 : i32
        %mul3A_212 = arith.muli %scan3A_107, %mul3A_211 : i32
        %get3A_213 = arith.constant 1 : i32
        %get3A_214 = arith.constant 4 : i32
        %get3A_215 = arith.index_cast %get3A_213 : i32 to index
        %get3A_216 = arith.index_cast %get3A_214 : i32 to index
        %get3A_217 = arith.index_cast %mul3A_212 : i32 to index
        %get3A_218 = tpu.vector_load %arg6[%get3A_215, %get3A_216, %get3A_217] {strides = array<i32>} : memref<2x32x640xi32, #tpu.memory_space<vmem>>, vector<16xi32>,
        %broadcast_in_dim3A_219 = arith.constant 0 : i32
        %broadcast_in_dim3A_220 = vector.broadcast %broadcast_in_dim3A_219 : i32 to vector<16xi32>
        %gather3A_221 = tpu.vector_load_idx %arg5[%broadcast_in_dim3A_220, %get3A_218] : memref<4x10240xi32, #tpu.memory_space<vmem>>[vector<16xi32>, vector<16xi32>], vector<16xi32>,
        %bitcast3A_222 = vector.bitcast %gather3A_221 : vector<16xi32> to vector<32xbf16>
        %max3A_223 = arith.maximumf %max3A_195, %bitcast3A_222 : vector<32xbf16>
        %broadcast_in_dim3A_224 = arith.constant 1 : i32
        %broadcast_in_dim3A_225 = vector.broadcast %broadcast_in_dim3A_224 : i32 to vector<16xi32>
        %gather3A_226 = tpu.vector_load_idx %arg5[%broadcast_in_dim3A_225, %get3A_218] : memref<4x10240xi32, #tpu.memory_space<vmem>>[vector<16xi32>, vector<16xi32>], vector<16xi32>,
        %bitcast3A_227 = vector.bitcast %gather3A_226 : vector<16xi32> to vector<32xbf16>
        %max3A_228 = arith.maximumf %max3A_200, %bitcast3A_227 : vector<32xbf16>
        %broadcast_in_dim3A_229 = arith.constant 2 : i32
        %broadcast_in_dim3A_230 = vector.broadcast %broadcast_in_dim3A_229 : i32 to vector<16xi32>
        %gather3A_231 = tpu.vector_load_idx %arg5[%broadcast_in_dim3A_230, %get3A_218] : memref<4x10240xi32, #tpu.memory_space<vmem>>[vector<16xi32>, vector<16xi32>], vector<16xi32>,
        %bitcast3A_232 = vector.bitcast %gather3A_231 : vector<16xi32> to vector<32xbf16>
        %max3A_233 = arith.maximumf %max3A_205, %bitcast3A_232 : vector<32xbf16>
        %broadcast_in_dim3A_234 = arith.constant 3 : i32
        %broadcast_in_dim3A_235 = vector.broadcast %broadcast_in_dim3A_234 : i32 to vector<16xi32>
        %gather3A_236 = tpu.vector_load_idx %arg5[%broadcast_in_dim3A_235, %get3A_218] : memref<4x10240xi32, #tpu.memory_space<vmem>>[vector<16xi32>, vector<16xi32>], vector<16xi32>,
        %bitcast3A_237 = vector.bitcast %gather3A_236 : vector<16xi32> to vector<32xbf16>
        %max3A_238 = arith.maximumf %max3A_210, %bitcast3A_237 : vector<32xbf16>
        %mul3A_239 = arith.constant 16 : i32
        %mul3A_240 = arith.muli %scan3A_107, %mul3A_239 : i32
        %get3A_241 = arith.constant 1 : i32
        %get3A_242 = arith.constant 5 : i32
        %get3A_243 = arith.index_cast %get3A_241 : i32 to index
        %get3A_244 = arith.index_cast %get3A_242 : i32 to index
        %get3A_245 = arith.index_cast %mul3A_240 : i32 to index
        %get3A_246 = tpu.vector_load %arg6[%get3A_243, %get3A_244, %get3A_245] {strides = array<i32>} : memref<2x32x640xi32, #tpu.memory_space<vmem>>, vector<16xi32>,
        %broadcast_in_dim3A_247 = arith.constant 0 : i32
        %broadcast_in_dim3A_248 = vector.broadcast %broadcast_in_dim3A_247 : i32 to vector<16xi32>
        %gather3A_249 = tpu.vector_load_idx %arg5[%broadcast_in_dim3A_248, %get3A_246] : memref<4x10240xi32, #tpu.memory_space<vmem>>[vector<16xi32>, vector<16xi32>], vector<16xi32>,
        %bitcast3A_250 = vector.bitcast %gather3A_249 : vector<16xi32> to vector<32xbf16>
        %max3A_251 = arith.maximumf %max3A_223, %bitcast3A_250 : vector<32xbf16>
        %broadcast_in_dim3A_252 = arith.constant 1 : i32
        %broadcast_in_dim3A_253 = vector.broadcast %broadcast_in_dim3A_252 : i32 to vector<16xi32>
        %gather3A_254 = tpu.vector_load_idx %arg5[%broadcast_in_dim3A_253, %get3A_246] : memref<4x10240xi32, #tpu.memory_space<vmem>>[vector<16xi32>, vector<16xi32>], vector<16xi32>,
        %bitcast3A_255 = vector.bitcast %gather3A_254 : vector<16xi32> to vector<32xbf16>
        %max3A_256 = arith.maximumf %max3A_228, %bitcast3A_255 : vector<32xbf16>
        %broadcast_in_dim3A_257 = arith.constant 2 : i32
        %broadcast_in_dim3A_258 = vector.broadcast %broadcast_in_dim3A_257 : i32 to vector<16xi32>
        %gather3A_259 = tpu.vector_load_idx %arg5[%broadcast_in_dim3A_258, %get3A_246] : memref<4x10240xi32, #tpu.memory_space<vmem>>[vector<16xi32>, vector<16xi32>], vector<16xi32>,
        %bitcast3A_260 = vector.bitcast %gather3A_259 : vector<16xi32> to vector<32xbf16>
        %max3A_261 = arith.maximumf %max3A_233, %bitcast3A_260 : vector<32xbf16>
        %broadcast_in_dim3A_262 = arith.constant 3 : i32
        %broadcast_in_dim3A_263 = vector.broadcast %broadcast_in_dim3A_262 : i32 to vector<16xi32>
        %gather3A_264 = tpu.vector_load_idx %arg5[%broadcast_in_dim3A_263, %get3A_246] : memref<4x10240xi32, #tpu.memory_space<vmem>>[vector<16xi32>, vector<16xi32>], vector<16xi32>,
        %bitcast3A_265 = vector.bitcast %gather3A_264 : vector<16xi32> to vector<32xbf16>
        %max3A_266 = arith.maximumf %max3A_238, %bitcast3A_265 : vector<32xbf16>
        %mul3A_267 = arith.constant 16 : i32
        %mul3A_268 = arith.muli %scan3A_107, %mul3A_267 : i32
        %get3A_269 = arith.constant 1 : i32
        %get3A_270 = arith.constant 6 : i32
        %get3A_271 = arith.index_cast %get3A_269 : i32 to index
        %get3A_272 = arith.index_cast %get3A_270 : i32 to index
        %get3A_273 = arith.index_cast %mul3A_268 : i32 to index
        %get3A_274 = tpu.vector_load %arg6[%get3A_271, %get3A_272, %get3A_273] {strides = array<i32>} : memref<2x32x640xi32, #tpu.memory_space<vmem>>, vector<16xi32>,
        %broadcast_in_dim3A_275 = arith.constant 0 : i32
        %broadcast_in_dim3A_276 = vector.broadcast %broadcast_in_dim3A_275 : i32 to vector<16xi32>
        %gather3A_277 = tpu.vector_load_idx %arg5[%broadcast_in_dim3A_276, %get3A_274] : memref<4x10240xi32, #tpu.memory_space<vmem>>[vector<16xi32>, vector<16xi32>], vector<16xi32>,
        %bitcast3A_278 = vector.bitcast %gather3A_277 : vector<16xi32> to vector<32xbf16>
        %max3A_279 = arith.maximumf %max3A_251, %bitcast3A_278 : vector<32xbf16>
        %broadcast_in_dim3A_280 = arith.constant 1 : i32
        %broadcast_in_dim3A_281 = vector.broadcast %broadcast_in_dim3A_280 : i32 to vector<16xi32>
        %gather3A_282 = tpu.vector_load_idx %arg5[%broadcast_in_dim3A_281, %get3A_274] : memref<4x10240xi32, #tpu.memory_space<vmem>>[vector<16xi32>, vector<16xi32>], vector<16xi32>,
        %bitcast3A_283 = vector.bitcast %gather3A_282 : vector<16xi32> to vector<32xbf16>
        %max3A_284 = arith.maximumf %max3A_256, %bitcast3A_283 : vector<32xbf16>
        %broadcast_in_dim3A_285 = arith.constant 2 : i32
        %broadcast_in_dim3A_286 = vector.broadcast %broadcast_in_dim3A_285 : i32 to vector<16xi32>
        %gather3A_287 = tpu.vector_load_idx %arg5[%broadcast_in_dim3A_286, %get3A_274] : memref<4x10240xi32, #tpu.memory_space<vmem>>[vector<16xi32>, vector<16xi32>], vector<16xi32>,
        %bitcast3A_288 = vector.bitcast %gather3A_287 : vector<16xi32> to vector<32xbf16>
        %max3A_289 = arith.maximumf %max3A_261, %bitcast3A_288 : vector<32xbf16>
        %broadcast_in_dim3A_290 = arith.constant 3 : i32
        %broadcast_in_dim3A_291 = vector.broadcast %broadcast_in_dim3A_290 : i32 to vector<16xi32>
        %gather3A_292 = tpu.vector_load_idx %arg5[%broadcast_in_dim3A_291, %get3A_274] : memref<4x10240xi32, #tpu.memory_space<vmem>>[vector<16xi32>, vector<16xi32>], vector<16xi32>,
        %bitcast3A_293 = vector.bitcast %gather3A_292 : vector<16xi32> to vector<32xbf16>
        %max3A_294 = arith.maximumf %max3A_266, %bitcast3A_293 : vector<32xbf16>
        %mul3A_295 = arith.constant 16 : i32
        %mul3A_296 = arith.muli %scan3A_107, %mul3A_295 : i32
        %get3A_297 = arith.constant 1 : i32
        %get3A_298 = arith.constant 7 : i32
        %get3A_299 = arith.index_cast %get3A_297 : i32 to index
        %get3A_300 = arith.index_cast %get3A_298 : i32 to index
        %get3A_301 = arith.index_cast %mul3A_296 : i32 to index
        %get3A_302 = tpu.vector_load %arg6[%get3A_299, %get3A_300, %get3A_301] {strides = array<i32>} : memref<2x32x640xi32, #tpu.memory_space<vmem>>, vector<16xi32>,
        %broadcast_in_dim3A_303 = arith.constant 0 : i32
        %broadcast_in_dim3A_304 = vector.broadcast %broadcast_in_dim3A_303 : i32 to vector<16xi32>
        %gather3A_305 = tpu.vector_load_idx %arg5[%broadcast_in_dim3A_304, %get3A_302] : memref<4x10240xi32, #tpu.memory_space<vmem>>[vector<16xi32>, vector<16xi32>], vector<16xi32>,
        %bitcast3A_306 = vector.bitcast %gather3A_305 : vector<16xi32> to vector<32xbf16>
        %max3A_307 = arith.maximumf %max3A_279, %bitcast3A_306 : vector<32xbf16>
        %broadcast_in_dim3A_308 = arith.constant 1 : i32
        %broadcast_in_dim3A_309 = vector.broadcast %broadcast_in_dim3A_308 : i32 to vector<16xi32>
        %gather3A_310 = tpu.vector_load_idx %arg5[%broadcast_in_dim3A_309, %get3A_302] : memref<4x10240xi32, #tpu.memory_space<vmem>>[vector<16xi32>, vector<16xi32>], vector<16xi32>,
        %bitcast3A_311 = vector.bitcast %gather3A_310 : vector<16xi32> to vector<32xbf16>
        %max3A_312 = arith.maximumf %max3A_284, %bitcast3A_311 : vector<32xbf16>
        %broadcast_in_dim3A_313 = arith.constant 2 : i32
        %broadcast_in_dim3A_314 = vector.broadcast %broadcast_in_dim3A_313 : i32 to vector<16xi32>
        %gather3A_315 = tpu.vector_load_idx %arg5[%broadcast_in_dim3A_314, %get3A_302] : memref<4x10240xi32, #tpu.memory_space<vmem>>[vector<16xi32>, vector<16xi32>], vector<16xi32>,
        %bitcast3A_316 = vector.bitcast %gather3A_315 : vector<16xi32> to vector<32xbf16>
        %max3A_317 = arith.maximumf %max3A_289, %bitcast3A_316 : vector<32xbf16>
        %broadcast_in_dim3A_318 = arith.constant 3 : i32
        %broadcast_in_dim3A_319 = vector.broadcast %broadcast_in_dim3A_318 : i32 to vector<16xi32>
        %gather3A_320 = tpu.vector_load_idx %arg5[%broadcast_in_dim3A_319, %get3A_302] : memref<4x10240xi32, #tpu.memory_space<vmem>>[vector<16xi32>, vector<16xi32>], vector<16xi32>,
        %bitcast3A_321 = vector.bitcast %gather3A_320 : vector<16xi32> to vector<32xbf16>
        %max3A_322 = arith.maximumf %max3A_294, %bitcast3A_321 : vector<32xbf16>
        %mul3A_323 = arith.constant 16 : i32
        %mul3A_324 = arith.muli %scan3A_107, %mul3A_323 : i32
        %get3A_325 = arith.constant 1 : i32
        %get3A_326 = arith.constant 8 : i32
        %get3A_327 = arith.index_cast %get3A_325 : i32 to index
        %get3A_328 = arith.index_cast %get3A_326 : i32 to index
        %get3A_329 = arith.index_cast %mul3A_324 : i32 to index
        %get3A_330 = tpu.vector_load %arg6[%get3A_327, %get3A_328, %get3A_329] {strides = array<i32>} : memref<2x32x640xi32, #tpu.memory_space<vmem>>, vector<16xi32>,
        %broadcast_in_dim3A_331 = arith.constant 0 : i32
        %broadcast_in_dim3A_332 = vector.broadcast %broadcast_in_dim3A_331 : i32 to vector<16xi32>
        %gather3A_333 = tpu.vector_load_idx %arg5[%broadcast_in_dim3A_332, %get3A_330] : memref<4x10240xi32, #tpu.memory_space<vmem>>[vector<16xi32>, vector<16xi32>], vector<16xi32>,
        %bitcast3A_334 = vector.bitcast %gather3A_333 : vector<16xi32> to vector<32xbf16>
        %max3A_335 = arith.maximumf %max3A_307, %bitcast3A_334 : vector<32xbf16>
        %broadcast_in_dim3A_336 = arith.constant 1 : i32
        %broadcast_in_dim3A_337 = vector.broadcast %broadcast_in_dim3A_336 : i32 to vector<16xi32>
        %gather3A_338 = tpu.vector_load_idx %arg5[%broadcast_in_dim3A_337, %get3A_330] : memref<4x10240xi32, #tpu.memory_space<vmem>>[vector<16xi32>, vector<16xi32>], vector<16xi32>,
        %bitcast3A_339 = vector.bitcast %gather3A_338 : vector<16xi32> to vector<32xbf16>
        %max3A_340 = arith.maximumf %max3A_312, %bitcast3A_339 : vector<32xbf16>
        %broadcast_in_dim3A_341 = arith.constant 2 : i32
        %broadcast_in_dim3A_342 = vector.broadcast %broadcast_in_dim3A_341 : i32 to vector<16xi32>
        %gather3A_343 = tpu.vector_load_idx %arg5[%broadcast_in_dim3A_342, %get3A_330] : memref<4x10240xi32, #tpu.memory_space<vmem>>[vector<16xi32>, vector<16xi32>], vector<16xi32>,
        %bitcast3A_344 = vector.bitcast %gather3A_343 : vector<16xi32> to vector<32xbf16>
        %max3A_345 = arith.maximumf %max3A_317, %bitcast3A_344 : vector<32xbf16>
        %broadcast_in_dim3A_346 = arith.constant 3 : i32
        %broadcast_in_dim3A_347 = vector.broadcast %broadcast_in_dim3A_346 : i32 to vector<16xi32>
        %gather3A_348 = tpu.vector_load_idx %arg5[%broadcast_in_dim3A_347, %get3A_330] : memref<4x10240xi32, #tpu.memory_space<vmem>>[vector<16xi32>, vector<16xi32>], vector<16xi32>,
        %bitcast3A_349 = vector.bitcast %gather3A_348 : vector<16xi32> to vector<32xbf16>
        %max3A_350 = arith.maximumf %max3A_322, %bitcast3A_349 : vector<32xbf16>
        %mul3A_351 = arith.constant 16 : i32
        %mul3A_352 = arith.muli %scan3A_107, %mul3A_351 : i32
        %get3A_353 = arith.constant 1 : i32
        %get3A_354 = arith.constant 9 : i32
        %get3A_355 = arith.index_cast %get3A_353 : i32 to index
        %get3A_356 = arith.index_cast %get3A_354 : i32 to index
        %get3A_357 = arith.index_cast %mul3A_352 : i32 to index
        %get3A_358 = tpu.vector_load %arg6[%get3A_355, %get3A_356, %get3A_357] {strides = array<i32>} : memref<2x32x640xi32, #tpu.memory_space<vmem>>, vector<16xi32>,
        %broadcast_in_dim3A_359 = arith.constant 0 : i32
        %broadcast_in_dim3A_360 = vector.broadcast %broadcast_in_dim3A_359 : i32 to vector<16xi32>
        %gather3A_361 = tpu.vector_load_idx %arg5[%broadcast_in_dim3A_360, %get3A_358] : memref<4x10240xi32, #tpu.memory_space<vmem>>[vector<16xi32>, vector<16xi32>], vector<16xi32>,
        %bitcast3A_362 = vector.bitcast %gather3A_361 : vector<16xi32> to vector<32xbf16>
        %max3A_363 = arith.maximumf %max3A_335, %bitcast3A_362 : vector<32xbf16>
        %broadcast_in_dim3A_364 = arith.constant 1 : i32
        %broadcast_in_dim3A_365 = vector.broadcast %broadcast_in_dim3A_364 : i32 to vector<16xi32>
        %gather3A_366 = tpu.vector_load_idx %arg5[%broadcast_in_dim3A_365, %get3A_358] : memref<4x10240xi32, #tpu.memory_space<vmem>>[vector<16xi32>, vector<16xi32>], vector<16xi32>,
        %bitcast3A_367 = vector.bitcast %gather3A_366 : vector<16xi32> to vector<32xbf16>
        %max3A_368 = arith.maximumf %max3A_340, %bitcast3A_367 : vector<32xbf16>
        %broadcast_in_dim3A_369 = arith.constant 2 : i32
        %broadcast_in_dim3A_370 = vector.broadcast %broadcast_in_dim3A_369 : i32 to vector<16xi32>
        %gather3A_371 = tpu.vector_load_idx %arg5[%broadcast_in_dim3A_370, %get3A_358] : memref<4x10240xi32, #tpu.memory_space<vmem>>[vector<16xi32>, vector<16xi32>], vector<16xi32>,
        %bitcast3A_372 = vector.bitcast %gather3A_371 : vector<16xi32> to vector<32xbf16>
        %max3A_373 = arith.maximumf %max3A_345, %bitcast3A_372 : vector<32xbf16>
        %broadcast_in_dim3A_374 = arith.constant 3 : i32
        %broadcast_in_dim3A_375 = vector.broadcast %broadcast_in_dim3A_374 : i32 to vector<16xi32>
        %gather3A_376 = tpu.vector_load_idx %arg5[%broadcast_in_dim3A_375, %get3A_358] : memref<4x10240xi32, #tpu.memory_space<vmem>>[vector<16xi32>, vector<16xi32>], vector<16xi32>,
        %bitcast3A_377 = vector.bitcast %gather3A_376 : vector<16xi32> to vector<32xbf16>
        %max3A_378 = arith.maximumf %max3A_350, %bitcast3A_377 : vector<32xbf16>
        %mul3A_379 = arith.constant 16 : i32
        %mul3A_380 = arith.muli %scan3A_107, %mul3A_379 : i32
        %get3A_381 = arith.constant 1 : i32
        %get3A_382 = arith.constant 10 : i32
        %get3A_383 = arith.index_cast %get3A_381 : i32 to index
        %get3A_384 = arith.index_cast %get3A_382 : i32 to index
        %get3A_385 = arith.index_cast %mul3A_380 : i32 to index
        %get3A_386 = tpu.vector_load %arg6[%get3A_383, %get3A_384, %get3A_385] {strides = array<i32>} : memref<2x32x640xi32, #tpu.memory_space<vmem>>, vector<16xi32>,
        %broadcast_in_dim3A_387 = arith.constant 0 : i32
        %broadcast_in_dim3A_388 = vector.broadcast %broadcast_in_dim3A_387 : i32 to vector<16xi32>
        %gather3A_389 = tpu.vector_load_idx %arg5[%broadcast_in_dim3A_388, %get3A_386] : memref<4x10240xi32, #tpu.memory_space<vmem>>[vector<16xi32>, vector<16xi32>], vector<16xi32>,
        %bitcast3A_390 = vector.bitcast %gather3A_389 : vector<16xi32> to vector<32xbf16>
        %max3A_391 = arith.maximumf %max3A_363, %bitcast3A_390 : vector<32xbf16>
        %broadcast_in_dim3A_392 = arith.constant 1 : i32
        %broadcast_in_dim3A_393 = vector.broadcast %broadcast_in_dim3A_392 : i32 to vector<16xi32>
        %gather3A_394 = tpu.vector_load_idx %arg5[%broadcast_in_dim3A_393, %get3A_386] : memref<4x10240xi32, #tpu.memory_space<vmem>>[vector<16xi32>, vector<16xi32>], vector<16xi32>,
        %bitcast3A_395 = vector.bitcast %gather3A_394 : vector<16xi32> to vector<32xbf16>
        %max3A_396 = arith.maximumf %max3A_368, %bitcast3A_395 : vector<32xbf16>
        %broadcast_in_dim3A_397 = arith.constant 2 : i32
        %broadcast_in_dim3A_398 = vector.broadcast %broadcast_in_dim3A_397 : i32 to vector<16xi32>
        %gather3A_399 = tpu.vector_load_idx %arg5[%broadcast_in_dim3A_398, %get3A_386] : memref<4x10240xi32, #tpu.memory_space<vmem>>[vector<16xi32>, vector<16xi32>], vector<16xi32>,
        %bitcast3A_400 = vector.bitcast %gather3A_399 : vector<16xi32> to vector<32xbf16>
        %max3A_401 = arith.maximumf %max3A_373, %bitcast3A_400 : vector<32xbf16>
        %broadcast_in_dim3A_402 = arith.constant 3 : i32
        %broadcast_in_dim3A_403 = vector.broadcast %broadcast_in_dim3A_402 : i32 to vector<16xi32>
        %gather3A_404 = tpu.vector_load_idx %arg5[%broadcast_in_dim3A_403, %get3A_386] : memref<4x10240xi32, #tpu.memory_space<vmem>>[vector<16xi32>, vector<16xi32>], vector<16xi32>,
        %bitcast3A_405 = vector.bitcast %gather3A_404 : vector<16xi32> to vector<32xbf16>
        %max3A_406 = arith.maximumf %max3A_378, %bitcast3A_405 : vector<32xbf16>
        %mul3A_407 = arith.constant 16 : i32
        %mul3A_408 = arith.muli %scan3A_107, %mul3A_407 : i32
        %get3A_409 = arith.constant 1 : i32
        %get3A_410 = arith.constant 11 : i32
        %get3A_411 = arith.index_cast %get3A_409 : i32 to index
        %get3A_412 = arith.index_cast %get3A_410 : i32 to index
        %get3A_413 = arith.index_cast %mul3A_408 : i32 to index
        %get3A_414 = tpu.vector_load %arg6[%get3A_411, %get3A_412, %get3A_413] {strides = array<i32>} : memref<2x32x640xi32, #tpu.memory_space<vmem>>, vector<16xi32>,
        %broadcast_in_dim3A_415 = arith.constant 0 : i32
        %broadcast_in_dim3A_416 = vector.broadcast %broadcast_in_dim3A_415 : i32 to vector<16xi32>
        %gather3A_417 = tpu.vector_load_idx %arg5[%broadcast_in_dim3A_416, %get3A_414] : memref<4x10240xi32, #tpu.memory_space<vmem>>[vector<16xi32>, vector<16xi32>], vector<16xi32>,
        %bitcast3A_418 = vector.bitcast %gather3A_417 : vector<16xi32> to vector<32xbf16>
        %max3A_419 = arith.maximumf %max3A_391, %bitcast3A_418 : vector<32xbf16>
        %broadcast_in_dim3A_420 = arith.constant 1 : i32
        %broadcast_in_dim3A_421 = vector.broadcast %broadcast_in_dim3A_420 : i32 to vector<16xi32>
        %gather3A_422 = tpu.vector_load_idx %arg5[%broadcast_in_dim3A_421, %get3A_414] : memref<4x10240xi32, #tpu.memory_space<vmem>>[vector<16xi32>, vector<16xi32>], vector<16xi32>,
        %bitcast3A_423 = vector.bitcast %gather3A_422 : vector<16xi32> to vector<32xbf16>
        %max3A_424 = arith.maximumf %max3A_396, %bitcast3A_423 : vector<32xbf16>
        %broadcast_in_dim3A_425 = arith.constant 2 : i32
        %broadcast_in_dim3A_426 = vector.broadcast %broadcast_in_dim3A_425 : i32 to vector<16xi32>
        %gather3A_427 = tpu.vector_load_idx %arg5[%broadcast_in_dim3A_426, %get3A_414] : memref<4x10240xi32, #tpu.memory_space<vmem>>[vector<16xi32>, vector<16xi32>], vector<16xi32>,
        %bitcast3A_428 = vector.bitcast %gather3A_427 : vector<16xi32> to vector<32xbf16>
        %max3A_429 = arith.maximumf %max3A_401, %bitcast3A_428 : vector<32xbf16>
        %broadcast_in_dim3A_430 = arith.constant 3 : i32
        %broadcast_in_dim3A_431 = vector.broadcast %broadcast_in_dim3A_430 : i32 to vector<16xi32>
        %gather3A_432 = tpu.vector_load_idx %arg5[%broadcast_in_dim3A_431, %get3A_414] : memref<4x10240xi32, #tpu.memory_space<vmem>>[vector<16xi32>, vector<16xi32>], vector<16xi32>,
        %bitcast3A_433 = vector.bitcast %gather3A_432 : vector<16xi32> to vector<32xbf16>
        %max3A_434 = arith.maximumf %max3A_406, %bitcast3A_433 : vector<32xbf16>
        %mul3A_435 = arith.constant 16 : i32
        %mul3A_436 = arith.muli %scan3A_107, %mul3A_435 : i32
        %get3A_437 = arith.constant 1 : i32
        %get3A_438 = arith.constant 12 : i32
        %get3A_439 = arith.index_cast %get3A_437 : i32 to index
        %get3A_440 = arith.index_cast %get3A_438 : i32 to index
        %get3A_441 = arith.index_cast %mul3A_436 : i32 to index
        %get3A_442 = tpu.vector_load %arg6[%get3A_439, %get3A_440, %get3A_441] {strides = array<i32>} : memref<2x32x640xi32, #tpu.memory_space<vmem>>, vector<16xi32>,
        %broadcast_in_dim3A_443 = arith.constant 0 : i32
        %broadcast_in_dim3A_444 = vector.broadcast %broadcast_in_dim3A_443 : i32 to vector<16xi32>
        %gather3A_445 = tpu.vector_load_idx %arg5[%broadcast_in_dim3A_444, %get3A_442] : memref<4x10240xi32, #tpu.memory_space<vmem>>[vector<16xi32>, vector<16xi32>], vector<16xi32>,
        %bitcast3A_446 = vector.bitcast %gather3A_445 : vector<16xi32> to vector<32xbf16>
        %max3A_447 = arith.maximumf %max3A_419, %bitcast3A_446 : vector<32xbf16>
        %broadcast_in_dim3A_448 = arith.constant 1 : i32
        %broadcast_in_dim3A_449 = vector.broadcast %broadcast_in_dim3A_448 : i32 to vector<16xi32>
        %gather3A_450 = tpu.vector_load_idx %arg5[%broadcast_in_dim3A_449, %get3A_442] : memref<4x10240xi32, #tpu.memory_space<vmem>>[vector<16xi32>, vector<16xi32>], vector<16xi32>,
        %bitcast3A_451 = vector.bitcast %gather3A_450 : vector<16xi32> to vector<32xbf16>
        %max3A_452 = arith.maximumf %max3A_424, %bitcast3A_451 : vector<32xbf16>
        %broadcast_in_dim3A_453 = arith.constant 2 : i32
        %broadcast_in_dim3A_454 = vector.broadcast %broadcast_in_dim3A_453 : i32 to vector<16xi32>
        %gather3A_455 = tpu.vector_load_idx %arg5[%broadcast_in_dim3A_454, %get3A_442] : memref<4x10240xi32, #tpu.memory_space<vmem>>[vector<16xi32>, vector<16xi32>], vector<16xi32>,
        %bitcast3A_456 = vector.bitcast %gather3A_455 : vector<16xi32> to vector<32xbf16>
        %max3A_457 = arith.maximumf %max3A_429, %bitcast3A_456 : vector<32xbf16>
        %broadcast_in_dim3A_458 = arith.constant 3 : i32
        %broadcast_in_dim3A_459 = vector.broadcast %broadcast_in_dim3A_458 : i32 to vector<16xi32>
        %gather3A_460 = tpu.vector_load_idx %arg5[%broadcast_in_dim3A_459, %get3A_442] : memref<4x10240xi32, #tpu.memory_space<vmem>>[vector<16xi32>, vector<16xi32>], vector<16xi32>,
        %bitcast3A_461 = vector.bitcast %gather3A_460 : vector<16xi32> to vector<32xbf16>
        %max3A_462 = arith.maximumf %max3A_434, %bitcast3A_461 : vector<32xbf16>
        %mul3A_463 = arith.constant 16 : i32
        %mul3A_464 = arith.muli %scan3A_107, %mul3A_463 : i32
        %get3A_465 = arith.constant 1 : i32
        %get3A_466 = arith.constant 13 : i32
        %get3A_467 = arith.index_cast %get3A_465 : i32 to index
        %get3A_468 = arith.index_cast %get3A_466 : i32 to index
        %get3A_469 = arith.index_cast %mul3A_464 : i32 to index
        %get3A_470 = tpu.vector_load %arg6[%get3A_467, %get3A_468, %get3A_469] {strides = array<i32>} : memref<2x32x640xi32, #tpu.memory_space<vmem>>, vector<16xi32>,
        %broadcast_in_dim3A_471 = arith.constant 0 : i32
        %broadcast_in_dim3A_472 = vector.broadcast %broadcast_in_dim3A_471 : i32 to vector<16xi32>
        %gather3A_473 = tpu.vector_load_idx %arg5[%broadcast_in_dim3A_472, %get3A_470] : memref<4x10240xi32, #tpu.memory_space<vmem>>[vector<16xi32>, vector<16xi32>], vector<16xi32>,
        %bitcast3A_474 = vector.bitcast %gather3A_473 : vector<16xi32> to vector<32xbf16>
        %max3A_475 = arith.maximumf %max3A_447, %bitcast3A_474 : vector<32xbf16>
        %broadcast_in_dim3A_476 = arith.constant 1 : i32
        %broadcast_in_dim3A_477 = vector.broadcast %broadcast_in_dim3A_476 : i32 to vector<16xi32>
        %gather3A_478 = tpu.vector_load_idx %arg5[%broadcast_in_dim3A_477, %get3A_470] : memref<4x10240xi32, #tpu.memory_space<vmem>>[vector<16xi32>, vector<16xi32>], vector<16xi32>,
        %bitcast3A_479 = vector.bitcast %gather3A_478 : vector<16xi32> to vector<32xbf16>
        %max3A_480 = arith.maximumf %max3A_452, %bitcast3A_479 : vector<32xbf16>
        %broadcast_in_dim3A_481 = arith.constant 2 : i32
        %broadcast_in_dim3A_482 = vector.broadcast %broadcast_in_dim3A_481 : i32 to vector<16xi32>
        %gather3A_483 = tpu.vector_load_idx %arg5[%broadcast_in_dim3A_482, %get3A_470] : memref<4x10240xi32, #tpu.memory_space<vmem>>[vector<16xi32>, vector<16xi32>], vector<16xi32>,
        %bitcast3A_484 = vector.bitcast %gather3A_483 : vector<16xi32> to vector<32xbf16>
        %max3A_485 = arith.maximumf %max3A_457, %bitcast3A_484 : vector<32xbf16>
        %broadcast_in_dim3A_486 = arith.constant 3 : i32
        %broadcast_in_dim3A_487 = vector.broadcast %broadcast_in_dim3A_486 : i32 to vector<16xi32>
        %gather3A_488 = tpu.vector_load_idx %arg5[%broadcast_in_dim3A_487, %get3A_470] : memref<4x10240xi32, #tpu.memory_space<vmem>>[vector<16xi32>, vector<16xi32>], vector<16xi32>,
        %bitcast3A_489 = vector.bitcast %gather3A_488 : vector<16xi32> to vector<32xbf16>
        %max3A_490 = arith.maximumf %max3A_462, %bitcast3A_489 : vector<32xbf16>
        %mul3A_491 = arith.constant 16 : i32
        %mul3A_492 = arith.muli %scan3A_107, %mul3A_491 : i32
        %get3A_493 = arith.constant 1 : i32
        %get3A_494 = arith.constant 14 : i32
        %get3A_495 = arith.index_cast %get3A_493 : i32 to index
        %get3A_496 = arith.index_cast %get3A_494 : i32 to index
        %get3A_497 = arith.index_cast %mul3A_492 : i32 to index
        %get3A_498 = tpu.vector_load %arg6[%get3A_495, %get3A_496, %get3A_497] {strides = array<i32>} : memref<2x32x640xi32, #tpu.memory_space<vmem>>, vector<16xi32>,
        %broadcast_in_dim3A_499 = arith.constant 0 : i32
        %broadcast_in_dim3A_500 = vector.broadcast %broadcast_in_dim3A_499 : i32 to vector<16xi32>
        %gather3A_501 = tpu.vector_load_idx %arg5[%broadcast_in_dim3A_500, %get3A_498] : memref<4x10240xi32, #tpu.memory_space<vmem>>[vector<16xi32>, vector<16xi32>], vector<16xi32>,
        %bitcast3A_502 = vector.bitcast %gather3A_501 : vector<16xi32> to vector<32xbf16>
        %max3A_503 = arith.maximumf %max3A_475, %bitcast3A_502 : vector<32xbf16>
        %broadcast_in_dim3A_504 = arith.constant 1 : i32
        %broadcast_in_dim3A_505 = vector.broadcast %broadcast_in_dim3A_504 : i32 to vector<16xi32>
        %gather3A_506 = tpu.vector_load_idx %arg5[%broadcast_in_dim3A_505, %get3A_498] : memref<4x10240xi32, #tpu.memory_space<vmem>>[vector<16xi32>, vector<16xi32>], vector<16xi32>,
        %bitcast3A_507 = vector.bitcast %gather3A_506 : vector<16xi32> to vector<32xbf16>
        %max3A_508 = arith.maximumf %max3A_480, %bitcast3A_507 : vector<32xbf16>
        %broadcast_in_dim3A_509 = arith.constant 2 : i32
        %broadcast_in_dim3A_510 = vector.broadcast %broadcast_in_dim3A_509 : i32 to vector<16xi32>
        %gather3A_511 = tpu.vector_load_idx %arg5[%broadcast_in_dim3A_510, %get3A_498] : memref<4x10240xi32, #tpu.memory_space<vmem>>[vector<16xi32>, vector<16xi32>], vector<16xi32>,
        %bitcast3A_512 = vector.bitcast %gather3A_511 : vector<16xi32> to vector<32xbf16>
        %max3A_513 = arith.maximumf %max3A_485, %bitcast3A_512 : vector<32xbf16>
        %broadcast_in_dim3A_514 = arith.constant 3 : i32
        %broadcast_in_dim3A_515 = vector.broadcast %broadcast_in_dim3A_514 : i32 to vector<16xi32>
        %gather3A_516 = tpu.vector_load_idx %arg5[%broadcast_in_dim3A_515, %get3A_498] : memref<4x10240xi32, #tpu.memory_space<vmem>>[vector<16xi32>, vector<16xi32>], vector<16xi32>,
        %bitcast3A_517 = vector.bitcast %gather3A_516 : vector<16xi32> to vector<32xbf16>
        %max3A_518 = arith.maximumf %max3A_490, %bitcast3A_517 : vector<32xbf16>
        %mul3A_519 = arith.constant 16 : i32
        %mul3A_520 = arith.muli %scan3A_107, %mul3A_519 : i32
        %get3A_521 = arith.constant 1 : i32
        %get3A_522 = arith.constant 15 : i32
        %get3A_523 = arith.index_cast %get3A_521 : i32 to index
        %get3A_524 = arith.index_cast %get3A_522 : i32 to index
        %get3A_525 = arith.index_cast %mul3A_520 : i32 to index
        %get3A_526 = tpu.vector_load %arg6[%get3A_523, %get3A_524, %get3A_525] {strides = array<i32>} : memref<2x32x640xi32, #tpu.memory_space<vmem>>, vector<16xi32>,
        %broadcast_in_dim3A_527 = arith.constant 0 : i32
        %broadcast_in_dim3A_528 = vector.broadcast %broadcast_in_dim3A_527 : i32 to vector<16xi32>
        %gather3A_529 = tpu.vector_load_idx %arg5[%broadcast_in_dim3A_528, %get3A_526] : memref<4x10240xi32, #tpu.memory_space<vmem>>[vector<16xi32>, vector<16xi32>], vector<16xi32>,
        %bitcast3A_530 = vector.bitcast %gather3A_529 : vector<16xi32> to vector<32xbf16>
        %max3A_531 = arith.maximumf %max3A_503, %bitcast3A_530 : vector<32xbf16>
        %broadcast_in_dim3A_532 = arith.constant 1 : i32
        %broadcast_in_dim3A_533 = vector.broadcast %broadcast_in_dim3A_532 : i32 to vector<16xi32>
        %gather3A_534 = tpu.vector_load_idx %arg5[%broadcast_in_dim3A_533, %get3A_526] : memref<4x10240xi32, #tpu.memory_space<vmem>>[vector<16xi32>, vector<16xi32>], vector<16xi32>,
        %bitcast3A_535 = vector.bitcast %gather3A_534 : vector<16xi32> to vector<32xbf16>
        %max3A_536 = arith.maximumf %max3A_508, %bitcast3A_535 : vector<32xbf16>
        %broadcast_in_dim3A_537 = arith.constant 2 : i32
        %broadcast_in_dim3A_538 = vector.broadcast %broadcast_in_dim3A_537 : i32 to vector<16xi32>
        %gather3A_539 = tpu.vector_load_idx %arg5[%broadcast_in_dim3A_538, %get3A_526] : memref<4x10240xi32, #tpu.memory_space<vmem>>[vector<16xi32>, vector<16xi32>], vector<16xi32>,
        %bitcast3A_540 = vector.bitcast %gather3A_539 : vector<16xi32> to vector<32xbf16>
        %max3A_541 = arith.maximumf %max3A_513, %bitcast3A_540 : vector<32xbf16>
        %broadcast_in_dim3A_542 = arith.constant 3 : i32
        %broadcast_in_dim3A_543 = vector.broadcast %broadcast_in_dim3A_542 : i32 to vector<16xi32>
        %gather3A_544 = tpu.vector_load_idx %arg5[%broadcast_in_dim3A_543, %get3A_526] : memref<4x10240xi32, #tpu.memory_space<vmem>>[vector<16xi32>, vector<16xi32>], vector<16xi32>,
        %bitcast3A_545 = vector.bitcast %gather3A_544 : vector<16xi32> to vector<32xbf16>
        %max3A_546 = arith.maximumf %max3A_518, %bitcast3A_545 : vector<32xbf16>
        %mul3A_547 = arith.constant 16 : i32
        %mul3A_548 = arith.muli %scan3A_107, %mul3A_547 : i32
        %get3A_549 = arith.constant 1 : i32
        %get3A_550 = arith.constant 16 : i32
        %get3A_551 = arith.index_cast %get3A_549 : i32 to index
        %get3A_552 = arith.index_cast %get3A_550 : i32 to index
        %get3A_553 = arith.index_cast %mul3A_548 : i32 to index
        %get3A_554 = tpu.vector_load %arg6[%get3A_551, %get3A_552, %get3A_553] {strides = array<i32>} : memref<2x32x640xi32, #tpu.memory_space<vmem>>, vector<16xi32>,
        %broadcast_in_dim3A_555 = arith.constant 0 : i32
        %broadcast_in_dim3A_556 = vector.broadcast %broadcast_in_dim3A_555 : i32 to vector<16xi32>
        %gather3A_557 = tpu.vector_load_idx %arg5[%broadcast_in_dim3A_556, %get3A_554] : memref<4x10240xi32, #tpu.memory_space<vmem>>[vector<16xi32>, vector<16xi32>], vector<16xi32>,
        %bitcast3A_558 = vector.bitcast %gather3A_557 : vector<16xi32> to vector<32xbf16>
        %max3A_559 = arith.maximumf %max3A_531, %bitcast3A_558 : vector<32xbf16>
        %broadcast_in_dim3A_560 = arith.constant 1 : i32
        %broadcast_in_dim3A_561 = vector.broadcast %broadcast_in_dim3A_560 : i32 to vector<16xi32>
        %gather3A_562 = tpu.vector_load_idx %arg5[%broadcast_in_dim3A_561, %get3A_554] : memref<4x10240xi32, #tpu.memory_space<vmem>>[vector<16xi32>, vector<16xi32>], vector<16xi32>,
        %bitcast3A_563 = vector.bitcast %gather3A_562 : vector<16xi32> to vector<32xbf16>
        %max3A_564 = arith.maximumf %max3A_536, %bitcast3A_563 : vector<32xbf16>
        %broadcast_in_dim3A_565 = arith.constant 2 : i32
        %broadcast_in_dim3A_566 = vector.broadcast %broadcast_in_dim3A_565 : i32 to vector<16xi32>
        %gather3A_567 = tpu.vector_load_idx %arg5[%broadcast_in_dim3A_566, %get3A_554] : memref<4x10240xi32, #tpu.memory_space<vmem>>[vector<16xi32>, vector<16xi32>], vector<16xi32>,
        %bitcast3A_568 = vector.bitcast %gather3A_567 : vector<16xi32> to vector<32xbf16>
        %max3A_569 = arith.maximumf %max3A_541, %bitcast3A_568 : vector<32xbf16>
        %broadcast_in_dim3A_570 = arith.constant 3 : i32
        %broadcast_in_dim3A_571 = vector.broadcast %broadcast_in_dim3A_570 : i32 to vector<16xi32>
        %gather3A_572 = tpu.vector_load_idx %arg5[%broadcast_in_dim3A_571, %get3A_554] : memref<4x10240xi32, #tpu.memory_space<vmem>>[vector<16xi32>, vector<16xi32>], vector<16xi32>,
        %bitcast3A_573 = vector.bitcast %gather3A_572 : vector<16xi32> to vector<32xbf16>
        %max3A_574 = arith.maximumf %max3A_546, %bitcast3A_573 : vector<32xbf16>
        %mul3A_575 = arith.constant 16 : i32
        %mul3A_576 = arith.muli %scan3A_107, %mul3A_575 : i32
        %get3A_577 = arith.constant 1 : i32
        %get3A_578 = arith.constant 17 : i32
        %get3A_579 = arith.index_cast %get3A_577 : i32 to index
        %get3A_580 = arith.index_cast %get3A_578 : i32 to index
        %get3A_581 = arith.index_cast %mul3A_576 : i32 to index
        %get3A_582 = tpu.vector_load %arg6[%get3A_579, %get3A_580, %get3A_581] {strides = array<i32>} : memref<2x32x640xi32, #tpu.memory_space<vmem>>, vector<16xi32>,
        %broadcast_in_dim3A_583 = arith.constant 0 : i32
        %broadcast_in_dim3A_584 = vector.broadcast %broadcast_in_dim3A_583 : i32 to vector<16xi32>
        %gather3A_585 = tpu.vector_load_idx %arg5[%broadcast_in_dim3A_584, %get3A_582] : memref<4x10240xi32, #tpu.memory_space<vmem>>[vector<16xi32>, vector<16xi32>], vector<16xi32>,
        %bitcast3A_586 = vector.bitcast %gather3A_585 : vector<16xi32> to vector<32xbf16>
        %max3A_587 = arith.maximumf %max3A_559, %bitcast3A_586 : vector<32xbf16>
        %broadcast_in_dim3A_588 = arith.constant 1 : i32
        %broadcast_in_dim3A_589 = vector.broadcast %broadcast_in_dim3A_588 : i32 to vector<16xi32>
        %gather3A_590 = tpu.vector_load_idx %arg5[%broadcast_in_dim3A_589, %get3A_582] : memref<4x10240xi32, #tpu.memory_space<vmem>>[vector<16xi32>, vector<16xi32>], vector<16xi32>,
        %bitcast3A_591 = vector.bitcast %gather3A_590 : vector<16xi32> to vector<32xbf16>
        %max3A_592 = arith.maximumf %max3A_564, %bitcast3A_591 : vector<32xbf16>
        %broadcast_in_dim3A_593 = arith.constant 2 : i32
        %broadcast_in_dim3A_594 = vector.broadcast %broadcast_in_dim3A_593 : i32 to vector<16xi32>
        %gather3A_595 = tpu.vector_load_idx %arg5[%broadcast_in_dim3A_594, %get3A_582] : memref<4x10240xi32, #tpu.memory_space<vmem>>[vector<16xi32>, vector<16xi32>], vector<16xi32>,
        %bitcast3A_596 = vector.bitcast %gather3A_595 : vector<16xi32> to vector<32xbf16>
        %max3A_597 = arith.maximumf %max3A_569, %bitcast3A_596 : vector<32xbf16>
        %broadcast_in_dim3A_598 = arith.constant 3 : i32
        %broadcast_in_dim3A_599 = vector.broadcast %broadcast_in_dim3A_598 : i32 to vector<16xi32>
        %gather3A_600 = tpu.vector_load_idx %arg5[%broadcast_in_dim3A_599, %get3A_582] : memref<4x10240xi32, #tpu.memory_space<vmem>>[vector<16xi32>, vector<16xi32>], vector<16xi32>,
        %bitcast3A_601 = vector.bitcast %gather3A_600 : vector<16xi32> to vector<32xbf16>
        %max3A_602 = arith.maximumf %max3A_574, %bitcast3A_601 : vector<32xbf16>
        %mul3A_603 = arith.constant 16 : i32
        %mul3A_604 = arith.muli %scan3A_107, %mul3A_603 : i32
        %get3A_605 = arith.constant 1 : i32
        %get3A_606 = arith.constant 18 : i32
        %get3A_607 = arith.index_cast %get3A_605 : i32 to index
        %get3A_608 = arith.index_cast %get3A_606 : i32 to index
        %get3A_609 = arith.index_cast %mul3A_604 : i32 to index
        %get3A_610 = tpu.vector_load %arg6[%get3A_607, %get3A_608, %get3A_609] {strides = array<i32>} : memref<2x32x640xi32, #tpu.memory_space<vmem>>, vector<16xi32>,
        %broadcast_in_dim3A_611 = arith.constant 0 : i32
        %broadcast_in_dim3A_612 = vector.broadcast %broadcast_in_dim3A_611 : i32 to vector<16xi32>
        %gather3A_613 = tpu.vector_load_idx %arg5[%broadcast_in_dim3A_612, %get3A_610] : memref<4x10240xi32, #tpu.memory_space<vmem>>[vector<16xi32>, vector<16xi32>], vector<16xi32>,
        %bitcast3A_614 = vector.bitcast %gather3A_613 : vector<16xi32> to vector<32xbf16>
        %max3A_615 = arith.maximumf %max3A_587, %bitcast3A_614 : vector<32xbf16>
        %broadcast_in_dim3A_616 = arith.constant 1 : i32
        %broadcast_in_dim3A_617 = vector.broadcast %broadcast_in_dim3A_616 : i32 to vector<16xi32>
        %gather3A_618 = tpu.vector_load_idx %arg5[%broadcast_in_dim3A_617, %get3A_610] : memref<4x10240xi32, #tpu.memory_space<vmem>>[vector<16xi32>, vector<16xi32>], vector<16xi32>,
        %bitcast3A_619 = vector.bitcast %gather3A_618 : vector<16xi32> to vector<32xbf16>
        %max3A_620 = arith.maximumf %max3A_592, %bitcast3A_619 : vector<32xbf16>
        %broadcast_in_dim3A_621 = arith.constant 2 : i32
        %broadcast_in_dim3A_622 = vector.broadcast %broadcast_in_dim3A_621 : i32 to vector<16xi32>
        %gather3A_623 = tpu.vector_load_idx %arg5[%broadcast_in_dim3A_622, %get3A_610] : memref<4x10240xi32, #tpu.memory_space<vmem>>[vector<16xi32>, vector<16xi32>], vector<16xi32>,
        %bitcast3A_624 = vector.bitcast %gather3A_623 : vector<16xi32> to vector<32xbf16>
        %max3A_625 = arith.maximumf %max3A_597, %bitcast3A_624 : vector<32xbf16>
        %broadcast_in_dim3A_626 = arith.constant 3 : i32
        %broadcast_in_dim3A_627 = vector.broadcast %broadcast_in_dim3A_626 : i32 to vector<16xi32>
        %gather3A_628 = tpu.vector_load_idx %arg5[%broadcast_in_dim3A_627, %get3A_610] : memref<4x10240xi32, #tpu.memory_space<vmem>>[vector<16xi32>, vector<16xi32>], vector<16xi32>,
        %bitcast3A_629 = vector.bitcast %gather3A_628 : vector<16xi32> to vector<32xbf16>
        %max3A_630 = arith.maximumf %max3A_602, %bitcast3A_629 : vector<32xbf16>
        %mul3A_631 = arith.constant 16 : i32
        %mul3A_632 = arith.muli %scan3A_107, %mul3A_631 : i32
        %get3A_633 = arith.constant 1 : i32
        %get3A_634 = arith.constant 19 : i32
        %get3A_635 = arith.index_cast %get3A_633 : i32 to index
        %get3A_636 = arith.index_cast %get3A_634 : i32 to index
        %get3A_637 = arith.index_cast %mul3A_632 : i32 to index
        %get3A_638 = tpu.vector_load %arg6[%get3A_635, %get3A_636, %get3A_637] {strides = array<i32>} : memref<2x32x640xi32, #tpu.memory_space<vmem>>, vector<16xi32>,
        %broadcast_in_dim3A_639 = arith.constant 0 : i32
        %broadcast_in_dim3A_640 = vector.broadcast %broadcast_in_dim3A_639 : i32 to vector<16xi32>
        %gather3A_641 = tpu.vector_load_idx %arg5[%broadcast_in_dim3A_640, %get3A_638] : memref<4x10240xi32, #tpu.memory_space<vmem>>[vector<16xi32>, vector<16xi32>], vector<16xi32>,
        %bitcast3A_642 = vector.bitcast %gather3A_641 : vector<16xi32> to vector<32xbf16>
        %max3A_643 = arith.maximumf %max3A_615, %bitcast3A_642 : vector<32xbf16>
        %broadcast_in_dim3A_644 = arith.constant 1 : i32
        %broadcast_in_dim3A_645 = vector.broadcast %broadcast_in_dim3A_644 : i32 to vector<16xi32>
        %gather3A_646 = tpu.vector_load_idx %arg5[%broadcast_in_dim3A_645, %get3A_638] : memref<4x10240xi32, #tpu.memory_space<vmem>>[vector<16xi32>, vector<16xi32>], vector<16xi32>,
        %bitcast3A_647 = vector.bitcast %gather3A_646 : vector<16xi32> to vector<32xbf16>
        %max3A_648 = arith.maximumf %max3A_620, %bitcast3A_647 : vector<32xbf16>
        %broadcast_in_dim3A_649 = arith.constant 2 : i32
        %broadcast_in_dim3A_650 = vector.broadcast %broadcast_in_dim3A_649 : i32 to vector<16xi32>
        %gather3A_651 = tpu.vector_load_idx %arg5[%broadcast_in_dim3A_650, %get3A_638] : memref<4x10240xi32, #tpu.memory_space<vmem>>[vector<16xi32>, vector<16xi32>], vector<16xi32>,
        %bitcast3A_652 = vector.bitcast %gather3A_651 : vector<16xi32> to vector<32xbf16>
        %max3A_653 = arith.maximumf %max3A_625, %bitcast3A_652 : vector<32xbf16>
        %broadcast_in_dim3A_654 = arith.constant 3 : i32
        %broadcast_in_dim3A_655 = vector.broadcast %broadcast_in_dim3A_654 : i32 to vector<16xi32>
        %gather3A_656 = tpu.vector_load_idx %arg5[%broadcast_in_dim3A_655, %get3A_638] : memref<4x10240xi32, #tpu.memory_space<vmem>>[vector<16xi32>, vector<16xi32>], vector<16xi32>,
        %bitcast3A_657 = vector.bitcast %gather3A_656 : vector<16xi32> to vector<32xbf16>
        %max3A_658 = arith.maximumf %max3A_630, %bitcast3A_657 : vector<32xbf16>
        %mul3A_659 = arith.constant 16 : i32
        %mul3A_660 = arith.muli %scan3A_107, %mul3A_659 : i32
        %get3A_661 = arith.constant 1 : i32
        %get3A_662 = arith.constant 20 : i32
        %get3A_663 = arith.index_cast %get3A_661 : i32 to index
        %get3A_664 = arith.index_cast %get3A_662 : i32 to index
        %get3A_665 = arith.index_cast %mul3A_660 : i32 to index
        %get3A_666 = tpu.vector_load %arg6[%get3A_663, %get3A_664, %get3A_665] {strides = array<i32>} : memref<2x32x640xi32, #tpu.memory_space<vmem>>, vector<16xi32>,
        %broadcast_in_dim3A_667 = arith.constant 0 : i32
        %broadcast_in_dim3A_668 = vector.broadcast %broadcast_in_dim3A_667 : i32 to vector<16xi32>
        %gather3A_669 = tpu.vector_load_idx %arg5[%broadcast_in_dim3A_668, %get3A_666] : memref<4x10240xi32, #tpu.memory_space<vmem>>[vector<16xi32>, vector<16xi32>], vector<16xi32>,
        %bitcast3A_670 = vector.bitcast %gather3A_669 : vector<16xi32> to vector<32xbf16>
        %max3A_671 = arith.maximumf %max3A_643, %bitcast3A_670 : vector<32xbf16>
        %broadcast_in_dim3A_672 = arith.constant 1 : i32
        %broadcast_in_dim3A_673 = vector.broadcast %broadcast_in_dim3A_672 : i32 to vector<16xi32>
        %gather3A_674 = tpu.vector_load_idx %arg5[%broadcast_in_dim3A_673, %get3A_666] : memref<4x10240xi32, #tpu.memory_space<vmem>>[vector<16xi32>, vector<16xi32>], vector<16xi32>,
        %bitcast3A_675 = vector.bitcast %gather3A_674 : vector<16xi32> to vector<32xbf16>
        %max3A_676 = arith.maximumf %max3A_648, %bitcast3A_675 : vector<32xbf16>
        %broadcast_in_dim3A_677 = arith.constant 2 : i32
        %broadcast_in_dim3A_678 = vector.broadcast %broadcast_in_dim3A_677 : i32 to vector<16xi32>
        %gather3A_679 = tpu.vector_load_idx %arg5[%broadcast_in_dim3A_678, %get3A_666] : memref<4x10240xi32, #tpu.memory_space<vmem>>[vector<16xi32>, vector<16xi32>], vector<16xi32>,
        %bitcast3A_680 = vector.bitcast %gather3A_679 : vector<16xi32> to vector<32xbf16>
        %max3A_681 = arith.maximumf %max3A_653, %bitcast3A_680 : vector<32xbf16>
        %broadcast_in_dim3A_682 = arith.constant 3 : i32
        %broadcast_in_dim3A_683 = vector.broadcast %broadcast_in_dim3A_682 : i32 to vector<16xi32>
        %gather3A_684 = tpu.vector_load_idx %arg5[%broadcast_in_dim3A_683, %get3A_666] : memref<4x10240xi32, #tpu.memory_space<vmem>>[vector<16xi32>, vector<16xi32>], vector<16xi32>,
        %bitcast3A_685 = vector.bitcast %gather3A_684 : vector<16xi32> to vector<32xbf16>
        %max3A_686 = arith.maximumf %max3A_658, %bitcast3A_685 : vector<32xbf16>
        %mul3A_687 = arith.constant 16 : i32
        %mul3A_688 = arith.muli %scan3A_107, %mul3A_687 : i32
        %get3A_689 = arith.constant 1 : i32
        %get3A_690 = arith.constant 21 : i32
        %get3A_691 = arith.index_cast %get3A_689 : i32 to index
        %get3A_692 = arith.index_cast %get3A_690 : i32 to index
        %get3A_693 = arith.index_cast %mul3A_688 : i32 to index
        %get3A_694 = tpu.vector_load %arg6[%get3A_691, %get3A_692, %get3A_693] {strides = array<i32>} : memref<2x32x640xi32, #tpu.memory_space<vmem>>, vector<16xi32>,
        %broadcast_in_dim3A_695 = arith.constant 0 : i32
        %broadcast_in_dim3A_696 = vector.broadcast %broadcast_in_dim3A_695 : i32 to vector<16xi32>
        %gather3A_697 = tpu.vector_load_idx %arg5[%broadcast_in_dim3A_696, %get3A_694] : memref<4x10240xi32, #tpu.memory_space<vmem>>[vector<16xi32>, vector<16xi32>], vector<16xi32>,
        %bitcast3A_698 = vector.bitcast %gather3A_697 : vector<16xi32> to vector<32xbf16>
        %max3A_699 = arith.maximumf %max3A_671, %bitcast3A_698 : vector<32xbf16>
        %broadcast_in_dim3A_700 = arith.constant 1 : i32
        %broadcast_in_dim3A_701 = vector.broadcast %broadcast_in_dim3A_700 : i32 to vector<16xi32>
        %gather3A_702 = tpu.vector_load_idx %arg5[%broadcast_in_dim3A_701, %get3A_694] : memref<4x10240xi32, #tpu.memory_space<vmem>>[vector<16xi32>, vector<16xi32>], vector<16xi32>,
        %bitcast3A_703 = vector.bitcast %gather3A_702 : vector<16xi32> to vector<32xbf16>
        %max3A_704 = arith.maximumf %max3A_676, %bitcast3A_703 : vector<32xbf16>
        %broadcast_in_dim3A_705 = arith.constant 2 : i32
        %broadcast_in_dim3A_706 = vector.broadcast %broadcast_in_dim3A_705 : i32 to vector<16xi32>
        %gather3A_707 = tpu.vector_load_idx %arg5[%broadcast_in_dim3A_706, %get3A_694] : memref<4x10240xi32, #tpu.memory_space<vmem>>[vector<16xi32>, vector<16xi32>], vector<16xi32>,
        %bitcast3A_708 = vector.bitcast %gather3A_707 : vector<16xi32> to vector<32xbf16>
        %max3A_709 = arith.maximumf %max3A_681, %bitcast3A_708 : vector<32xbf16>
        %broadcast_in_dim3A_710 = arith.constant 3 : i32
        %broadcast_in_dim3A_711 = vector.broadcast %broadcast_in_dim3A_710 : i32 to vector<16xi32>
        %gather3A_712 = tpu.vector_load_idx %arg5[%broadcast_in_dim3A_711, %get3A_694] : memref<4x10240xi32, #tpu.memory_space<vmem>>[vector<16xi32>, vector<16xi32>], vector<16xi32>,
        %bitcast3A_713 = vector.bitcast %gather3A_712 : vector<16xi32> to vector<32xbf16>
        %max3A_714 = arith.maximumf %max3A_686, %bitcast3A_713 : vector<32xbf16>
        %mul3A_715 = arith.constant 16 : i32
        %mul3A_716 = arith.muli %scan3A_107, %mul3A_715 : i32
        %get3A_717 = arith.constant 1 : i32
        %get3A_718 = arith.constant 22 : i32
        %get3A_719 = arith.index_cast %get3A_717 : i32 to index
        %get3A_720 = arith.index_cast %get3A_718 : i32 to index
        %get3A_721 = arith.index_cast %mul3A_716 : i32 to index
        %get3A_722 = tpu.vector_load %arg6[%get3A_719, %get3A_720, %get3A_721] {strides = array<i32>} : memref<2x32x640xi32, #tpu.memory_space<vmem>>, vector<16xi32>,
        %broadcast_in_dim3A_723 = arith.constant 0 : i32
        %broadcast_in_dim3A_724 = vector.broadcast %broadcast_in_dim3A_723 : i32 to vector<16xi32>
        %gather3A_725 = tpu.vector_load_idx %arg5[%broadcast_in_dim3A_724, %get3A_722] : memref<4x10240xi32, #tpu.memory_space<vmem>>[vector<16xi32>, vector<16xi32>], vector<16xi32>,
        %bitcast3A_726 = vector.bitcast %gather3A_725 : vector<16xi32> to vector<32xbf16>
        %max3A_727 = arith.maximumf %max3A_699, %bitcast3A_726 : vector<32xbf16>
        %broadcast_in_dim3A_728 = arith.constant 1 : i32
        %broadcast_in_dim3A_729 = vector.broadcast %broadcast_in_dim3A_728 : i32 to vector<16xi32>
        %gather3A_730 = tpu.vector_load_idx %arg5[%broadcast_in_dim3A_729, %get3A_722] : memref<4x10240xi32, #tpu.memory_space<vmem>>[vector<16xi32>, vector<16xi32>], vector<16xi32>,
        %bitcast3A_731 = vector.bitcast %gather3A_730 : vector<16xi32> to vector<32xbf16>
        %max3A_732 = arith.maximumf %max3A_704, %bitcast3A_731 : vector<32xbf16>
        %broadcast_in_dim3A_733 = arith.constant 2 : i32
        %broadcast_in_dim3A_734 = vector.broadcast %broadcast_in_dim3A_733 : i32 to vector<16xi32>
        %gather3A_735 = tpu.vector_load_idx %arg5[%broadcast_in_dim3A_734, %get3A_722] : memref<4x10240xi32, #tpu.memory_space<vmem>>[vector<16xi32>, vector<16xi32>], vector<16xi32>,
        %bitcast3A_736 = vector.bitcast %gather3A_735 : vector<16xi32> to vector<32xbf16>
        %max3A_737 = arith.maximumf %max3A_709, %bitcast3A_736 : vector<32xbf16>
        %broadcast_in_dim3A_738 = arith.constant 3 : i32
        %broadcast_in_dim3A_739 = vector.broadcast %broadcast_in_dim3A_738 : i32 to vector<16xi32>
        %gather3A_740 = tpu.vector_load_idx %arg5[%broadcast_in_dim3A_739, %get3A_722] : memref<4x10240xi32, #tpu.memory_space<vmem>>[vector<16xi32>, vector<16xi32>], vector<16xi32>,
        %bitcast3A_741 = vector.bitcast %gather3A_740 : vector<16xi32> to vector<32xbf16>
        %max3A_742 = arith.maximumf %max3A_714, %bitcast3A_741 : vector<32xbf16>
        %mul3A_743 = arith.constant 16 : i32
        %mul3A_744 = arith.muli %scan3A_107, %mul3A_743 : i32
        %get3A_745 = arith.constant 1 : i32
        %get3A_746 = arith.constant 23 : i32
        %get3A_747 = arith.index_cast %get3A_745 : i32 to index
        %get3A_748 = arith.index_cast %get3A_746 : i32 to index
        %get3A_749 = arith.index_cast %mul3A_744 : i32 to index
        %get3A_750 = tpu.vector_load %arg6[%get3A_747, %get3A_748, %get3A_749] {strides = array<i32>} : memref<2x32x640xi32, #tpu.memory_space<vmem>>, vector<16xi32>,
        %broadcast_in_dim3A_751 = arith.constant 0 : i32
        %broadcast_in_dim3A_752 = vector.broadcast %broadcast_in_dim3A_751 : i32 to vector<16xi32>
        %gather3A_753 = tpu.vector_load_idx %arg5[%broadcast_in_dim3A_752, %get3A_750] : memref<4x10240xi32, #tpu.memory_space<vmem>>[vector<16xi32>, vector<16xi32>], vector<16xi32>,
        %bitcast3A_754 = vector.bitcast %gather3A_753 : vector<16xi32> to vector<32xbf16>
        %max3A_755 = arith.maximumf %max3A_727, %bitcast3A_754 : vector<32xbf16>
        %broadcast_in_dim3A_756 = arith.constant 1 : i32
        %broadcast_in_dim3A_757 = vector.broadcast %broadcast_in_dim3A_756 : i32 to vector<16xi32>
        %gather3A_758 = tpu.vector_load_idx %arg5[%broadcast_in_dim3A_757, %get3A_750] : memref<4x10240xi32, #tpu.memory_space<vmem>>[vector<16xi32>, vector<16xi32>], vector<16xi32>,
        %bitcast3A_759 = vector.bitcast %gather3A_758 : vector<16xi32> to vector<32xbf16>
        %max3A_760 = arith.maximumf %max3A_732, %bitcast3A_759 : vector<32xbf16>
        %broadcast_in_dim3A_761 = arith.constant 2 : i32
        %broadcast_in_dim3A_762 = vector.broadcast %broadcast_in_dim3A_761 : i32 to vector<16xi32>
        %gather3A_763 = tpu.vector_load_idx %arg5[%broadcast_in_dim3A_762, %get3A_750] : memref<4x10240xi32, #tpu.memory_space<vmem>>[vector<16xi32>, vector<16xi32>], vector<16xi32>,
        %bitcast3A_764 = vector.bitcast %gather3A_763 : vector<16xi32> to vector<32xbf16>
        %max3A_765 = arith.maximumf %max3A_737, %bitcast3A_764 : vector<32xbf16>
        %broadcast_in_dim3A_766 = arith.constant 3 : i32
        %broadcast_in_dim3A_767 = vector.broadcast %broadcast_in_dim3A_766 : i32 to vector<16xi32>
        %gather3A_768 = tpu.vector_load_idx %arg5[%broadcast_in_dim3A_767, %get3A_750] : memref<4x10240xi32, #tpu.memory_space<vmem>>[vector<16xi32>, vector<16xi32>], vector<16xi32>,
        %bitcast3A_769 = vector.bitcast %gather3A_768 : vector<16xi32> to vector<32xbf16>
        %max3A_770 = arith.maximumf %max3A_742, %bitcast3A_769 : vector<32xbf16>
        %mul3A_771 = arith.constant 16 : i32
        %mul3A_772 = arith.muli %scan3A_107, %mul3A_771 : i32
        %get3A_773 = arith.constant 1 : i32
        %get3A_774 = arith.constant 24 : i32
        %get3A_775 = arith.index_cast %get3A_773 : i32 to index
        %get3A_776 = arith.index_cast %get3A_774 : i32 to index
        %get3A_777 = arith.index_cast %mul3A_772 : i32 to index
        %get3A_778 = tpu.vector_load %arg6[%get3A_775, %get3A_776, %get3A_777] {strides = array<i32>} : memref<2x32x640xi32, #tpu.memory_space<vmem>>, vector<16xi32>,
        %broadcast_in_dim3A_779 = arith.constant 0 : i32
        %broadcast_in_dim3A_780 = vector.broadcast %broadcast_in_dim3A_779 : i32 to vector<16xi32>
        %gather3A_781 = tpu.vector_load_idx %arg5[%broadcast_in_dim3A_780, %get3A_778] : memref<4x10240xi32, #tpu.memory_space<vmem>>[vector<16xi32>, vector<16xi32>], vector<16xi32>,
        %bitcast3A_782 = vector.bitcast %gather3A_781 : vector<16xi32> to vector<32xbf16>
        %max3A_783 = arith.maximumf %max3A_755, %bitcast3A_782 : vector<32xbf16>
        %broadcast_in_dim3A_784 = arith.constant 1 : i32
        %broadcast_in_dim3A_785 = vector.broadcast %broadcast_in_dim3A_784 : i32 to vector<16xi32>
        %gather3A_786 = tpu.vector_load_idx %arg5[%broadcast_in_dim3A_785, %get3A_778] : memref<4x10240xi32, #tpu.memory_space<vmem>>[vector<16xi32>, vector<16xi32>], vector<16xi32>,
        %bitcast3A_787 = vector.bitcast %gather3A_786 : vector<16xi32> to vector<32xbf16>
        %max3A_788 = arith.maximumf %max3A_760, %bitcast3A_787 : vector<32xbf16>
        %broadcast_in_dim3A_789 = arith.constant 2 : i32
        %broadcast_in_dim3A_790 = vector.broadcast %broadcast_in_dim3A_789 : i32 to vector<16xi32>
        %gather3A_791 = tpu.vector_load_idx %arg5[%broadcast_in_dim3A_790, %get3A_778] : memref<4x10240xi32, #tpu.memory_space<vmem>>[vector<16xi32>, vector<16xi32>], vector<16xi32>,
        %bitcast3A_792 = vector.bitcast %gather3A_791 : vector<16xi32> to vector<32xbf16>
        %max3A_793 = arith.maximumf %max3A_765, %bitcast3A_792 : vector<32xbf16>
        %broadcast_in_dim3A_794 = arith.constant 3 : i32
        %broadcast_in_dim3A_795 = vector.broadcast %broadcast_in_dim3A_794 : i32 to vector<16xi32>
        %gather3A_796 = tpu.vector_load_idx %arg5[%broadcast_in_dim3A_795, %get3A_778] : memref<4x10240xi32, #tpu.memory_space<vmem>>[vector<16xi32>, vector<16xi32>], vector<16xi32>,
        %bitcast3A_797 = vector.bitcast %gather3A_796 : vector<16xi32> to vector<32xbf16>
        %max3A_798 = arith.maximumf %max3A_770, %bitcast3A_797 : vector<32xbf16>
        %mul3A_799 = arith.constant 16 : i32
        %mul3A_800 = arith.muli %scan3A_107, %mul3A_799 : i32
        %get3A_801 = arith.constant 1 : i32
        %get3A_802 = arith.constant 25 : i32
        %get3A_803 = arith.index_cast %get3A_801 : i32 to index
        %get3A_804 = arith.index_cast %get3A_802 : i32 to index
        %get3A_805 = arith.index_cast %mul3A_800 : i32 to index
        %get3A_806 = tpu.vector_load %arg6[%get3A_803, %get3A_804, %get3A_805] {strides = array<i32>} : memref<2x32x640xi32, #tpu.memory_space<vmem>>, vector<16xi32>,
        %broadcast_in_dim3A_807 = arith.constant 0 : i32
        %broadcast_in_dim3A_808 = vector.broadcast %broadcast_in_dim3A_807 : i32 to vector<16xi32>
        %gather3A_809 = tpu.vector_load_idx %arg5[%broadcast_in_dim3A_808, %get3A_806] : memref<4x10240xi32, #tpu.memory_space<vmem>>[vector<16xi32>, vector<16xi32>], vector<16xi32>,
        %bitcast3A_810 = vector.bitcast %gather3A_809 : vector<16xi32> to vector<32xbf16>
        %max3A_811 = arith.maximumf %max3A_783, %bitcast3A_810 : vector<32xbf16>
        %broadcast_in_dim3A_812 = arith.constant 1 : i32
        %broadcast_in_dim3A_813 = vector.broadcast %broadcast_in_dim3A_812 : i32 to vector<16xi32>
        %gather3A_814 = tpu.vector_load_idx %arg5[%broadcast_in_dim3A_813, %get3A_806] : memref<4x10240xi32, #tpu.memory_space<vmem>>[vector<16xi32>, vector<16xi32>], vector<16xi32>,
        %bitcast3A_815 = vector.bitcast %gather3A_814 : vector<16xi32> to vector<32xbf16>
        %max3A_816 = arith.maximumf %max3A_788, %bitcast3A_815 : vector<32xbf16>
        %broadcast_in_dim3A_817 = arith.constant 2 : i32
        %broadcast_in_dim3A_818 = vector.broadcast %broadcast_in_dim3A_817 : i32 to vector<16xi32>
        %gather3A_819 = tpu.vector_load_idx %arg5[%broadcast_in_dim3A_818, %get3A_806] : memref<4x10240xi32, #tpu.memory_space<vmem>>[vector<16xi32>, vector<16xi32>], vector<16xi32>,
        %bitcast3A_820 = vector.bitcast %gather3A_819 : vector<16xi32> to vector<32xbf16>
        %max3A_821 = arith.maximumf %max3A_793, %bitcast3A_820 : vector<32xbf16>
        %broadcast_in_dim3A_822 = arith.constant 3 : i32
        %broadcast_in_dim3A_823 = vector.broadcast %broadcast_in_dim3A_822 : i32 to vector<16xi32>
        %gather3A_824 = tpu.vector_load_idx %arg5[%broadcast_in_dim3A_823, %get3A_806] : memref<4x10240xi32, #tpu.memory_space<vmem>>[vector<16xi32>, vector<16xi32>], vector<16xi32>,
        %bitcast3A_825 = vector.bitcast %gather3A_824 : vector<16xi32> to vector<32xbf16>
        %max3A_826 = arith.maximumf %max3A_798, %bitcast3A_825 : vector<32xbf16>
        %mul3A_827 = arith.constant 16 : i32
        %mul3A_828 = arith.muli %scan3A_107, %mul3A_827 : i32
        %get3A_829 = arith.constant 1 : i32
        %get3A_830 = arith.constant 26 : i32
        %get3A_831 = arith.index_cast %get3A_829 : i32 to index
        %get3A_832 = arith.index_cast %get3A_830 : i32 to index
        %get3A_833 = arith.index_cast %mul3A_828 : i32 to index
        %get3A_834 = tpu.vector_load %arg6[%get3A_831, %get3A_832, %get3A_833] {strides = array<i32>} : memref<2x32x640xi32, #tpu.memory_space<vmem>>, vector<16xi32>,
        %broadcast_in_dim3A_835 = arith.constant 0 : i32
        %broadcast_in_dim3A_836 = vector.broadcast %broadcast_in_dim3A_835 : i32 to vector<16xi32>
        %gather3A_837 = tpu.vector_load_idx %arg5[%broadcast_in_dim3A_836, %get3A_834] : memref<4x10240xi32, #tpu.memory_space<vmem>>[vector<16xi32>, vector<16xi32>], vector<16xi32>,
        %bitcast3A_838 = vector.bitcast %gather3A_837 : vector<16xi32> to vector<32xbf16>
        %max3A_839 = arith.maximumf %max3A_811, %bitcast3A_838 : vector<32xbf16>
        %broadcast_in_dim3A_840 = arith.constant 1 : i32
        %broadcast_in_dim3A_841 = vector.broadcast %broadcast_in_dim3A_840 : i32 to vector<16xi32>
        %gather3A_842 = tpu.vector_load_idx %arg5[%broadcast_in_dim3A_841, %get3A_834] : memref<4x10240xi32, #tpu.memory_space<vmem>>[vector<16xi32>, vector<16xi32>], vector<16xi32>,
        %bitcast3A_843 = vector.bitcast %gather3A_842 : vector<16xi32> to vector<32xbf16>
        %max3A_844 = arith.maximumf %max3A_816, %bitcast3A_843 : vector<32xbf16>
        %broadcast_in_dim3A_845 = arith.constant 2 : i32
        %broadcast_in_dim3A_846 = vector.broadcast %broadcast_in_dim3A_845 : i32 to vector<16xi32>
        %gather3A_847 = tpu.vector_load_idx %arg5[%broadcast_in_dim3A_846, %get3A_834] : memref<4x10240xi32, #tpu.memory_space<vmem>>[vector<16xi32>, vector<16xi32>], vector<16xi32>,
        %bitcast3A_848 = vector.bitcast %gather3A_847 : vector<16xi32> to vector<32xbf16>
        %max3A_849 = arith.maximumf %max3A_821, %bitcast3A_848 : vector<32xbf16>
        %broadcast_in_dim3A_850 = arith.constant 3 : i32
        %broadcast_in_dim3A_851 = vector.broadcast %broadcast_in_dim3A_850 : i32 to vector<16xi32>
        %gather3A_852 = tpu.vector_load_idx %arg5[%broadcast_in_dim3A_851, %get3A_834] : memref<4x10240xi32, #tpu.memory_space<vmem>>[vector<16xi32>, vector<16xi32>], vector<16xi32>,
        %bitcast3A_853 = vector.bitcast %gather3A_852 : vector<16xi32> to vector<32xbf16>
        %max3A_854 = arith.maximumf %max3A_826, %bitcast3A_853 : vector<32xbf16>
        %mul3A_855 = arith.constant 16 : i32
        %mul3A_856 = arith.muli %scan3A_107, %mul3A_855 : i32
        %get3A_857 = arith.constant 1 : i32
        %get3A_858 = arith.constant 27 : i32
        %get3A_859 = arith.index_cast %get3A_857 : i32 to index
        %get3A_860 = arith.index_cast %get3A_858 : i32 to index
        %get3A_861 = arith.index_cast %mul3A_856 : i32 to index
        %get3A_862 = tpu.vector_load %arg6[%get3A_859, %get3A_860, %get3A_861] {strides = array<i32>} : memref<2x32x640xi32, #tpu.memory_space<vmem>>, vector<16xi32>,
        %broadcast_in_dim3A_863 = arith.constant 0 : i32
        %broadcast_in_dim3A_864 = vector.broadcast %broadcast_in_dim3A_863 : i32 to vector<16xi32>
        %gather3A_865 = tpu.vector_load_idx %arg5[%broadcast_in_dim3A_864, %get3A_862] : memref<4x10240xi32, #tpu.memory_space<vmem>>[vector<16xi32>, vector<16xi32>], vector<16xi32>,
        %bitcast3A_866 = vector.bitcast %gather3A_865 : vector<16xi32> to vector<32xbf16>
        %max3A_867 = arith.maximumf %max3A_839, %bitcast3A_866 : vector<32xbf16>
        %broadcast_in_dim3A_868 = arith.constant 1 : i32
        %broadcast_in_dim3A_869 = vector.broadcast %broadcast_in_dim3A_868 : i32 to vector<16xi32>
        %gather3A_870 = tpu.vector_load_idx %arg5[%broadcast_in_dim3A_869, %get3A_862] : memref<4x10240xi32, #tpu.memory_space<vmem>>[vector<16xi32>, vector<16xi32>], vector<16xi32>,
        %bitcast3A_871 = vector.bitcast %gather3A_870 : vector<16xi32> to vector<32xbf16>
        %max3A_872 = arith.maximumf %max3A_844, %bitcast3A_871 : vector<32xbf16>
        %broadcast_in_dim3A_873 = arith.constant 2 : i32
        %broadcast_in_dim3A_874 = vector.broadcast %broadcast_in_dim3A_873 : i32 to vector<16xi32>
        %gather3A_875 = tpu.vector_load_idx %arg5[%broadcast_in_dim3A_874, %get3A_862] : memref<4x10240xi32, #tpu.memory_space<vmem>>[vector<16xi32>, vector<16xi32>], vector<16xi32>,
        %bitcast3A_876 = vector.bitcast %gather3A_875 : vector<16xi32> to vector<32xbf16>
        %max3A_877 = arith.maximumf %max3A_849, %bitcast3A_876 : vector<32xbf16>
        %broadcast_in_dim3A_878 = arith.constant 3 : i32
        %broadcast_in_dim3A_879 = vector.broadcast %broadcast_in_dim3A_878 : i32 to vector<16xi32>
        %gather3A_880 = tpu.vector_load_idx %arg5[%broadcast_in_dim3A_879, %get3A_862] : memref<4x10240xi32, #tpu.memory_space<vmem>>[vector<16xi32>, vector<16xi32>], vector<16xi32>,
        %bitcast3A_881 = vector.bitcast %gather3A_880 : vector<16xi32> to vector<32xbf16>
        %max3A_882 = arith.maximumf %max3A_854, %bitcast3A_881 : vector<32xbf16>
        %mul3A_883 = arith.constant 16 : i32
        %mul3A_884 = arith.muli %scan3A_107, %mul3A_883 : i32
        %get3A_885 = arith.constant 1 : i32
        %get3A_886 = arith.constant 28 : i32
        %get3A_887 = arith.index_cast %get3A_885 : i32 to index
        %get3A_888 = arith.index_cast %get3A_886 : i32 to index
        %get3A_889 = arith.index_cast %mul3A_884 : i32 to index
        %get3A_890 = tpu.vector_load %arg6[%get3A_887, %get3A_888, %get3A_889] {strides = array<i32>} : memref<2x32x640xi32, #tpu.memory_space<vmem>>, vector<16xi32>,
        %broadcast_in_dim3A_891 = arith.constant 0 : i32
        %broadcast_in_dim3A_892 = vector.broadcast %broadcast_in_dim3A_891 : i32 to vector<16xi32>
        %gather3A_893 = tpu.vector_load_idx %arg5[%broadcast_in_dim3A_892, %get3A_890] : memref<4x10240xi32, #tpu.memory_space<vmem>>[vector<16xi32>, vector<16xi32>], vector<16xi32>,
        %bitcast3A_894 = vector.bitcast %gather3A_893 : vector<16xi32> to vector<32xbf16>
        %max3A_895 = arith.maximumf %max3A_867, %bitcast3A_894 : vector<32xbf16>
        %broadcast_in_dim3A_896 = arith.constant 1 : i32
        %broadcast_in_dim3A_897 = vector.broadcast %broadcast_in_dim3A_896 : i32 to vector<16xi32>
        %gather3A_898 = tpu.vector_load_idx %arg5[%broadcast_in_dim3A_897, %get3A_890] : memref<4x10240xi32, #tpu.memory_space<vmem>>[vector<16xi32>, vector<16xi32>], vector<16xi32>,
        %bitcast3A_899 = vector.bitcast %gather3A_898 : vector<16xi32> to vector<32xbf16>
        %max3A_900 = arith.maximumf %max3A_872, %bitcast3A_899 : vector<32xbf16>
        %broadcast_in_dim3A_901 = arith.constant 2 : i32
        %broadcast_in_dim3A_902 = vector.broadcast %broadcast_in_dim3A_901 : i32 to vector<16xi32>
        %gather3A_903 = tpu.vector_load_idx %arg5[%broadcast_in_dim3A_902, %get3A_890] : memref<4x10240xi32, #tpu.memory_space<vmem>>[vector<16xi32>, vector<16xi32>], vector<16xi32>,
        %bitcast3A_904 = vector.bitcast %gather3A_903 : vector<16xi32> to vector<32xbf16>
        %max3A_905 = arith.maximumf %max3A_877, %bitcast3A_904 : vector<32xbf16>
        %broadcast_in_dim3A_906 = arith.constant 3 : i32
        %broadcast_in_dim3A_907 = vector.broadcast %broadcast_in_dim3A_906 : i32 to vector<16xi32>
        %gather3A_908 = tpu.vector_load_idx %arg5[%broadcast_in_dim3A_907, %get3A_890] : memref<4x10240xi32, #tpu.memory_space<vmem>>[vector<16xi32>, vector<16xi32>], vector<16xi32>,
        %bitcast3A_909 = vector.bitcast %gather3A_908 : vector<16xi32> to vector<32xbf16>
        %max3A_910 = arith.maximumf %max3A_882, %bitcast3A_909 : vector<32xbf16>
        %mul3A_911 = arith.constant 16 : i32
        %mul3A_912 = arith.muli %scan3A_107, %mul3A_911 : i32
        %get3A_913 = arith.constant 1 : i32
        %get3A_914 = arith.constant 29 : i32
        %get3A_915 = arith.index_cast %get3A_913 : i32 to index
        %get3A_916 = arith.index_cast %get3A_914 : i32 to index
        %get3A_917 = arith.index_cast %mul3A_912 : i32 to index
        %get3A_918 = tpu.vector_load %arg6[%get3A_915, %get3A_916, %get3A_917] {strides = array<i32>} : memref<2x32x640xi32, #tpu.memory_space<vmem>>, vector<16xi32>,
        %broadcast_in_dim3A_919 = arith.constant 0 : i32
        %broadcast_in_dim3A_920 = vector.broadcast %broadcast_in_dim3A_919 : i32 to vector<16xi32>
        %gather3A_921 = tpu.vector_load_idx %arg5[%broadcast_in_dim3A_920, %get3A_918] : memref<4x10240xi32, #tpu.memory_space<vmem>>[vector<16xi32>, vector<16xi32>], vector<16xi32>,
        %bitcast3A_922 = vector.bitcast %gather3A_921 : vector<16xi32> to vector<32xbf16>
        %max3A_923 = arith.maximumf %max3A_895, %bitcast3A_922 : vector<32xbf16>
        %broadcast_in_dim3A_924 = arith.constant 1 : i32
        %broadcast_in_dim3A_925 = vector.broadcast %broadcast_in_dim3A_924 : i32 to vector<16xi32>
        %gather3A_926 = tpu.vector_load_idx %arg5[%broadcast_in_dim3A_925, %get3A_918] : memref<4x10240xi32, #tpu.memory_space<vmem>>[vector<16xi32>, vector<16xi32>], vector<16xi32>,
        %bitcast3A_927 = vector.bitcast %gather3A_926 : vector<16xi32> to vector<32xbf16>
        %max3A_928 = arith.maximumf %max3A_900, %bitcast3A_927 : vector<32xbf16>
        %broadcast_in_dim3A_929 = arith.constant 2 : i32
        %broadcast_in_dim3A_930 = vector.broadcast %broadcast_in_dim3A_929 : i32 to vector<16xi32>
        %gather3A_931 = tpu.vector_load_idx %arg5[%broadcast_in_dim3A_930, %get3A_918] : memref<4x10240xi32, #tpu.memory_space<vmem>>[vector<16xi32>, vector<16xi32>], vector<16xi32>,
        %bitcast3A_932 = vector.bitcast %gather3A_931 : vector<16xi32> to vector<32xbf16>
        %max3A_933 = arith.maximumf %max3A_905, %bitcast3A_932 : vector<32xbf16>
        %broadcast_in_dim3A_934 = arith.constant 3 : i32
        %broadcast_in_dim3A_935 = vector.broadcast %broadcast_in_dim3A_934 : i32 to vector<16xi32>
        %gather3A_936 = tpu.vector_load_idx %arg5[%broadcast_in_dim3A_935, %get3A_918] : memref<4x10240xi32, #tpu.memory_space<vmem>>[vector<16xi32>, vector<16xi32>], vector<16xi32>,
        %bitcast3A_937 = vector.bitcast %gather3A_936 : vector<16xi32> to vector<32xbf16>
        %max3A_938 = arith.maximumf %max3A_910, %bitcast3A_937 : vector<32xbf16>
        %mul3A_939 = arith.constant 16 : i32
        %mul3A_940 = arith.muli %scan3A_107, %mul3A_939 : i32
        %get3A_941 = arith.constant 1 : i32
        %get3A_942 = arith.constant 30 : i32
        %get3A_943 = arith.index_cast %get3A_941 : i32 to index
        %get3A_944 = arith.index_cast %get3A_942 : i32 to index
        %get3A_945 = arith.index_cast %mul3A_940 : i32 to index
        %get3A_946 = tpu.vector_load %arg6[%get3A_943, %get3A_944, %get3A_945] {strides = array<i32>} : memref<2x32x640xi32, #tpu.memory_space<vmem>>, vector<16xi32>,
        %broadcast_in_dim3A_947 = arith.constant 0 : i32
        %broadcast_in_dim3A_948 = vector.broadcast %broadcast_in_dim3A_947 : i32 to vector<16xi32>
        %gather3A_949 = tpu.vector_load_idx %arg5[%broadcast_in_dim3A_948, %get3A_946] : memref<4x10240xi32, #tpu.memory_space<vmem>>[vector<16xi32>, vector<16xi32>], vector<16xi32>,
        %bitcast3A_950 = vector.bitcast %gather3A_949 : vector<16xi32> to vector<32xbf16>
        %max3A_951 = arith.maximumf %max3A_923, %bitcast3A_950 : vector<32xbf16>
        %broadcast_in_dim3A_952 = arith.constant 1 : i32
        %broadcast_in_dim3A_953 = vector.broadcast %broadcast_in_dim3A_952 : i32 to vector<16xi32>
        %gather3A_954 = tpu.vector_load_idx %arg5[%broadcast_in_dim3A_953, %get3A_946] : memref<4x10240xi32, #tpu.memory_space<vmem>>[vector<16xi32>, vector<16xi32>], vector<16xi32>,
        %bitcast3A_955 = vector.bitcast %gather3A_954 : vector<16xi32> to vector<32xbf16>
        %max3A_956 = arith.maximumf %max3A_928, %bitcast3A_955 : vector<32xbf16>
        %broadcast_in_dim3A_957 = arith.constant 2 : i32
        %broadcast_in_dim3A_958 = vector.broadcast %broadcast_in_dim3A_957 : i32 to vector<16xi32>
        %gather3A_959 = tpu.vector_load_idx %arg5[%broadcast_in_dim3A_958, %get3A_946] : memref<4x10240xi32, #tpu.memory_space<vmem>>[vector<16xi32>, vector<16xi32>], vector<16xi32>,
        %bitcast3A_960 = vector.bitcast %gather3A_959 : vector<16xi32> to vector<32xbf16>
        %max3A_961 = arith.maximumf %max3A_933, %bitcast3A_960 : vector<32xbf16>
        %broadcast_in_dim3A_962 = arith.constant 3 : i32
        %broadcast_in_dim3A_963 = vector.broadcast %broadcast_in_dim3A_962 : i32 to vector<16xi32>
        %gather3A_964 = tpu.vector_load_idx %arg5[%broadcast_in_dim3A_963, %get3A_946] : memref<4x10240xi32, #tpu.memory_space<vmem>>[vector<16xi32>, vector<16xi32>], vector<16xi32>,
        %bitcast3A_965 = vector.bitcast %gather3A_964 : vector<16xi32> to vector<32xbf16>
        %max3A_966 = arith.maximumf %max3A_938, %bitcast3A_965 : vector<32xbf16>
        %mul3A_967 = arith.constant 16 : i32
        %mul3A_968 = arith.muli %scan3A_107, %mul3A_967 : i32
        %get3A_969 = arith.constant 1 : i32
        %get3A_970 = arith.constant 31 : i32
        %get3A_971 = arith.index_cast %get3A_969 : i32 to index
        %get3A_972 = arith.index_cast %get3A_970 : i32 to index
        %get3A_973 = arith.index_cast %mul3A_968 : i32 to index
        %get3A_974 = tpu.vector_load %arg6[%get3A_971, %get3A_972, %get3A_973] {strides = array<i32>} : memref<2x32x640xi32, #tpu.memory_space<vmem>>, vector<16xi32>,
        %broadcast_in_dim3A_975 = arith.constant 0 : i32
        %broadcast_in_dim3A_976 = vector.broadcast %broadcast_in_dim3A_975 : i32 to vector<16xi32>
        %gather3A_977 = tpu.vector_load_idx %arg5[%broadcast_in_dim3A_976, %get3A_974] : memref<4x10240xi32, #tpu.memory_space<vmem>>[vector<16xi32>, vector<16xi32>], vector<16xi32>,
        %bitcast3A_978 = vector.bitcast %gather3A_977 : vector<16xi32> to vector<32xbf16>
        %max3A_979 = arith.maximumf %max3A_951, %bitcast3A_978 : vector<32xbf16>
        %broadcast_in_dim3A_980 = arith.constant 1 : i32
        %broadcast_in_dim3A_981 = vector.broadcast %broadcast_in_dim3A_980 : i32 to vector<16xi32>
        %gather3A_982 = tpu.vector_load_idx %arg5[%broadcast_in_dim3A_981, %get3A_974] : memref<4x10240xi32, #tpu.memory_space<vmem>>[vector<16xi32>, vector<16xi32>], vector<16xi32>,
        %bitcast3A_983 = vector.bitcast %gather3A_982 : vector<16xi32> to vector<32xbf16>
        %max3A_984 = arith.maximumf %max3A_956, %bitcast3A_983 : vector<32xbf16>
        %broadcast_in_dim3A_985 = arith.constant 2 : i32
        %broadcast_in_dim3A_986 = vector.broadcast %broadcast_in_dim3A_985 : i32 to vector<16xi32>
        %gather3A_987 = tpu.vector_load_idx %arg5[%broadcast_in_dim3A_986, %get3A_974] : memref<4x10240xi32, #tpu.memory_space<vmem>>[vector<16xi32>, vector<16xi32>], vector<16xi32>,
        %bitcast3A_988 = vector.bitcast %gather3A_987 : vector<16xi32> to vector<32xbf16>
        %max3A_989 = arith.maximumf %max3A_961, %bitcast3A_988 : vector<32xbf16>
        %broadcast_in_dim3A_990 = arith.constant 3 : i32
        %broadcast_in_dim3A_991 = vector.broadcast %broadcast_in_dim3A_990 : i32 to vector<16xi32>
        %gather3A_992 = tpu.vector_load_idx %arg5[%broadcast_in_dim3A_991, %get3A_974] : memref<4x10240xi32, #tpu.memory_space<vmem>>[vector<16xi32>, vector<16xi32>], vector<16xi32>,
        %bitcast3A_993 = vector.bitcast %gather3A_992 : vector<16xi32> to vector<32xbf16>
        %max3A_994 = arith.maximumf %max3A_966, %bitcast3A_993 : vector<32xbf16>
        %bitcast3A_995 = vector.bitcast %max3A_979 : vector<32xbf16> to vector<16xi32>
        %mul3A_996 = arith.constant 640 : i32
        %mul3A_997 = arith.muli %add3A_76, %mul3A_996 : i32
        %mul3A_998 = arith.constant 16 : i32
        %mul3A_999 = arith.muli %scan3A_107, %mul3A_998 : i32
        %add3A_1000 = arith.addi %mul3A_997, %mul3A_999 : i32
        %swap3A = arith.constant 0 : i32
        %swap3A_1001 = arith.index_cast %swap3A : i32 to index
        %swap3A_1002 = arith.index_cast %add3A_1000 : i32 to index
        %swap3A_1003 = tpu.vector_load %arg7[%swap3A_1001, %swap3A_1002] {strides = array<i32>} : memref<4x5120xi32, #tpu.memory_space<vmem>>, vector<16xi32>,
        tpu.vector_store %arg7[%swap3A_1001, %swap3A_1002], %bitcast3A_995 {strides = array<i32>} : memref<4x5120xi32, #tpu.memory_space<vmem>>, vector<16xi32>,
        %bitcast3A_1004 = vector.bitcast %max3A_984 : vector<32xbf16> to vector<16xi32>
        %mul3A_1005 = arith.constant 640 : i32
        %mul3A_1006 = arith.muli %add3A_76, %mul3A_1005 : i32
        %mul3A_1007 = arith.constant 16 : i32
        %mul3A_1008 = arith.muli %scan3A_107, %mul3A_1007 : i32
        %add3A_1009 = arith.addi %mul3A_1006, %mul3A_1008 : i32
        %swap3A_1010 = arith.constant 1 : i32
        %swap3A_1011 = arith.index_cast %swap3A_1010 : i32 to index
        %swap3A_1012 = arith.index_cast %add3A_1009 : i32 to index
        %swap3A_1013 = tpu.vector_load %arg7[%swap3A_1011, %swap3A_1012] {strides = array<i32>} : memref<4x5120xi32, #tpu.memory_space<vmem>>, vector<16xi32>,
        tpu.vector_store %arg7[%swap3A_1011, %swap3A_1012], %bitcast3A_1004 {strides = array<i32>} : memref<4x5120xi32, #tpu.memory_space<vmem>>, vector<16xi32>,
        %bitcast3A_1014 = vector.bitcast %max3A_989 : vector<32xbf16> to vector<16xi32>
        %mul3A_1015 = arith.constant 640 : i32
        %mul3A_1016 = arith.muli %add3A_76, %mul3A_1015 : i32
        %mul3A_1017 = arith.constant 16 : i32
        %mul3A_1018 = arith.muli %scan3A_107, %mul3A_1017 : i32
        %add3A_1019 = arith.addi %mul3A_1016, %mul3A_1018 : i32
        %swap3A_1020 = arith.constant 2 : i32
        %swap3A_1021 = arith.index_cast %swap3A_1020 : i32 to index
        %swap3A_1022 = arith.index_cast %add3A_1019 : i32 to index
        %swap3A_1023 = tpu.vector_load %arg7[%swap3A_1021, %swap3A_1022] {strides = array<i32>} : memref<4x5120xi32, #tpu.memory_space<vmem>>, vector<16xi32>,
        tpu.vector_store %arg7[%swap3A_1021, %swap3A_1022], %bitcast3A_1014 {strides = array<i32>} : memref<4x5120xi32, #tpu.memory_space<vmem>>, vector<16xi32>,
        %bitcast3A_1024 = vector.bitcast %max3A_994 : vector<32xbf16> to vector<16xi32>
        %mul3A_1025 = arith.constant 640 : i32
        %mul3A_1026 = arith.muli %add3A_76, %mul3A_1025 : i32
        %mul3A_1027 = arith.constant 16 : i32
        %mul3A_1028 = arith.muli %scan3A_107, %mul3A_1027 : i32
        %add3A_1029 = arith.addi %mul3A_1026, %mul3A_1028 : i32
        %swap3A_1030 = arith.constant 3 : i32
        %swap3A_1031 = arith.index_cast %swap3A_1030 : i32 to index
        %swap3A_1032 = arith.index_cast %add3A_1029 : i32 to index
        %swap3A_1033 = tpu.vector_load %arg7[%swap3A_1031, %swap3A_1032] {strides = array<i32>} : memref<4x5120xi32, #tpu.memory_space<vmem>>, vector<16xi32>,
        tpu.vector_store %arg7[%swap3A_1031, %swap3A_1032], %bitcast3A_1024 {strides = array<i32>} : memref<4x5120xi32, #tpu.memory_space<vmem>>, vector<16xi32>,
      }
      %scan3A_99 = arith.constant 40 : i32
      %add3A_100 = arith.constant 2 : i32
      %add3A_101 = arith.addi %add3A_76, %add3A_100 : i32
      %lt3A_102 = arith.constant 8 : i32
      %lt3A_103 = arith.cmpi slt, %add3A_101, %lt3A_102 : i32
      %convert_element_type3A_104 = arith.extui %lt3A_103 : i1 to i32
      %cond3A_105 = arith.constant 0 : i32
      %cond3A_106 = arith.cmpi ne, %convert_element_type3A_104, %cond3A_105 : i32
      scf.if %cond3A_106 {
        %add3A_107 = arith.constant 2 : i32
        %add3A_108 = arith.addi %add3A_76, %add3A_107 : i32
        %dma_start3A_109 = arith.constant 1 : i32
        %dma_start3A_110 = arith.constant 0 : i32
        %dma_start3A_111 = arith.constant 0 : i32
        %dma_start3A_112 = tpu.memref_slice %arg6[%dma_start3A_109, %dma_start3A_110, %dma_start3A_111] : memref<2x32x640xi32, #tpu.memory_space<vmem>> -> memref<1x32x640xi32, #tpu.memory_space<vmem>>
        %dma_start3A_113 = tpu.memref_squeeze %dma_start3A_112 : memref<1x32x640xi32, #tpu.memory_space<vmem>> -> memref<32x640xi32, #tpu.memory_space<vmem>>
        %dma_start3A_114 = arith.constant 0 : i32
        %dma_start3A_115 = arith.constant 0 : i32
        %dma_start3A_116 = tpu.memref_slice %arg3[%arg0, %add3A_108, %dma_start3A_114, %dma_start3A_115] : memref<2x8x32x640xi32, #tpu.memory_space<hbm>> -> memref<1x1x32x640xi32, #tpu.memory_space<hbm>>
        %dma_start3A_117 = tpu.memref_squeeze %dma_start3A_116 : memref<1x1x32x640xi32, #tpu.memory_space<hbm>> -> memref<32x640xi32, #tpu.memory_space<hbm>>
        %dma_start3A_118 = arith.constant 0 : i32
        %dma_start3A_119 = arith.constant 0 : i32
        %dma_start3A_120 = tpu.memref_slice %arg6[%dma_start3A_109, %dma_start3A_118, %dma_start3A_119] : memref<2x32x640xi32, #tpu.memory_space<vmem>> -> memref<1x32x640xi32, #tpu.memory_space<vmem>>
        %dma_start3A_121 = tpu.memref_squeeze %dma_start3A_120 : memref<1x32x640xi32, #tpu.memory_space<vmem>> -> memref<32x640xi32, #tpu.memory_space<vmem>>
        %dma_start3A_122 = arith.constant 0 : i32
        %dma_start3A_123 = arith.constant 0 : i32
        %dma_start3A_124 = tpu.memref_slice %arg3[%arg0, %add3A_108, %dma_start3A_122, %dma_start3A_123] : memref<2x8x32x640xi32, #tpu.memory_space<hbm>> -> memref<1x1x32x640xi32, #tpu.memory_space<hbm>>
        %dma_start3A_125 = tpu.memref_squeeze %dma_start3A_124 : memref<1x1x32x640xi32, #tpu.memory_space<hbm>> -> memref<32x640xi32, #tpu.memory_space<hbm>>
        tpu.enqueue_dma source(%dma_start3A_125 : memref<32x640xi32, #tpu.memory_space<hbm>>) target(%dma_start3A_121 : memref<32x640xi32, #tpu.memory_space<vmem>>) target_semaphore(%arg9 : memref<!tpu.dma_semaphore, #tpu.memory_space<semaphore_mem>>)
      } else {
      }
    }
    %scan3A_40 = arith.constant 4 : i32
    %mul3A_41 = arith.constant 4 : i32
    %mul3A_42 = arith.muli %arg1, %mul3A_41 : i32
    "tpu.region"() ({
      %run_scoped3A = tpu.sem_alloc : memref<!tpu.dma_semaphore, #tpu.memory_space<semaphore_mem>>
      %dma_start3A_43 = arith.constant 0 : i32
      %dma_start3A_44 = tpu.memref_slice %arg4[%arg0, %mul3A_42, %dma_start3A_43] : memref<2x64x5120xi32, #tpu.memory_space<hbm>> -> memref<1x4x5120xi32, #tpu.memory_space<hbm>>
      %dma_start3A_45 = tpu.memref_squeeze %dma_start3A_44 : memref<1x4x5120xi32, #tpu.memory_space<hbm>> -> memref<4x5120xi32, #tpu.memory_space<hbm>>
      %dma_start3A_46 = arith.constant 0 : i32
      %dma_start3A_47 = tpu.memref_slice %arg4[%arg0, %mul3A_42, %dma_start3A_46] : memref<2x64x5120xi32, #tpu.memory_space<hbm>> -> memref<1x4x5120xi32, #tpu.memory_space<hbm>>
      %dma_start3A_48 = tpu.memref_squeeze %dma_start3A_47 : memref<1x4x5120xi32, #tpu.memory_space<hbm>> -> memref<4x5120xi32, #tpu.memory_space<hbm>>
      tpu.enqueue_dma source(%arg7 : memref<4x5120xi32, #tpu.memory_space<vmem>>) target(%dma_start3A_48 : memref<4x5120xi32, #tpu.memory_space<hbm>>) target_semaphore(%run_scoped3A : memref<!tpu.dma_semaphore, #tpu.memory_space<semaphore_mem>>)
      %dma_wait3A = arith.constant 0 : i32
      %dma_wait3A_49 = tpu.memref_slice %arg4[%arg0, %mul3A_42, %dma_wait3A] : memref<2x64x5120xi32, #tpu.memory_space<hbm>> -> memref<1x4x5120xi32, #tpu.memory_space<hbm>>
      %dma_wait3A_50 = tpu.memref_squeeze %dma_wait3A_49 : memref<1x4x5120xi32, #tpu.memory_space<hbm>> -> memref<4x5120xi32, #tpu.memory_space<hbm>>
      %dma_wait3A_51 = arith.constant 0 : i32
      %dma_wait3A_52 = tpu.memref_slice %arg4[%arg0, %mul3A_42, %dma_wait3A_51] : memref<2x64x5120xi32, #tpu.memory_space<hbm>> -> memref<1x4x5120xi32, #tpu.memory_space<hbm>>
      %dma_wait3A_53 = tpu.memref_squeeze %dma_wait3A_52 : memref<1x4x5120xi32, #tpu.memory_space<hbm>> -> memref<4x5120xi32, #tpu.memory_space<hbm>>
      tpu.wait_dma2 semaphore(%run_scoped3A : memref<!tpu.dma_semaphore, #tpu.memory_space<semaphore_mem>>) src(%arg7 : memref<4x5120xi32, #tpu.memory_space<vmem>>) dst(%dma_wait3A_53 : memref<4x5120xi32, #tpu.memory_space<hbm>>)
      tpu.yield
    }) : () -> ()
    return
  }
}

module attributes {stable_mosaic.version = 14 : i64} {
  func.func @_pre_body(%arg0: memref<128x10240xf32, #tpu.memory_space<vmem>>, %arg1: memref<128x128xf32, #tpu.memory_space<vmem>>, %arg2: memref<64x10240xi32, #tpu.memory_space<vmem>>) attributes {dimension_semantics = [], scalar_prefetch = 0 : i64, scratch_operands = 0 : i64, tpu.core_type = #tpu.core_type<tc>} {
    %get3A = arith.constant 0 : index
    %get3A_0 = arith.constant 0 : index
    %get3A_1 = vector.load %arg0[%get3A, %get3A_0] : memref<128x10240xf32, #tpu.memory_space<vmem>>, vector<128x10240xf32>
    %get3A_2 = arith.constant 0 : index
    %get3A_3 = arith.constant 0 : index
    %get3A_4 = vector.load %arg1[%get3A_2, %get3A_3] : memref<128x128xf32, #tpu.memory_space<vmem>>, vector<64x128xf32>
    %dot_general3A = arith.constant dense<0.000000e+00> : vector<64x10240xf32>
    %dot_general3A_5 = tpu.matmul %get3A_4, %get3A_1, %dot_general3A {dimension_numbers = #tpu.dot_dimension_numbers<[1], [0], [0], [1], [0, 0, 1, 1], [], []>, transpose_lhs_hint = false} : vector<64x128xf32>, vector<128x10240xf32>, vector<64x10240xf32> -> vector<64x10240xf32>
    %max3A = arith.constant 0.000000e+00 : f32
    %max3A_6 = vector.broadcast %max3A : f32 to vector<64x10240xf32>
    %max3A_7 = arith.maximumf %dot_general3A_5, %max3A_6 : vector<64x10240xf32>
    %get3A_8 = arith.constant 64 : index
    %get3A_9 = arith.constant 0 : index
    %get3A_10 = vector.load %arg1[%get3A_8, %get3A_9] : memref<128x128xf32, #tpu.memory_space<vmem>>, vector<64x128xf32>
    %dot_general3A_11 = arith.constant dense<0.000000e+00> : vector<64x10240xf32>
    %dot_general3A_12 = tpu.matmul %get3A_10, %get3A_1, %dot_general3A_11 {dimension_numbers = #tpu.dot_dimension_numbers<[1], [0], [0], [1], [0, 0, 1, 1], [], []>, transpose_lhs_hint = false} : vector<64x128xf32>, vector<128x10240xf32>, vector<64x10240xf32> -> vector<64x10240xf32>
    %max3A_13 = arith.constant 0.000000e+00 : f32
    %max3A_14 = vector.broadcast %max3A_13 : f32 to vector<64x10240xf32>
    %max3A_15 = arith.maximumf %dot_general3A_12, %max3A_14 : vector<64x10240xf32>
    %bitcast_convert_type3A = tpu.bitcast %max3A_15 : vector<64x10240xf32> -> vector<64x10240xi32>
    %add3A = arith.constant 32767 : i32
    %add3A_16 = vector.broadcast %add3A : i32 to vector<64x10240xi32>
    %add3A_17 = arith.addi %bitcast_convert_type3A, %add3A_16 : vector<64x10240xi32>
    %shift_right_arithmetic3A = arith.constant 16 : i32
    %shift_right_arithmetic3A_18 = vector.broadcast %shift_right_arithmetic3A : i32 to vector<64x10240xi32>
    %shift_right_arithmetic3A_19 = arith.shrsi %bitcast_convert_type3A, %shift_right_arithmetic3A_18 : vector<64x10240xi32>
    %and3A = arith.constant 1 : i32
    %and3A_20 = vector.broadcast %and3A : i32 to vector<64x10240xi32>
    %and3A_21 = arith.andi %shift_right_arithmetic3A_19, %and3A_20 : vector<64x10240xi32>
    %add3A_22 = arith.addi %add3A_17, %and3A_21 : vector<64x10240xi32>
    %shift_right_arithmetic3A_23 = arith.constant 16 : i32
    %shift_right_arithmetic3A_24 = vector.broadcast %shift_right_arithmetic3A_23 : i32 to vector<64x10240xi32>
    %shift_right_arithmetic3A_25 = arith.shrsi %add3A_22, %shift_right_arithmetic3A_24 : vector<64x10240xi32>
    %shift_left3A = arith.constant 16 : i32
    %shift_left3A_26 = vector.broadcast %shift_left3A : i32 to vector<64x10240xi32>
    %shift_left3A_27 = arith.shli %shift_right_arithmetic3A_25, %shift_left3A_26 : vector<64x10240xi32>
    %bitcast_convert_type3A_28 = tpu.bitcast %max3A_7 : vector<64x10240xf32> -> vector<64x10240xi32>
    %add3A_29 = arith.constant 32767 : i32
    %add3A_30 = vector.broadcast %add3A_29 : i32 to vector<64x10240xi32>
    %add3A_31 = arith.addi %bitcast_convert_type3A_28, %add3A_30 : vector<64x10240xi32>
    %shift_right_arithmetic3A_32 = arith.constant 16 : i32
    %shift_right_arithmetic3A_33 = vector.broadcast %shift_right_arithmetic3A_32 : i32 to vector<64x10240xi32>
    %shift_right_arithmetic3A_34 = arith.shrsi %bitcast_convert_type3A_28, %shift_right_arithmetic3A_33 : vector<64x10240xi32>
    %and3A_35 = arith.constant 1 : i32
    %and3A_36 = vector.broadcast %and3A_35 : i32 to vector<64x10240xi32>
    %and3A_37 = arith.andi %shift_right_arithmetic3A_34, %and3A_36 : vector<64x10240xi32>
    %add3A_38 = arith.addi %add3A_31, %and3A_37 : vector<64x10240xi32>
    %shift_right_arithmetic3A_39 = arith.constant 16 : i32
    %shift_right_arithmetic3A_40 = vector.broadcast %shift_right_arithmetic3A_39 : i32 to vector<64x10240xi32>
    %shift_right_arithmetic3A_41 = arith.shrsi %add3A_38, %shift_right_arithmetic3A_40 : vector<64x10240xi32>
    %or3A = arith.ori %shift_left3A_27, %shift_right_arithmetic3A_41 : vector<64x10240xi32>
    %swap3A = arith.constant 0 : index
    %swap3A_42 = arith.constant 0 : index
    %swap3A_43 = vector.load %arg2[%swap3A, %swap3A_42] : memref<64x10240xi32, #tpu.memory_space<vmem>>, vector<64x10240xi32>
    tpu.vector_store %arg2[%swap3A, %swap3A_42], %or3A {strides = array<i32>} : memref<64x10240xi32, #tpu.memory_space<vmem>>, vector<64x10240xi32>,
    return
  }
}

module attributes {stable_mosaic.version = 14 : i64} {
  func.func @_post_body(%arg0: memref<128x10240xf32, #tpu.memory_space<vmem>>, %arg1: memref<2x64x5120xi32, #tpu.memory_space<vmem>>, %arg2: memref<128x256xf32, #tpu.memory_space<vmem>>, %arg3: memref<128x1xf32, #tpu.memory_space<vmem>>, %arg4: memref<128x10240xf32, #tpu.memory_space<vmem>>) attributes {dimension_semantics = [], scalar_prefetch = 0 : i64, scratch_operands = 0 : i64, tpu.core_type = #tpu.core_type<tc>} {
    %get3A = arith.constant 0 : index
    %get3A_0 = arith.constant 0 : index
    %get3A_1 = vector.load %arg2[%get3A, %get3A_0] : memref<128x256xf32, #tpu.memory_space<vmem>>, vector<128x128xf32>
    %get3A_2 = arith.constant 0 : index
    %get3A_3 = arith.constant 128 : index
    %get3A_4 = vector.load %arg2[%get3A_2, %get3A_3] : memref<128x256xf32, #tpu.memory_space<vmem>>, vector<128x64xf32>
    %get3A_5 = arith.constant 0 : index
    %get3A_6 = arith.constant 192 : index
    %get3A_7 = vector.load %arg2[%get3A_5, %get3A_6] : memref<128x256xf32, #tpu.memory_space<vmem>>, vector<128x64xf32>
    %get3A_8 = arith.constant 0 : index
    %get3A_9 = arith.constant 0 : index
    %get3A_10 = arith.constant 0 : index
    %get3A_11 = vector.load %arg1[%get3A_8, %get3A_9, %get3A_10] : memref<2x64x5120xi32, #tpu.memory_space<vmem>>, vector<1x64x5120xi32>
    %get3A_12 = vector.shape_cast %get3A_11 : vector<1x64x5120xi32> to vector<64x5120xi32>
    %shift_left3A = arith.constant 16 : i32
    %shift_left3A_13 = vector.broadcast %shift_left3A : i32 to vector<64x5120xi32>
    %shift_left3A_14 = arith.shli %get3A_12, %shift_left3A_13 : vector<64x5120xi32>
    %bitcast_convert_type3A = tpu.bitcast %shift_left3A_14 : vector<64x5120xi32> -> vector<64x5120xf32>
    %and3A = arith.constant -65536 : i32
    %and3A_15 = vector.broadcast %and3A : i32 to vector<64x5120xi32>
    %and3A_16 = arith.andi %get3A_12, %and3A_15 : vector<64x5120xi32>
    %bitcast_convert_type3A_17 = tpu.bitcast %and3A_16 : vector<64x5120xi32> -> vector<64x5120xf32>
    %get3A_18 = arith.constant 0 : index
    %get3A_19 = arith.constant 0 : index
    %get3A_20 = vector.load %arg0[%get3A_18, %get3A_19] : memref<128x10240xf32, #tpu.memory_space<vmem>>, vector<128x5120xf32>
    %dot_general3A = arith.constant dense<0.000000e+00> : vector<128x5120xf32>
    %dot_general3A_21 = tpu.matmul %get3A_1, %get3A_20, %dot_general3A {dimension_numbers = #tpu.dot_dimension_numbers<[1], [0], [0], [1], [0, 0, 1, 1], [], []>, transpose_lhs_hint = false} : vector<128x128xf32>, vector<128x5120xf32>, vector<128x5120xf32> -> vector<128x5120xf32>
    %dot_general3A_22 = arith.constant dense<0.000000e+00> : vector<128x5120xf32>
    %dot_general3A_23 = tpu.matmul %get3A_4, %bitcast_convert_type3A, %dot_general3A_22 {dimension_numbers = #tpu.dot_dimension_numbers<[1], [0], [0], [1], [0, 0, 1, 1], [], []>, transpose_lhs_hint = false} : vector<128x64xf32>, vector<64x5120xf32>, vector<128x5120xf32> -> vector<128x5120xf32>
    %add3A = arith.addf %dot_general3A_21, %dot_general3A_23 : vector<128x5120xf32>
    %dot_general3A_24 = arith.constant dense<0.000000e+00> : vector<128x5120xf32>
    %dot_general3A_25 = tpu.matmul %get3A_7, %bitcast_convert_type3A_17, %dot_general3A_24 {dimension_numbers = #tpu.dot_dimension_numbers<[1], [0], [0], [1], [0, 0, 1, 1], [], []>, transpose_lhs_hint = false} : vector<128x64xf32>, vector<64x5120xf32>, vector<128x5120xf32> -> vector<128x5120xf32>
    %add3A_26 = arith.addf %add3A, %dot_general3A_25 : vector<128x5120xf32>
    %max3A = arith.constant 0.000000e+00 : f32
    %max3A_27 = vector.broadcast %max3A : f32 to vector<128x5120xf32>
    %max3A_28 = arith.maximumf %add3A_26, %max3A_27 : vector<128x5120xf32>
    %get3A_29 = arith.constant 0 : index
    %get3A_30 = arith.constant 0 : index
    %get3A_31 = vector.load %arg3[%get3A_29, %get3A_30] : memref<128x1xf32, #tpu.memory_space<vmem>>, vector<128x1xf32>
    %add3A_32 = vector.broadcast %get3A_31 : vector<128x1xf32> to vector<128x5120xf32>
    %add3A_33 = arith.addf %max3A_28, %add3A_32 : vector<128x5120xf32>
    %mul3A = arith.mulf %add3A_33, %add3A_33 : vector<128x5120xf32>
    %reduce_sum3A = arith.constant dense<0.000000e+00> : vector<5120xf32>
    %reduce_sum3A_34 = vector.multi_reduction <add>, %mul3A, %reduce_sum3A [0] : vector<128x5120xf32> to vector<5120xf32>
    %broadcast_in_dim3A = vector.shape_cast %reduce_sum3A_34 : vector<5120xf32> to vector<1x5120xf32>
    %sqrt3A = math.sqrt %broadcast_in_dim3A : vector<1x5120xf32>
    %max3A_35 = arith.constant 9.99999996E-13 : f32
    %max3A_36 = vector.broadcast %max3A_35 : f32 to vector<1x5120xf32>
    %max3A_37 = arith.maximumf %sqrt3A, %max3A_36 : vector<1x5120xf32>
    %div3A = vector.broadcast %max3A_37 : vector<1x5120xf32> to vector<128x5120xf32>
    %div3A_38 = arith.divf %add3A_33, %div3A : vector<128x5120xf32>
    %swap3A = arith.constant 0 : index
    %swap3A_39 = arith.constant 0 : index
    %swap3A_40 = vector.load %arg4[%swap3A, %swap3A_39] : memref<128x10240xf32, #tpu.memory_space<vmem>>, vector<128x5120xf32>
    tpu.vector_store %arg4[%swap3A, %swap3A_39], %div3A_38 {strides = array<i32>} : memref<128x10240xf32, #tpu.memory_space<vmem>>, vector<128x5120xf32>,
    %get3A_41 = arith.constant 1 : index
    %get3A_42 = arith.constant 0 : index
    %get3A_43 = arith.constant 0 : index
    %get3A_44 = vector.load %arg1[%get3A_41, %get3A_42, %get3A_43] : memref<2x64x5120xi32, #tpu.memory_space<vmem>>, vector<1x64x5120xi32>
    %get3A_45 = vector.shape_cast %get3A_44 : vector<1x64x5120xi32> to vector<64x5120xi32>
    %shift_left3A_46 = arith.constant 16 : i32
    %shift_left3A_47 = vector.broadcast %shift_left3A_46 : i32 to vector<64x5120xi32>
    %shift_left3A_48 = arith.shli %get3A_45, %shift_left3A_47 : vector<64x5120xi32>
    %bitcast_convert_type3A_49 = tpu.bitcast %shift_left3A_48 : vector<64x5120xi32> -> vector<64x5120xf32>
    %and3A_50 = arith.constant -65536 : i32
    %and3A_51 = vector.broadcast %and3A_50 : i32 to vector<64x5120xi32>
    %and3A_52 = arith.andi %get3A_45, %and3A_51 : vector<64x5120xi32>
    %bitcast_convert_type3A_53 = tpu.bitcast %and3A_52 : vector<64x5120xi32> -> vector<64x5120xf32>
    %get3A_54 = arith.constant 0 : index
    %get3A_55 = arith.constant 5120 : index
    %get3A_56 = vector.load %arg0[%get3A_54, %get3A_55] : memref<128x10240xf32, #tpu.memory_space<vmem>>, vector<128x5120xf32>
    %dot_general3A_57 = arith.constant dense<0.000000e+00> : vector<128x5120xf32>
    %dot_general3A_58 = tpu.matmul %get3A_1, %get3A_56, %dot_general3A_57 {dimension_numbers = #tpu.dot_dimension_numbers<[1], [0], [0], [1], [0, 0, 1, 1], [], []>, transpose_lhs_hint = false} : vector<128x128xf32>, vector<128x5120xf32>, vector<128x5120xf32> -> vector<128x5120xf32>
    %dot_general3A_59 = arith.constant dense<0.000000e+00> : vector<128x5120xf32>
    %dot_general3A_60 = tpu.matmul %get3A_4, %bitcast_convert_type3A_49, %dot_general3A_59 {dimension_numbers = #tpu.dot_dimension_numbers<[1], [0], [0], [1], [0, 0, 1, 1], [], []>, transpose_lhs_hint = false} : vector<128x64xf32>, vector<64x5120xf32>, vector<128x5120xf32> -> vector<128x5120xf32>
    %add3A_61 = arith.addf %dot_general3A_58, %dot_general3A_60 : vector<128x5120xf32>
    %dot_general3A_62 = arith.constant dense<0.000000e+00> : vector<128x5120xf32>
    %dot_general3A_63 = tpu.matmul %get3A_7, %bitcast_convert_type3A_53, %dot_general3A_62 {dimension_numbers = #tpu.dot_dimension_numbers<[1], [0], [0], [1], [0, 0, 1, 1], [], []>, transpose_lhs_hint = false} : vector<128x64xf32>, vector<64x5120xf32>, vector<128x5120xf32> -> vector<128x5120xf32>
    %add3A_64 = arith.addf %add3A_61, %dot_general3A_63 : vector<128x5120xf32>
    %max3A_65 = arith.constant 0.000000e+00 : f32
    %max3A_66 = vector.broadcast %max3A_65 : f32 to vector<128x5120xf32>
    %max3A_67 = arith.maximumf %add3A_64, %max3A_66 : vector<128x5120xf32>
    %get3A_68 = arith.constant 0 : index
    %get3A_69 = arith.constant 0 : index
    %get3A_70 = vector.load %arg3[%get3A_68, %get3A_69] : memref<128x1xf32, #tpu.memory_space<vmem>>, vector<128x1xf32>
    %add3A_71 = vector.broadcast %get3A_70 : vector<128x1xf32> to vector<128x5120xf32>
    %add3A_72 = arith.addf %max3A_67, %add3A_71 : vector<128x5120xf32>
    %mul3A_73 = arith.mulf %add3A_72, %add3A_72 : vector<128x5120xf32>
    %reduce_sum3A_74 = arith.constant dense<0.000000e+00> : vector<5120xf32>
    %reduce_sum3A_75 = vector.multi_reduction <add>, %mul3A_73, %reduce_sum3A_74 [0] : vector<128x5120xf32> to vector<5120xf32>
    %broadcast_in_dim3A_76 = vector.shape_cast %reduce_sum3A_75 : vector<5120xf32> to vector<1x5120xf32>
    %sqrt3A_77 = math.sqrt %broadcast_in_dim3A_76 : vector<1x5120xf32>
    %max3A_78 = arith.constant 9.99999996E-13 : f32
    %max3A_79 = vector.broadcast %max3A_78 : f32 to vector<1x5120xf32>
    %max3A_80 = arith.maximumf %sqrt3A_77, %max3A_79 : vector<1x5120xf32>
    %div3A_81 = vector.broadcast %max3A_80 : vector<1x5120xf32> to vector<128x5120xf32>
    %div3A_82 = arith.divf %add3A_72, %div3A_81 : vector<128x5120xf32>
    %swap3A_83 = arith.constant 0 : index
    %swap3A_84 = arith.constant 5120 : index
    %swap3A_85 = vector.load %arg4[%swap3A_83, %swap3A_84] : memref<128x10240xf32, #tpu.memory_space<vmem>>, vector<128x5120xf32>
    tpu.vector_store %arg4[%swap3A_83, %swap3A_84], %div3A_82 {strides = array<i32>} : memref<128x10240xf32, #tpu.memory_space<vmem>>, vector<128x5120xf32>,
    return
  }
}

</mosaic_0001>

<sc_bundles>
// kernel: kernel.5.cloned.1.call-start
scs
__scs_entry_jumppad:
0x0: {  	(pc) =	sbr.rel $0x88, $3  }
0x1: {  	(tag) =	ssettag $0x0;
	lr =	simm.s32 $0x1  }
0x2: {  	[smem:$0x3F9C] =	sst lr;
	_ =	strace $0xD0000000  }
0x3: {  	_ = 	snop  }
0x4: {  	_ = 	snop  }
0x5: {  	_ = 	snop  }
0x6: {  	_ = 	snop  }
0x7: {  	_ = 	snop  }
__scs_overlays_trampoline_lowered:
0x8: {  	[smem:$0x3FAB] =	sst s0  }
0x9: {  	[smem:$0x3FAC] =	sst s1  }
0xa: {  	[smem:$0x3FAD] =	sst s2  }
0xb: {  	[smem:$0x3FAE] =	sst s3  }
0xc: {  	[smem:$0x3FAF] =	sst s4  }
0xd: {  	[smem:$0x3FB0] =	sst s5  }
0xe: {  	[smem:$0x3FB1] =	sst s6  }
0xf: {  	[smem:$0x3FB2] =	sst s7  }
0x10: {  	[smem:$0x3FB3] =	sst s8  }
0x11: {  	[smem:$0x3FB4] =	sst s9;
	s0 =	simm.s32 @!p0 $0x0  }
0x12: {  	s1 =	sld [smem:$0x3F9A];
	s0 =	simm.s32 @p0 $0x1  }
0x13: {  	[smem:$0x3FB5] =	sst s0;
	s0 =	simm.s32 @!p1 $0x0  }
0x14: {  	s2 =	sld [smem:$0x3F99];
	s0 =	simm.s32 @p1 $0x1  }
0x15: {  	[smem:$0x3FB6] =	sst s0;
	s0 =	simm.s32 @!p2 $0x0  }
0x16: {  	s3 =	sld [smem:$0x3FDB];
	s0 =	simm.s32 @p2 $0x1  }
0x17: {  	s4 =	simm.s32 $0x1BF5;
	[smem:$0x3FB8] =	sst s0  }
0x18: {  	s0 =	sld [smem:$0x3F9B];
	_ =	swait.ge [sflag:s4], $0x0  }
0x19: {  	s7 =	sld [smem:$0x3F9C]  }
0x1a: {  	s8 =	sadd.s32 $0xFFFFE003, lr  }
0x1b: {  	s9 =	sadd.s32 $0xFFFFFEF7, lr;
	s5 =	simm.s32 $0xFFFFFFFF;
	p2 =	slt.u32 s8, $0xFFFFF086  }
0x1c: {  	p1 =	slt.u32 s9, $0xF7A;
	s5 =	simm.s32 @!p2 $0x0  }
0x1d: {  	s5 =	simm.s32 @p1 $0x1;
	p0 =	seq.s32 s7, s2  }
0x1e: {  	s7 =	smul.u32 @!p0 $0xF7A, s2;
	p2 =	seq.s32 @!p0 s5, $0x0  }
0x1f: {  	s9 =	smul.u32 $0xF7A, s1;
	s8 =	simm.s32 @!p0 $0x1BF5;
	p2 =	por !p2, p0  }
0x20: {  	[sflag:s8] =	ssyncset.s32 @!p0 $0xFFFFF086;
	s6 =	sadd.s32 @!p0 s3, s7;
	s7 =	simm.s32 @!p0 $0x108  }
0x21: {  	s3 =	sadd.s32 s3, s9;
	s6 =	sadd.s32 @!p0 $0x88, s6;
	s7 =	simm.s32 @p2 $0x1082  }
0x22: {  	[simem:s7], [sflag:s8] =	dma.local @!p0 [hbm:s6], $0xF7A  }
0x23: {  	s9 =	sor.u32 $0xD0000000, s2;
	s6 =	simm.s32 $0x108;
	_ =	swait.ge @!p0 [sflag:s8], $0x0  }
0x24: {  	s3 =	sadd.s32 $0x88, s3;
	s6 =	simm.s32 @!p1 $0x1082;
	[sflag:s4] =	ssyncset.s32 $0xFFFFF086  }
0x25: {  	[simem:s6], [sflag:s4] =	dma.local [hbm:s3], $0xF7A  }
0x26: {  	[smem:$0x3F9C] =	sst s1;
	(tag) =	ssettag s2;
	_ =	strace s9  }
0x27: {  	s1 =	sld [smem:$0x3FAC]  }
0x28: {  	s2 =	sld [smem:$0x3FAD]  }
0x29: {  	s4 =	sld [smem:$0x3FAF]  }
0x2a: {  	p0 =	seq.s32 s5, $0x0;
	s5 =	sld [smem:$0x3FB0]  }
0x2b: {  	s6 =	sld [smem:$0x3FB1]  }
0x2c: {  	s7 =	sld [smem:$0x3FB2]  }
0x2d: {  	s3 =	simm.s32 $0x108;
	s8 =	sld [smem:$0x3FB3]  }
0x2e: {  	s3 =	simm.s32 @!p0 $0x1082;
	s9 =	sld [smem:$0x3FB4]  }
0x2f: {  	lr =	sadd.s32 s0, s3;
	s0 =	sld [smem:$0x3FAB]  }
0x30: {  	s3 =	sld [smem:$0x3FAE]  }
0x31: {  	[smem:$0x3FB7] =	sst s10  }
0x32: {  	s10 =	sld [smem:$0x3FB5];
	_ =	sdelay $0x3  }
0x33: {  	p0 =	seq.s32 s10, $0x1;
	s10 =	sld [smem:$0x3FB7];
	_ =	sdelay $0x3  }
0x34: {  	[smem:$0x3FB7] =	sst s10  }
0x35: {  	s10 =	sld [smem:$0x3FB6];
	_ =	sdelay $0x3  }
0x36: {  	p1 =	seq.s32 s10, $0x1;
	s10 =	sld [smem:$0x3FB7];
	_ =	sdelay $0x3  }
0x37: {  	[smem:$0x3FB7] =	sst s10  }
0x38: {  	s10 =	sld [smem:$0x3FB8]  }
0x39: {  	_ = 	snop;
	(pc) =	sbr.ind lr, $3  }
0x3a: {  	_ = 	snop  }
0x3b: {  	_ = 	snop  }
0x3c: {  	p2 =	seq.s32 s10, $0x1;
	s10 =	sld [smem:$0x3FB7]  }
0x3d: {  	_ =	shalt  }
0x3e: {  	_ =	shalt  }
0x3f: {  	_ =	shalt  }
0x40: {  	_ =	shalt  }
0x41: {  	_ =	shalt  }
0x42: {  	_ =	shalt  }
0x43: {  	_ =	shalt  }
0x44: {  	_ =	shalt  }
0x45: {  	_ =	shalt  }
0x46: {  	_ =	shalt  }
0x47: {  	_ =	shalt  }
0x48: {  	_ =	shalt  }
0x49: {  	_ =	shalt  }
0x4a: {  	_ =	shalt  }
0x4b: {  	_ =	shalt  }
0x4c: {  	_ =	shalt  }
0x4d: {  	_ =	shalt  }
0x4e: {  	_ =	shalt  }
0x4f: {  	_ =	shalt  }
0x50: {  	_ =	shalt  }
0x51: {  	_ =	shalt  }
0x52: {  	_ =	shalt  }
0x53: {  	_ =	shalt  }
0x54: {  	_ =	shalt  }
0x55: {  	_ =	shalt  }
0x56: {  	_ =	shalt  }
0x57: {  	_ =	shalt  }
0x58: {  	_ =	shalt  }
0x59: {  	_ =	shalt  }
0x5a: {  	_ =	shalt  }
0x5b: {  	_ =	shalt  }
0x5c: {  	_ =	shalt  }
0x5d: {  	_ =	shalt  }
0x5e: {  	_ =	shalt  }
0x5f: {  	_ =	shalt  }
0x60: {  	_ =	shalt  }
0x61: {  	_ =	shalt  }
0x62: {  	_ =	shalt  }
0x63: {  	_ =	shalt  }
0x64: {  	_ =	shalt  }
0x65: {  	_ =	shalt  }
0x66: {  	_ =	shalt  }
0x67: {  	_ =	shalt  }
0x68: {  	_ =	shalt  }
0x69: {  	_ =	shalt  }
0x6a: {  	_ =	shalt  }
0x6b: {  	_ =	shalt  }
0x6c: {  	_ =	shalt  }
0x6d: {  	_ =	shalt  }
0x6e: {  	_ =	shalt  }
0x6f: {  	_ =	shalt  }
0x70: {  	_ =	shalt  }
0x71: {  	_ =	shalt  }
0x72: {  	_ =	shalt  }
0x73: {  	_ =	shalt  }
0x74: {  	_ =	shalt  }
0x75: {  	_ =	shalt  }
0x76: {  	_ =	shalt  }
0x77: {  	_ =	shalt  }
0x78: {  	_ =	shalt  }
0x79: {  	_ =	shalt  }
0x7a: {  	_ =	shalt  }
0x7b: {  	_ =	shalt  }
0x7c: {  	_ =	shalt  }
0x7d: {  	_ =	shalt  }
0x7e: {  	_ =	shalt  }
0x7f: {  	_ =	shalt  }
0x80: {  	_ =	shalt  }
0x81: {  	_ =	shalt  }
0x82: {  	_ =	shalt  }
0x83: {  	_ =	shalt  }
0x84: {  	_ =	shalt  }
0x85: {  	_ =	shalt  }
0x86: {  	_ =	shalt  }
0x87: {  	_ =	shalt  }
.Lfunc_end0:
.L_simem_size_0:
called_computation_lowered:
.L_overlay_start_0:
0x88: {  	s2 =	sld [smem:$0x3FD9]  }
0x89: {  	s3 =	sld [smem:$0x3FFE];
	_ =	sdelay $0x1  }
0x8a: {  	s1 =	srdreg.scid  }
0x8b: {  	s0 =	sand.u32 $0x1, s1  }
0x8c: {  	s17 =	sshll.u32 s0, $0xA;
	s2 =	sadd.s32 s3, s2  }
0x8d: {  	s2 =	sadd.s32 s2, s17  }
0x8e: {  	[smem:$0x3FC3] =	sst s2  }
0x8f: {  	_ = 	snop  }
0x90: {  	s2 =	sld [smem:$0x3FD0];
	(tm) =	ssettm $0x1  }
0x91: {  	s18 =	sld [smem:$0x3FFB];
	_ =	sdelay $0x3  }
0x92: {  	_ =	strace s18  }
0x93: {  	s3 =	sld [smem:$0x3FFC];
	_ =	sdelay $0x3  }
0x94: {  	_ =	strace s3  }
0x95: {  	s3 =	sld [smem:$0x3FFD];
	_ =	sdelay $0x3  }
0x96: {  	_ =	strace s3  }
0x97: {  	_ =	strace $0x8FFFFFFF  }
0x98: {  	s19 =	sld [smem:$0x3FDB];
	_ =	sdelay $0x1  }
0x99: {  	s4 =	simm.s32 $_scs_section_size  }
0x9a: {  	s5 =	simm.s32 $_size__tile_overlayer_lowered;
	s6 =	simm.s32 $_tile_overlayer_lowered  }
0x9b: {  	s22 =	simm.s32 $0x1BFF;
	s21 =	sshll.u32 s6, $0x1;
	s3 =	sadd.s32 s4, s19  }
0x9c: {  	s7 =	simm.s32 $0x0;
	s20 =	sshll.u32 s5, $0x1;
	s5 =	sadd.s32 s21, s3  }
0x9d: {  	[timem:s7], [sflag:s22] =	dma.local [hbm:s5], s20  }
0x9e: {  	_ =	swait.ge [sflag:s22], s20  }
0x9f: {  	s4 =	ssub.s32 $0x0, s20;
	[sflag:s22] =	ssyncset.done $0x0  }
0xa0: {  	[sflag:s22] =	ssyncadd.s32 s4;
	_ =	sdelay $0x1  }
0xa1: {  	s23 =	simm.s32 $0x1B8B  }
0xa2: {  	_ =	swait.ge [sflag:s23], $0x1  }
0xa3: {  	[sflag:s23] =	ssyncset.done $0x0  }
0xa4: {  	s25 =	simm.s32 $0x1B8E;
	s24 =	sld [smem:$0x3FFE];
	[sflag:s23] =	ssyncadd.s32 $0xFFFFFFFF  }
0xa5: {  	s26 =	simm.s32 $execute0_lowered;
	[smem:$0x3FD2] =	sst s25  }
0xa6: {  	s5 =	sshll.u32 s26, $0x1;
	_ =	strace $0x80000046;
	[dreg:$0x1] =	wrdreg $0xFFFFFFFF  }
0xa7: {  	s28 =	simm.s32 $_size_execute0_lowered;
	s3 =	sadd.s32 s3, s5;
	[dreg:$0x0] =	wrdreg $0x0  }
0xa8: {  	s5 =	sshll.u32 s28, $0x1;
	[dreg:$0x2] =	wrdreg s3  }
0xa9: {  	[dreg:$0x3] =	wrdreg s5  }
0xaa: {  	[dreg:$0x4] =	wrdreg $0xC0  }
0xab: {  	_ =	task [dreg:s7], $0x5FFFF  }
0xac: {  	[dreg:$0x1] =	wrdreg $0xFFFFFFFF  }
0xad: {  	[dreg:$0x0] =	wrdreg $0x60  }
0xae: {  	[dreg:$0x2] =	wrdreg s2  }
0xaf: {  	[dreg:$0x3] =	wrdreg s24  }
0xb0: {  	[dreg:$0x4] =	wrdreg $0x9  }
0xb1: {  	_ =	task.clear_ibuf [dreg:s7], $0x5FFFF;
	_ =	strace $0x90000046  }
0xb2: {  	s29 =	simm.s32 $0x9;
	_ =	strace $0x80000048  }
0xb3: {  	_ =	swait.ge [sflag:s29], $0x1  }
0xb4: {  	[sflag:s29] =	ssyncadd.s32 $0xFFFFFFFF  }
0xb5: {  	_ =	strace $0x90000048  }
0xb6: {  	_ =	sfence  }
0xb7: {  	s30 =	sld [smem:$0x0];
	_ =	sdelay $0x2  }
0xb8: {  	s31 =	sshll.u32 s1, $0xD;
	s1 =	sshrl.u32 s1, $0x2  }
0xb9: {  	s3 =	sand.u32 $0x4000, s31;
	s1 =	sadd.s32 s1, s30  }
0xba: {  	s0 =	sor.u32 s3, s0;
	s1 =	sshll.u32 s1, $0x11  }
0xbb: {  	s0 =	sor.u32 s1, s0  }
0xbc: {  	s0 =	sadd.s32 $0x8F2B, s0  }
0xbd: {  	[sflag:s0] =	ssyncadd.remote.s32 $0x1  }
0xbe: {  	_ =	sfence.sel $0xFFFF  }
0xbf: {  	[dreg:$0x0] =	wrdreg $0xFFFFFFFF;
	(pc) =	sbr.abs _section_cstart, $3  }
0xc0: {  	[dreg:$0x1] =	wrdreg $0xFFFFFFFF  }
0xc1: {  	_ =	task.clear_ibuf [dreg:s7], $0x2FFFF;
	_ =	strace $0x9FFFFFFF  }
0xc2: {  	(tm) =	ssettm $0x7FFFFFFF  }
0xc3: {  	_ =	shalt  }
tec
execute0_lowered:
.L_overlay_start_1:
0x0: {  	(tag) =	ssettag $0x1  }
0x1: {  	s1 =	srdreg.scid;
	s5 =	rddreg [dreg:$0x0]  }
0x2: {  	s0 =	stileid.u32;
	s7 =	rddreg [dreg:$0x1];
	s2 =	simm.s32 $0x0  }
0x3: {  	s13 =	simm.s32 $0x3;
	s14 =	simm.s32 $0xA000;
	s15 =	simm.s32 $0xF000  }
0x4: {  	s16 =	simm.s32 $0x1;
	s17 =	simm.s32 $0x2;
	s4 =	sand.u32 $0x1, s1  }
0x5: {  	s18 =	simm.s32 $0x14000;
	s3 =	sshrl.u32 s0, $0x1;
	s6 =	smul.u32 $0x50000, s4  }
0x6: {  	s19 =	simm.s32 $0x0;
	s1 =	rddreg [dreg:$0x2];
	s8 =	smul.u32 $0xA000, s3  }
0x7: {  	s9 =	sshll.u32 s0, $0x9;
	[smem:$0x7FF] =	sst s2;
	s26 =	smul.u32 $0x14000, s3  }
0x8: {  	s9 =	sand.u32 $0x200, s9;
	s10 =	smul.u32 $0x28000, s4;
	s4 =	ssub.s32 $0x2, s4  }
0x9: {  	_ =	strace $0x80000047;
	s3 =	sadd.s32 $0x1000, s7;
	s28 =	sshrl.u32 s4, $0x1  }
0xa: {  	s6 =	sadd.s32 s6, s8;
	s29 =	sor.u32 s9, s26;
	s30 =	sshrl.u32 s10, $0x3  }
.Ltmp0:
0xb: {  	s12 =	ssub.s32 s4, s28;
	s6 =	sor.u32 s9, s6;
	(pc) =	sbr.rel .LBB2_1-.Ltmp0, $4  }
0xc: {  	s8 =	sadd.s32 $0xF000, s10;
	s31 =	sshrl.u32 s29, $0x3;
	s6 =	sshrl.u32 s6, $0x3  }
0xd: {  	s4 =	sadd.s32 s3, s30;
	s5 =	sadd.s32 s5, s31;
	s11 =	sadd.s32 s6, s7  }
0xe: {  	s6 =	sadd.s32 $0xA00, s4;
	s7 =	sadd.s32 $0xA000, s10;
	s10 =	smax.u32 s12, $0x1  }
0xf: {  	s12 =	simm.s32 $0x400;
	s9 =	sadd.s32 $0xB000, s11;
	s11 =	simm.s32 $0x200  }
.LBB2_8:
0x10: {  	s19 =	sadd.s32 $0x1, s19  }
0x11: {  	p0 =	sne.s32 s19, s10  }
.Ltmp1:
0x12: {  	_ = 	snop;
	(pc) =	sbr.rel @!p0 .LBB2_9-.Ltmp1, $4  }
0x13: {  	[hbm4b:s9+s11] =	stream.strided.scatter [tilespmem:s18], [sflag:$0x3], $0x5000, s12, s11, $0x38;
	[tilespmem:$0x19000] =	vst v63  }
0x14: {  	_ =	swait.ge [sflag:s13], $0x5000  }
0x15: {  	[sflag:s13] =	ssyncset.done $0x0  }
0x16: {  	[sflag:s13] =	ssyncadd.s32 $0xFFFFB000  }
.LBB2_1:
0x17: {  	[tilespmem:s2], [sflag:$0x3] =	stream.strided.gather [hbm4b:s5+s11], $0xA000, s12, s11, $0x38;
	[tilespmem:$0x19000] =	vst v63  }
0x18: {  	_ =	swait.ge [sflag:s13], $0xA000  }
0x19: {  	[sflag:s13] =	ssyncset.done $0x0  }
0x1a: {  	[sflag:s13] =	ssyncadd.s32 $0xFFFF6000  }
0x1b: {  	[tilespmem:s14], [sflag:$0x1] =	stream.linear.gather [hbm4b:s4+s2], $0x5000, $0x38;
	[tilespmem:$0x19000] =	vst v63  }
0x1c: {  	s20 =	simm.s32 $0xA00;
	s21 =	simm.s32 $0x0;
	s22 =	simm.s32 $0x0  }
0x1d: {  	[tilespmem:s15], [sflag:$0x2] =	stream.linear.gather [hbm4b:s6+s2], $0x5000, $0x38;
	[tilespmem:$0x19000] =	vst v63  }
.LBB2_2:
0x1e: {  	_ =	swait.ge [sflag:s16], $0x5000  }
0x1f: {  	s23 =	simm.s32 $0x0;
	[sflag:s16] =	ssyncset.done $0x0  }
0x20: {  	s24 =	smov.u32 s21;
	s25 =	simm.s32 $0x0;
	[sflag:s16] =	ssyncadd.s32 $0xFFFFB000  }
.LBB2_3:
0x21: {  	s26 =	sand.u32 $0x70, s25;
	s28 =	sand.u32 $0x1C00, s23  }
0x22: {  	s28 =	sor.u32 s26, s28  }
0x23: {  	v0 =	vld [tilespmem:s28+$0xA000];
	_ =	sdelay $0x1  }
0x24: {  	v2 =	vld [tilespmem:s28+$0xA080]  }
0x25: {  	v5 =	vld [tilespmem:s28+$0xA100]  }
0x26: {  	v51 =	vld [tilespmem:s28+$0xA180]  }
0x27: {  	v57 =	vld [tilespmem:s28+$0xA200];
	v1 =	vshll.u32 v0, $0x2  }
0x28: {  	s29 =	sor.u32 s23, s25;
	v63 =	vld [tilespmem:s28+$0xA280];
	v0 =	vand.u32 $0x7F, v0;
	v1 =	vand.u32 $0xFFFFFE00, v1  }
0x29: {  	s29 =	sor.u32 $0x380, s29;
	v20 =	vld [tilespmem:s28+$0xA300];
	v0 =	vor.u32 v0, v1  }
0x2a: {  	v26 =	vld [tilespmem:s29+$0xA000];
	v4 =	vshll.u32 v2, $0x2;
	v3 =	vor.u32 $0x100, v0  }
0x2b: {  	v35 =	vld [tilespmem:s28+$0xB400];
	v2 =	vand.u32 $0x7F, v2;
	v4 =	vand.u32 $0xFFFFFE00, v4;
	v6 =	vor.u32 $0x180, v0  }
0x2c: {  	v41 =	vld [tilespmem:s28+$0xB480];
	v48 =	vor.u32 v2, v4  }
0x2d: {  	v47 =	vld [tilespmem:s28+$0xB500];
	v1 =	vor.u32 $0x80, v0  }
0x2e: {  	v50 =	vshll.u32 v5, $0x2;
	v5 =	vand.u32 $0x7F, v5;
	v49 =	vor.u32 $0x80, v48;
	v27 =	vld.idx.msk [tilespmem:v0+s2+$0x0], $0xffff  }
0x2f: {  	v56 =	vshll.u32 v51, $0x2;
	v62 =	vshll.u32 v57, $0x2;
	v2 =	vor.u32 $0x100, v48;
	v28 =	vld.idx.msk [tilespmem:v3+s2+$0x0], $0xffff  }
0x30: {  	v19 =	vshll.u32 v63, $0x2;
	v52 =	vor.u32 $0x180, v48;
	v6 =	vld.idx.msk [tilespmem:v6+s2+$0x0], $0xffff;
	v3 =	vand.u32 $0xFFFFFE00, v50  }
0x31: {  	v25 =	vshll.u32 v20, $0x2;
	v4 =	vand.u32 $0x7F, v51;
	v29 =	vld.idx.msk [tilespmem:v48+s2+$0x0], $0xffff;
	v53 =	vor.u32 v5, v3  }
0x32: {  	v10 =	vld.idx.msk [tilespmem:v1+s2+$0x0], $0xffff;
	v3 =	vand.u32 $0xFFFFFE00, v56;
	v5 =	vand.u32 $0x7F, v57;
	v54 =	vor.u32 $0x80, v53  }
0x33: {  	v1 =	vld.idx.msk [tilespmem:v49+s2+$0x0], $0xffff;
	v55 =	vor.u32 $0x100, v53;
	v59 =	vor.u32 v4, v3;
	v3 =	vand.u32 $0xFFFFFE00, v62  }
0x34: {  	v2 =	vld.idx.msk [tilespmem:v2+s2+$0x0], $0xffff;
	v4 =	vand.u32 $0x7F, v63;
	v16 =	vor.u32 v5, v3;
	v3 =	vand.u32 $0xFFFFFE00, v19  }
0x35: {  	v5 =	vand.u32 $0x7F, v20;
	v22 =	vor.u32 v4, v3;
	v3 =	vand.u32 $0xFFFFFE00, v25;
	[tilespmem:$0x1FEF0] =	vst v6;
	v6 =	vld.idx.msk [tilespmem:v52+s2+$0x0], $0xffff  }
0x36: {  	v40 =	vshll.u32 v35, $0x2;
	v31 =	vor.u32 v5, v3;
	v5 =	vand.u32 $0x7F, v35;
	v35 =	vld [tilespmem:s28+$0xB700]  }
0x37: {  	v11 =	vld.idx.msk [tilespmem:v53+s2+$0x0], $0xffff  }
0x38: {  	v58 =	vor.u32 $0x180, v53;
	v61 =	vor.u32 $0x100, v59;
	v53 =	vld [tilespmem:s28+$0xB580]  }
0x39: {  	[tilespmem:$0x1FED0] =	vst v1;
	v1 =	vld.idx.msk [tilespmem:v54+s2+$0x0], $0xffff  }
0x3a: {  	v12 =	vld.idx.msk [tilespmem:v55+s2+$0x0], $0xffff  }
0x3b: {  	v18 =	vor.u32 $0x100, v16;
	v13 =	vld.idx.msk [tilespmem:v59+s2+$0x0], $0xffff  }
0x3c: {  	v60 =	vor.u32 $0x80, v59;
	v9 =	vor.u32 $0x180, v59;
	v59 =	vld [tilespmem:s28+$0xB600]  }
0x3d: {  	[tilespmem:$0x1FEE0] =	vst v2;
	v2 =	vld.idx.msk [tilespmem:v61+s2+$0x0], $0xffff  }
0x3e: {  	v34 =	vshll.u32 v26, $0x2;
	v24 =	vor.u32 $0x100, v22;
	v14 =	vld.idx.msk [tilespmem:v16+s2+$0x0], $0xffff  }
0x3f: {  	v17 =	vor.u32 $0x80, v16;
	v21 =	vor.u32 $0x180, v16;
	v30 =	vor.u32 $0x180, v22;
	v16 =	vld [tilespmem:s28+$0xB680]  }
0x40: {  	v4 =	vand.u32 $0x7F, v26;
	v3 =	vand.u32 $0xFFFFFE00, v34;
	v33 =	vor.u32 $0x100, v31;
	v15 =	vld.idx.msk [tilespmem:v18+s2+$0x0], $0xffff  }
0x41: {  	v37 =	vor.u32 v4, v3;
	v3 =	vand.u32 $0xFFFFFE00, v40;
	v0 =	vld.idx.msk [tilespmem:v22+s2+$0x0], $0xffff  }
0x42: {  	v46 =	vshll.u32 v41, $0x2;
	v39 =	vor.u32 $0x100, v37;
	v43 =	vor.u32 v5, v3;
	[tilespmem:$0x1FF00] =	vst v6;
	v6 =	vld.idx.msk [tilespmem:v58+s2+$0x0], $0xffff  }
0x43: {  	v4 =	vand.u32 $0x7F, v41;
	v3 =	vand.u32 $0xFFFFFE00, v46;
	v44 =	vor.u32 $0x80, v43;
	v18 =	vld.idx.msk [tilespmem:v24+s2+$0x0], $0xffff  }
0x44: {  	v49 =	vor.u32 v4, v3;
	v19 =	vld.idx.msk [tilespmem:v30+s2+$0x0], $0xffff  }
0x45: {  	v20 =	vld.idx.msk [tilespmem:v33+s2+$0x0], $0xffff  }
0x46: {  	v52 =	vshll.u32 v47, $0x2;
	v50 =	vor.u32 $0x80, v49;
	[tilespmem:$0x1FF10] =	vst v1;
	v1 =	vld.idx.msk [tilespmem:v60+s2+$0x0], $0xffff  }
0x47: {  	v5 =	vand.u32 $0x7F, v47;
	v3 =	vand.u32 $0xFFFFFE00, v52;
	v54 =	vor.u32 $0x180, v49;
	[tilespmem:$0x1FF40] =	vst v2;
	v2 =	vld.idx.msk [tilespmem:v39+s2+$0x0], $0xffff  }
0x48: {  	v55 =	vor.u32 v5, v3;
	v58 =	vshll.u32 v53, $0x2;
	v24 =	vld.idx.msk [tilespmem:v44+s2+$0x0], $0xffff  }
0x49: {  	v56 =	vor.u32 $0x80, v55;
	v4 =	vand.u32 $0x7F, v53;
	v3 =	vand.u32 $0xFFFFFE00, v58;
	v25 =	vld.idx.msk [tilespmem:v49+s2+$0x0], $0xffff  }
0x4a: {  	v61 =	vor.u32 v4, v3;
	v34 =	vshll.u32 v16, $0x2;
	v4 =	vand.u32 $0x7F, v16;
	v16 =	vld [tilespmem:s28+$0xC800]  }
0x4b: {  	v57 =	vor.u32 $0x100, v55;
	v26 =	vld.idx.msk [tilespmem:v50+s2+$0x0], $0xffff  }
0x4c: {  	v39 =	vld.idx.msk [tilespmem:v54+s2+$0x0], $0xffff  }
0x4d: {  	[tilespmem:$0x1FF80] =	vst v0;
	v0 =	vld [tilespmem:s28+$0xC980]  }
0x4e: {  	[tilespmem:$0x1FF20] =	vst v6;
	v6 =	vld.idx.msk [tilespmem:v9+s2+$0x0], $0xffff  }
0x4f: {  	v60 =	vor.u32 $0x180, v55;
	v41 =	vld.idx.msk [tilespmem:v56+s2+$0x0], $0xffff  }
0x50: {  	v44 =	vld.idx.msk [tilespmem:v57+s2+$0x0], $0xffff  }
0x51: {  	v5 =	vand.u32 $0x7F, v59;
	v63 =	vor.u32 $0x100, v61;
	v9 =	vshll.u32 v59, $0x2;
	v59 =	vld [tilespmem:s28+$0xB780]  }
0x52: {  	v30 =	vor.u32 $0x180, v61;
	[tilespmem:$0x1FF30] =	vst v1;
	v1 =	vld.idx.msk [tilespmem:v17+s2+$0x0], $0xffff  }
0x53: {  	v23 =	vor.u32 $0x80, v22;
	v17 =	vld.idx.msk [tilespmem:v31+s2+$0x0], $0xffff  }
0x54: {  	v32 =	vor.u32 $0x80, v31;
	v36 =	vor.u32 $0x180, v31;
	v3 =	vand.u32 $0xFFFFFE00, v9;
	v40 =	vld.idx.msk [tilespmem:v60+s2+$0x0], $0xffff  }
0x55: {  	v58 =	vshll.u32 v35, $0x2;
	v31 =	vor.u32 v5, v3;
	v5 =	vand.u32 $0x7F, v35;
	v35 =	vld [tilespmem:s28+$0xC880]  }
0x56: {  	v45 =	vor.u32 $0x100, v43;
	v46 =	vld.idx.msk [tilespmem:v63+s2+$0x0], $0xffff  }
0x57: {  	v47 =	vld.idx.msk [tilespmem:v30+s2+$0x0], $0xffff  }
0x58: {  	[tilespmem:$0x1FF50] =	vst v6;
	v6 =	vld.idx.msk [tilespmem:v21+s2+$0x0], $0xffff  }
0x59: {  	v33 =	vor.u32 $0x100, v31;
	v21 =	vld.idx.msk [tilespmem:v37+s2+$0x0], $0xffff  }
0x5a: {  	v3 =	vand.u32 $0xFFFFFE00, v34;
	[tilespmem:$0x1FF60] =	vst v1;
	v1 =	vld.idx.msk [tilespmem:v23+s2+$0x0], $0xffff  }
0x5b: {  	v38 =	vor.u32 $0x80, v37;
	v42 =	vor.u32 $0x180, v37;
	v37 =	vor.u32 v4, v3;
	v23 =	vld.idx.msk [tilespmem:v45+s2+$0x0], $0xffff  }
0x5c: {  	v62 =	vor.u32 $0x80, v61;
	v3 =	vand.u32 $0xFFFFFE00, v58;
	v56 =	vor.u32 $0x80, v37;
	v45 =	vld.idx.msk [tilespmem:v61+s2+$0x0], $0xffff  }
0x5d: {  	v34 =	vshll.u32 v16, $0x2;
	v61 =	vor.u32 v5, v3;
	v5 =	vand.u32 $0x7F, v16;
	v16 =	vld [tilespmem:s28+$0xC900]  }
0x5e: {  	v57 =	vor.u32 $0x100, v37;
	v52 =	vld.idx.msk [tilespmem:v33+s2+$0x0], $0xffff  }
0x5f: {  	[tilespmem:$0x1FF70] =	vst v6;
	v6 =	vld.idx.msk [tilespmem:v36+s2+$0x0], $0xffff  }
0x60: {  	v30 =	vor.u32 $0x180, v61;
	v53 =	vld.idx.msk [tilespmem:v37+s2+$0x0], $0xffff  }
0x61: {  	v50 =	vld.idx.msk [tilespmem:v56+s2+$0x0], $0xffff  }
0x62: {  	[tilespmem:$0x1FF90] =	vst v1;
	v1 =	vld.idx.msk [tilespmem:v32+s2+$0x0], $0xffff  }
0x63: {  	v51 =	vor.u32 $0x100, v49;
	v54 =	vld.idx.msk [tilespmem:v57+s2+$0x0], $0xffff  }
0x64: {  	v9 =	vshll.u32 v59, $0x2;
	v4 =	vand.u32 $0x7F, v59;
	v59 =	vld.idx.msk [tilespmem:v61+s2+$0x0], $0xffff  }
0x65: {  	v56 =	vld.idx.msk [tilespmem:v30+s2+$0x0], $0xffff  }
0x66: {  	v32 =	vor.u32 $0x80, v31;
	[tilespmem:$0x1FFB0] =	vst v6;
	v6 =	vld.idx.msk [tilespmem:v42+s2+$0x0], $0xffff  }
0x67: {  	v3 =	vand.u32 $0xFFFFFE00, v9;
	v9 =	vshll.u32 v35, $0x2;
	[tilespmem:$0x1FFA0] =	vst v1;
	v1 =	vld.idx.msk [tilespmem:v38+s2+$0x0], $0xffff  }
0x68: {  	v48 =	vor.u32 $0x180, v43;
	[tilespmem:$0x1FFD0] =	vst v2;
	v2 =	vand.u32 $0xFFFFFE00, v9;
	v36 =	vor.u32 $0x180, v31;
	v38 =	vld.idx.msk [tilespmem:v51+s2+$0x0], $0xffff  }
0x69: {  	v8 =	vshll.u32 v16, $0x2;
	v51 =	vld.idx.msk [tilespmem:v31+s2+$0x0], $0xffff;
	v31 =	vor.u32 v4, v3;
	v3 =	vand.u32 $0xFFFFFE00, v34  }
0x6a: {  	v42 =	vld.idx.msk [tilespmem:v62+s2+$0x0], $0xffff;
	v62 =	vor.u32 $0x80, v61;
	v4 =	vand.u32 $0x7F, v35;
	v3 =	vor.u32 v5, v3  }
0x6b: {  	v49 =	vld.idx.msk [tilespmem:v32+s2+$0x0], $0xffff;
	v2 =	vor.u32 v4, v2;
	v5 =	vand.u32 $0x7F, v16;
	v4 =	vand.u32 $0xFFFFFE00, v8  }
0x6c: {  	v9 =	vor.u32 $0x80, v2;
	v16 =	vor.u32 v5, v4;
	v5 =	vld [tilespmem:s28+$0xCA00];
	[tilespmem:$0x1FFE0] =	vst v6  }
0x6d: {  	v6 =	vld.idx.msk [tilespmem:v48+s2+$0x0], $0xffff;
	[tilespmem:$0x1FFC0] =	vst v1;
	v1 =	vor.u32 $0x100, v3  }
0x6e: {  	v48 =	vld.idx.msk [tilespmem:v36+s2+$0x0], $0xffff  }
0x6f: {  	v32 =	vor.u32 $0x80, v31;
	v57 =	vld.idx.msk [tilespmem:v62+s2+$0x0], $0xffff  }
0x70: {  	v33 =	vor.u32 $0x100, v31;
	v62 =	vld.idx.msk [tilespmem:v31+s2+$0x0], $0xffff  }
0x71: {  	v35 =	vld.idx.msk [tilespmem:v9+s2+$0x0], $0xffff  }
0x72: {  	v34 =	vld.idx.msk [tilespmem:v1+s2+$0x0], $0xffff;
	v1 =	vor.u32 $0x100, v2  }
0x73: {  	v9 =	vld [tilespmem:$0x1FED0]  }
0x74: {  	v58 =	vld.idx.msk [tilespmem:v32+s2+$0x0], $0xffff  }
0x75: {  	v60 =	vor.u32 $0x180, v37;
	v63 =	vor.u32 $0x100, v61;
	v8 =	vshll.u32 v0, $0x2;
	v61 =	vld.idx.msk [tilespmem:v33+s2+$0x0], $0xffff  }
0x76: {  	v37 =	vor.u32 $0x80, v3;
	v7 =	vor.u32 $0x180, v3;
	v32 =	vld.idx.msk [tilespmem:v3+s2+$0x0], $0xffff;
	v3 =	vor.u32 $0x180, v2  }
0x77: {  	v0 =	vand.u32 $0x7F, v0;
	v33 =	vld.idx.msk [tilespmem:v1+s2+$0x0], $0xffff;
	v1 =	vand.u32 $0xFFFFFE00, v8  }
0x78: {  	v1 =	vor.u32 v0, v1;
	v0 =	vmax.bf16 v10, v9;
	v10 =	vld [tilespmem:$0x1FEE0]  }
0x79: {  	v30 =	vld.idx.msk [tilespmem:v2+s2+$0x0], $0xffff  }
0x7a: {  	v2 =	vmax.bf16 v27, v29;
	v29 =	vld.idx.msk [tilespmem:v16+s2+$0x0], $0xffff  }
0x7b: {  	v36 =	vor.u32 $0x180, v31;
	v31 =	vld.idx.msk [tilespmem:v3+s2+$0x0], $0xffff  }
0x7c: {  	v4 =	vor.u32 $0x80, v16;
	[tilespmem:$0x1FFF0] =	vst v6;
	v6 =	vor.u32 $0x100, v16;
	v8 =	vor.u32 $0x180, v16;
	v16 =	vld [tilespmem:$0x1FEF0]  }
0x7d: {  	v3 =	vmax.bf16 v28, v10;
	v28 =	vld [tilespmem:$0x1FF00];
	_ =	sdelay $0x1  }
0x7e: {  	v22 =	vld.idx.msk [tilespmem:v43+s2+$0x0], $0xffff  }
0x7f: {  	v43 =	vld.idx.msk [tilespmem:v55+s2+$0x0], $0xffff  }
0x80: {  	v55 =	vld.idx.msk [tilespmem:v60+s2+$0x0], $0xffff  }
0x81: {  	v27 =	vld.idx.msk [tilespmem:v4+s2+$0x0], $0xffff;
	v4 =	vmax.bf16 v16, v28;
	v16 =	vshll.u32 v5, $0x2  }
0x82: {  	v3 =	vmax.bf16 v3, v12;
	v12 =	vand.u32 $0xFFFFFE00, v16;
	v16 =	vld [tilespmem:$0x1FF20]  }
0x83: {  	v60 =	vld.idx.msk [tilespmem:v63+s2+$0x0], $0xffff;
	v11 =	vmax.bf16 v2, v11  }
0x84: {  	v11 =	vmax.bf16 v11, v13;
	v13 =	vld [tilespmem:$0x1FF30]  }
0x85: {  	v10 =	vld.idx.msk [tilespmem:v6+s2+$0x0], $0xffff  }
0x86: {  	v6 =	vld [tilespmem:$0x1FF10]  }
0x87: {  	v4 =	vmax.bf16 v4, v16;
	v16 =	vld [tilespmem:$0x1FF40]  }
0x88: {  	v63 =	vld.idx.msk [tilespmem:v36+s2+$0x0], $0xffff  }
0x89: {  	v36 =	vld.idx.msk [tilespmem:v37+s2+$0x0], $0xffff  }
0x8a: {  	v37 =	vld.idx.msk [tilespmem:v7+s2+$0x0], $0xffff;
	v7 =	vor.u32 $0x80, v1;
	v5 =	vand.u32 $0x7F, v5  }
0x8b: {  	v9 =	vor.u32 $0x100, v1;
	v2 =	vmax.bf16 v0, v6;
	v5 =	vor.u32 v5, v12;
	v12 =	vld.idx.msk [tilespmem:v1+s2+$0x0], $0xffff  }
0x8c: {  	v6 =	vor.u32 $0x180, v1;
	v1 =	vmax.bf16 v2, v13;
	v2 =	vmax.bf16 v3, v16;
	v16 =	vld [tilespmem:$0x1FF60];
	_ =	sdelay $0x2  }
0x8d: {  	v13 =	vld.idx.msk [tilespmem:v7+s2+$0x0], $0xffff  }
0x8e: {  	v7 =	vld [tilespmem:$0x1FF50]  }
0x8f: {  	v1 =	vmax.bf16 v1, v16;
	v16 =	vld [tilespmem:$0x1FF70];
	_ =	sdelay $0x2  }
0x90: {  	v0 =	vld [tilespmem:s28+$0xCA80]  }
0x91: {  	v4 =	vmax.bf16 v4, v7  }
0x92: {  	v4 =	vmax.bf16 v4, v16;
	v16 =	vld [tilespmem:$0x1FF80]  }
0x93: {  	v7 =	vmax.bf16 v11, v14;
	v14 =	vld.idx.msk [tilespmem:v9+s2+$0x0], $0xffff  }
0x94: {  	v9 =	vor.u32 $0x100, v5;
	v2 =	vmax.bf16 v2, v15;
	v15 =	vld [tilespmem:s28+$0xCB00]  }
0x95: {  	v11 =	vshll.u32 v0, $0x2  }
0x96: {  	v28 =	vld.idx.msk [tilespmem:v8+s2+$0x0], $0xffff;
	v0 =	vand.u32 $0x7F, v0;
	v11 =	vand.u32 $0xFFFFFE00, v11  }
0x97: {  	v0 =	vor.u32 v0, v11;
	v11 =	vld [tilespmem:$0x1FF90];
	v7 =	vmax.bf16 v7, v16  }
0x98: {  	v3 =	vor.u32 $0x180, v5;
	v2 =	vmax.bf16 v2, v18;
	v7 =	vmax.bf16 v7, v17;
	v17 =	vld [tilespmem:$0x1FFA0]  }
0x99: {  	v2 =	vmax.bf16 v2, v20;
	v20 =	vshll.u32 v15, $0x2;
	v4 =	vmax.bf16 v4, v19;
	v19 =	vld.idx.msk [tilespmem:v9+s2+$0x0], $0xffff  }
0x9a: {  	v9 =	vand.u32 $0xFFFFFE00, v20;
	v20 =	vld [tilespmem:$0x1FFB0]  }
0x9b: {  	v8 =	vor.u32 $0x80, v5;
	v16 =	vld.idx.msk [tilespmem:v5+s2+$0x0], $0xffff  }
0x9c: {  	v1 =	vmax.bf16 v1, v11;
	v7 =	vmax.bf16 v7, v21;
	v21 =	vld [tilespmem:$0x1FFD0]  }
0x9d: {  	v1 =	vmax.bf16 v1, v17;
	v17 =	vld.idx.msk [tilespmem:v3+s2+$0x0], $0xffff;
	v3 =	vand.u32 $0x7F, v15  }
0x9e: {  	v5 =	vor.u32 $0x80, v0;
	v3 =	vor.u32 v3, v9;
	v9 =	vld [tilespmem:$0x1FFC0];
	_ =	sdelay $0x1  }
0x9f: {  	v18 =	vld.idx.msk [tilespmem:v8+s2+$0x0], $0xffff;
	v8 =	vor.u32 $0x100, v0  }
0xa0: {  	v11 =	vld [tilespmem:s28+$0xCB80];
	v15 =	vor.u32 $0x180, v0  }
0xa1: {  	v4 =	vmax.bf16 v4, v20;
	v20 =	vld.idx.msk [tilespmem:v0+s2+$0x0], $0xffff  }
0xa2: {  	v0 =	vmax.bf16 v1, v9;
	v1 =	vmax.bf16 v2, v21;
	v21 =	vld.idx.msk [tilespmem:v5+s2+$0x0], $0xffff  }
0xa3: {  	v2 =	vor.u32 $0x80, v3;
	v9 =	vld [tilespmem:$0x1FFE0];
	v5 =	vmax.bf16 v7, v22  }
0xa4: {  	v22 =	vld.idx.msk [tilespmem:v8+s2+$0x0], $0xffff;
	v7 =	vor.u32 $0x100, v3;
	v0 =	vmax.bf16 v0, v24;
	v1 =	vmax.bf16 v1, v23  }
0xa5: {  	v23 =	vshll.u32 v11, $0x2;
	v24 =	vld.idx.msk [tilespmem:v15+s2+$0x0], $0xffff;
	v15 =	vor.u32 $0x180, v3;
	v11 =	vand.u32 $0x7F, v11  }
0xa6: {  	v5 =	vmax.bf16 v5, v25;
	v8 =	vand.u32 $0xFFFFFE00, v23;
	v23 =	vld [tilespmem:$0x1FFF0];
	v0 =	vmax.bf16 v0, v26  }
0xa7: {  	v6 =	vld.idx.msk [tilespmem:v6+s2+$0x0], $0xffff;
	v1 =	vmax.bf16 v1, v38;
	v8 =	vor.u32 v11, v8;
	v0 =	vmax.bf16 v0, v41  }
0xa8: {  	v1 =	vmax.bf16 v1, v44;
	v11 =	vld [tilespmem:s28+$0xDC80];
	v44 =	vor.u32 $0x180, v8;
	v0 =	vmax.bf16 v0, v42  }
0xa9: {  	v1 =	vmax.bf16 v1, v46;
	v4 =	vmax.bf16 v4, v9;
	v9 =	vld [tilespmem:s28+$0xDC00];
	v0 =	vmax.bf16 v0, v49  }
0xaa: {  	v25 =	vld.idx.msk [tilespmem:v2+s2+$0x0], $0xffff;
	v2 =	vor.u32 $0x80, v8;
	v1 =	vmax.bf16 v1, v52;
	v0 =	vmax.bf16 v0, v50  }
0xab: {  	v26 =	vld.idx.msk [tilespmem:v7+s2+$0x0], $0xffff;
	v1 =	vmax.bf16 v1, v54;
	v4 =	vmax.bf16 v4, v23;
	v0 =	vmax.bf16 v0, v57  }
0xac: {  	v23 =	vld.idx.msk [tilespmem:v3+s2+$0x0], $0xffff;
	v1 =	vmax.bf16 v1, v60;
	v3 =	vmax.bf16 v4, v39;
	v4 =	vmax.bf16 v5, v43  }
0xad: {  	v15 =	vld.idx.msk [tilespmem:v15+s2+$0x0], $0xffff;
	v5 =	vor.u32 $0x100, v8;
	v49 =	vshll.u32 v11, $0x2;
	v11 =	vand.u32 $0x7F, v11  }
0xae: {  	v54 =	vld [tilespmem:s28+$0xDE80];
	v0 =	vmax.bf16 v0, v58;
	v1 =	vmax.bf16 v1, v61;
	v3 =	vmax.bf16 v3, v40  }
0xaf: {  	v8 =	vld.idx.msk [tilespmem:v8+s2+$0x0], $0xffff;
	v4 =	vmax.bf16 v4, v45;
	v40 =	vand.u32 $0xFFFFFE00, v49;
	v0 =	vmax.bf16 v0, v36  }
0xb0: {  	v58 =	vld [tilespmem:s28+$0xDF00];
	v1 =	vmax.bf16 v1, v34;
	v43 =	vshll.u32 v9, $0x2;
	v9 =	vand.u32 $0x7F, v9  }
0xb1: {  	v38 =	vld.idx.msk [tilespmem:v44+s2+$0x0], $0xffff;
	v3 =	vmax.bf16 v3, v47;
	v4 =	vmax.bf16 v4, v51;
	v11 =	vor.u32 v11, v40  }
0xb2: {  	v2 =	vld.idx.msk [tilespmem:v2+s2+$0x0], $0xffff;
	v0 =	vmax.bf16 v0, v35;
	v1 =	vmax.bf16 v1, v33;
	v7 =	vand.u32 $0xFFFFFE00, v43  }
0xb3: {  	v51 =	vld [tilespmem:s28+$0xDD00];
	v3 =	vmax.bf16 v3, v48;
	v4 =	vmax.bf16 v4, v53;
	v40 =	vor.u32 $0x80, v11  }
0xb4: {  	v60 =	vor.u32 $0x180, v11;
	v48 =	vld [tilespmem:s28+$0xDE00];
	v1 =	vmax.bf16 v1, v10;
	v7 =	vor.u32 v9, v7  }
0xb5: {  	v3 =	vmax.bf16 v3, v55;
	v4 =	vmax.bf16 v4, v59;
	v55 =	vor.u32 $0x100, v11;
	v59 =	vld [tilespmem:s28+$0xDD80]  }
0xb6: {  	v1 =	vmax.bf16 v1, v14;
	v9 =	vor.u32 $0x80, v7;
	v5 =	vld.idx.msk [tilespmem:v5+s2+$0x0], $0xffff;
	v4 =	vmax.bf16 v4, v62  }
0xb7: {  	v47 =	vor.u32 $0x100, v7;
	v52 =	vor.u32 $0x180, v7;
	v4 =	vmax.bf16 v4, v32;
	v11 =	vld.idx.msk [tilespmem:v11+s2+$0x0], $0xffff  }
0xb8: {  	v3 =	vmax.bf16 v3, v56;
	v1 =	vmax.bf16 v1, v19;
	v4 =	vmax.bf16 v4, v30;
	v30 =	vld [tilespmem:s28+$0xDF80]  }
0xb9: {  	v35 =	vshll.u32 v58, $0x2;
	v14 =	vand.u32 $0x7F, v58;
	v57 =	vshll.u32 v51, $0x2;
	v40 =	vld.idx.msk [tilespmem:v40+s2+$0x0], $0xffff  }
0xba: {  	v3 =	vmax.bf16 v3, v63;
	v41 =	vand.u32 $0x7F, v51;
	v44 =	vand.u32 $0xFFFFFE00, v57;
	v46 =	vld.idx.msk [tilespmem:v60+s2+$0x0], $0xffff  }
0xbb: {  	v1 =	vmax.bf16 v1, v22;
	v22 =	vand.u32 $0xFFFFFE00, v35;
	v7 =	vld.idx.msk [tilespmem:v7+s2+$0x0], $0xffff;
	v41 =	vor.u32 v41, v44  }
0xbc: {  	v14 =	vor.u32 v14, v22;
	v4 =	vmax.bf16 v4, v29;
	v32 =	vld.idx.msk [tilespmem:v55+s2+$0x0], $0xffff;
	v44 =	vor.u32 $0x80, v41  }
0xbd: {  	v53 =	vshll.u32 v48, $0x2;
	v36 =	vand.u32 $0x7F, v48;
	v9 =	vld.idx.msk [tilespmem:v9+s2+$0x0], $0xffff;
	v62 =	vor.u32 $0x100, v41  }
0xbe: {  	v63 =	vshll.u32 v59, $0x2;
	v29 =	vand.u32 $0xFFFFFE00, v53;
	v39 =	vld.idx.msk [tilespmem:v47+s2+$0x0], $0xffff;
	v49 =	vor.u32 $0x180, v41  }
0xbf: {  	v45 =	vand.u32 $0x7F, v59;
	v42 =	vld.idx.msk [tilespmem:v52+s2+$0x0], $0xffff;
	v34 =	vand.u32 $0xFFFFFE00, v63;
	v56 =	vor.u32 v36, v29  }
0xc0: {  	v47 =	vor.u32 $0x100, v14;
	v50 =	vor.u32 v45, v34;
	v34 =	vld.idx.msk [tilespmem:v41+s2+$0x0], $0xffff  }
0xc1: {  	v33 =	vld.idx.msk [tilespmem:v44+s2+$0x0], $0xffff  }
0xc2: {  	v0 =	vmax.bf16 v0, v27;
	v57 =	vor.u32 $0x80, v56;
	v27 =	vld.idx.msk [tilespmem:v62+s2+$0x0], $0xffff  }
0xc3: {  	v3 =	vmax.bf16 v3, v37;
	v59 =	vor.u32 $0x100, v56;
	v37 =	vld.idx.msk [tilespmem:v49+s2+$0x0], $0xffff  }
0xc4: {  	v4 =	vmax.bf16 v4, v12;
	v29 =	vor.u32 $0x180, v56;
	v12 =	vld.idx.msk [tilespmem:v56+s2+$0x0], $0xffff  }
0xc5: {  	v0 =	vmax.bf16 v0, v13;
	v3 =	vmax.bf16 v3, v31;
	v51 =	vor.u32 $0x80, v50;
	v56 =	vld.idx.msk [tilespmem:v47+s2+$0x0], $0xffff  }
0xc6: {  	v0 =	vmax.bf16 v0, v18;
	v3 =	vmax.bf16 v3, v28;
	v52 =	vor.u32 $0x100, v50;
	v28 =	vld.idx.msk [tilespmem:v50+s2+$0x0], $0xffff  }
0xc7: {  	v0 =	vmax.bf16 v0, v21;
	v60 =	vshll.u32 v54, $0x2;
	v55 =	vor.u32 $0x180, v50;
	v13 =	vld.idx.msk [tilespmem:v57+s2+$0x0], $0xffff  }
0xc8: {  	v0 =	vmax.bf16 v0, v25;
	v18 =	vand.u32 $0xFFFFFE00, v60;
	v4 =	vmax.bf16 v4, v16;
	v16 =	vld.idx.msk [tilespmem:v59+s2+$0x0], $0xffff  }
0xc9: {  	v3 =	vmax.bf16 v3, v6;
	v4 =	vmax.bf16 v4, v20;
	v44 =	vor.u32 $0x80, v14;
	v41 =	vld.idx.msk [tilespmem:v29+s2+$0x0], $0xffff  }
0xca: {  	v48 =	vshll.u32 v30, $0x2;
	v62 =	vand.u32 $0x7F, v54;
	v49 =	vor.u32 $0x180, v14;
	v6 =	vld.idx.msk [tilespmem:v51+s2+$0x0], $0xffff  }
0xcb: {  	v20 =	vand.u32 $0x7F, v30;
	v22 =	vand.u32 $0xFFFFFE00, v48;
	v63 =	vor.u32 v62, v18;
	v10 =	vld.idx.msk [tilespmem:v52+s2+$0x0], $0xffff  }
0xcc: {  	v1 =	vmax.bf16 v1, v26;
	v0 =	vmax.bf16 v0, v2;
	v50 =	vor.u32 v20, v22;
	v61 =	vld.idx.msk [tilespmem:v55+s2+$0x0], $0xffff  }
0xcd: {  	v1 =	vmax.bf16 v1, v5;
	v3 =	vmax.bf16 v3, v17;
	v18 =	vor.u32 $0x80, v63;
	v52 =	vld.idx.msk [tilespmem:v14+s2+$0x0], $0xffff  }
0xce: {  	v3 =	vmax.bf16 v3, v24;
	v4 =	vmax.bf16 v4, v23;
	v31 =	vor.u32 $0x100, v63;
	v54 =	vld.idx.msk [tilespmem:v44+s2+$0x0], $0xffff  }
0xcf: {  	v3 =	vmax.bf16 v3, v15;
	v4 =	vmax.bf16 v4, v8;
	v36 =	vor.u32 $0x180, v63;
	v58 =	vld.idx.msk [tilespmem:v49+s2+$0x0], $0xffff  }
0xd0: {  	v3 =	vmax.bf16 v3, v38;
	v4 =	vmax.bf16 v4, v7;
	v53 =	vor.u32 $0x80, v50;
	v43 =	vld.idx.msk [tilespmem:v63+s2+$0x0], $0xffff  }
0xd1: {  	v0 =	vmax.bf16 v0, v9;
	v1 =	vmax.bf16 v1, v39;
	v55 =	vor.u32 $0x100, v50;
	v2 =	vld.idx.msk [tilespmem:v50+s2+$0x0], $0xffff  }
0xd2: {  	v3 =	vmax.bf16 v3, v42;
	v4 =	vmax.bf16 v4, v11;
	v57 =	vor.u32 $0x180, v50;
	v45 =	vld.idx.msk [tilespmem:v18+s2+$0x0], $0xffff  }
0xd3: {  	v0 =	vmax.bf16 v0, v40;
	v1 =	vmax.bf16 v1, v32;
	v3 =	vmax.bf16 v3, v46;
	v21 =	vld.idx.msk [tilespmem:v31+s2+$0x0], $0xffff  }
0xd4: {  	v4 =	vmax.bf16 v4, v34;
	v0 =	vmax.bf16 v0, v33;
	v1 =	vmax.bf16 v1, v27;
	v51 =	vld.idx.msk [tilespmem:v36+s2+$0x0], $0xffff  }
0xd5: {  	v3 =	vmax.bf16 v3, v37;
	v4 =	vmax.bf16 v4, v28;
	v0 =	vmax.bf16 v0, v6;
	v59 =	vld.idx.msk [tilespmem:v53+s2+$0x0], $0xffff  }
0xd6: {  	v1 =	vmax.bf16 v1, v10;
	v3 =	vmax.bf16 v3, v61;
	v4 =	vmax.bf16 v4, v12;
	v60 =	vld.idx.msk [tilespmem:v55+s2+$0x0], $0xffff  }
0xd7: {  	v61 =	vld.idx.msk [tilespmem:v57+s2+$0x0], $0xffff;
	v0 =	vmax.bf16 v0, v13;
	v1 =	vmax.bf16 v1, v16;
	v4 =	vmax.bf16 v4, v43  }
0xd8: {  	s31 =	sand.u32 $0x7E00, s24;
	p0 =	sne.s32 s25, $0x270;
	v3 =	vmax.bf16 v3, v41;
	v0 =	vmax.bf16 v0, v45;
	v4 =	vmax.bf16 v4, v52  }
.Ltmp2:
0xd9: {  	s26 =	sor.u32 s26, s31;
	v1 =	vmax.bf16 v1, v21;
	v0 =	vmax.bf16 v0, v54;
	v2 =	vmax.bf16 v4, v2;
	(pc) =	sbr.rel @p0 .LBB2_3-.Ltmp2, $4  }
0xda: {  	v3 =	vmax.bf16 v3, v51;
	v1 =	vmax.bf16 v1, v56;
	v0 =	vmax.bf16 v0, v59;
	[tilespmem:s26+$0x14000] =	vst v2;
	s26 =	sadd.s32 $0x14000, s26  }
0xdb: {  	v62 =	vmax.bf16 v3, v58;
	v1 =	vmax.bf16 v1, v60;
	[tilespmem:s26+$0x80] =	vst v0  }
0xdc: {  	v63 =	vmax.bf16 v62, v61;
	[tilespmem:s26+$0x100] =	vst v1  }
0xdd: {  	s23 =	sadd.s32 $0x80, s23;
	s24 =	sadd.s32 $0x40, s24;
	s25 =	sadd.s32 $0x10, s25;
	[tilespmem:s26+$0x180] =	vst v63  }
0xde: {  	p0 =	seq.s32 s22, $0x3  }
0xdf: {  	s23 =	smul.u32 @!p0 $0xA000, s22;
	_ =	sdelay $0x1  }
0xe0: {  	s23 =	sadd.s32 @!p0 s23, s7  }
0xe1: {  	s23 =	sshrl.u32 @!p0 s23, $0x3  }
0xe2: {  	s24 =	simm.s32 @!p0 $0x0;
	s25 =	simm.s32 @!p0 $0xA000;
	s23 =	sadd.s32 @!p0 s3, s23  }
0xe3: {  	[tilespmem:s25], [sflag:$0x1] =	stream.linear.gather @!p0 [hbm4b:s23+s24], $0x5000, $0x38;
	[tilespmem:$0x19000] =	vst v63  }
0xe4: {  	_ =	swait.ge [sflag:s17], $0x5000  }
0xe5: {  	s23 =	simm.s32 $0x0;
	[sflag:s17] =	ssyncset.done $0x0  }
0xe6: {  	s24 =	smov.u32 s20;
	s25 =	simm.s32 $0x0;
	[sflag:s17] =	ssyncadd.s32 $0xFFFFB000  }
.LBB2_5:
0xe7: {  	s26 =	sand.u32 $0x70, s25;
	s28 =	sand.u32 $0x1C00, s23  }
0xe8: {  	s28 =	sor.u32 s26, s28  }
0xe9: {  	v0 =	vld [tilespmem:s28+$0xF000]  }
0xea: {  	v2 =	vld [tilespmem:s28+$0xF080];
	_ =	sdelay $0x1  }
0xeb: {  	v5 =	vld [tilespmem:s28+$0xF100]  }
0xec: {  	v46 =	vld [tilespmem:s28+$0xF180]  }
0xed: {  	v52 =	vld [tilespmem:s28+$0xF200];
	v1 =	vshll.u32 v0, $0x2  }
0xee: {  	v58 =	vld [tilespmem:s28+$0xF280];
	v0 =	vand.u32 $0x7F, v0;
	v4 =	vshll.u32 v2, $0x2;
	v1 =	vand.u32 $0xFFFFFE00, v1  }
0xef: {  	v9 =	vld [tilespmem:s28+$0xF300];
	v2 =	vand.u32 $0x7F, v2;
	v4 =	vand.u32 $0xFFFFFE00, v4;
	v0 =	vor.u32 v0, v1  }
0xf0: {  	v25 =	vld [tilespmem:s28+$0xF380];
	v43 =	vor.u32 v2, v4  }
0xf1: {  	v34 =	vld [tilespmem:s28+$0x10400];
	v1 =	vor.u32 $0x80, v0  }
0xf2: {  	v40 =	vld [tilespmem:s28+$0x10480];
	v3 =	vor.u32 $0x100, v0  }
0xf3: {  	v51 =	vshll.u32 v46, $0x2;
	v4 =	vand.u32 $0x7F, v46;
	v46 =	vld [tilespmem:s28+$0x10500];
	v6 =	vor.u32 $0x180, v0  }
0xf4: {  	v44 =	vor.u32 $0x80, v43;
	v27 =	vld.idx.msk [tilespmem:v0+s2+$0x0], $0xffff  }
0xf5: {  	v2 =	vor.u32 $0x100, v43;
	v29 =	vld.idx.msk [tilespmem:v43+s2+$0x0], $0xffff  }
0xf6: {  	v10 =	vld.idx.msk [tilespmem:v1+s2+$0x0], $0xffff  }
0xf7: {  	v28 =	vld.idx.msk [tilespmem:v3+s2+$0x0], $0xffff  }
0xf8: {  	v45 =	vshll.u32 v5, $0x2;
	v5 =	vand.u32 $0x7F, v5;
	v6 =	vld.idx.msk [tilespmem:v6+s2+$0x0], $0xffff  }
0xf9: {  	v57 =	vshll.u32 v52, $0x2;
	v47 =	vor.u32 $0x180, v43;
	v3 =	vand.u32 $0xFFFFFE00, v45;
	v1 =	vld.idx.msk [tilespmem:v44+s2+$0x0], $0xffff  }
0xfa: {  	v63 =	vshll.u32 v58, $0x2;
	v2 =	vld.idx.msk [tilespmem:v2+s2+$0x0], $0xffff;
	v48 =	vor.u32 v5, v3;
	v3 =	vand.u32 $0xFFFFFE00, v51  }
0xfb: {  	v5 =	vand.u32 $0x7F, v52;
	v52 =	vld [tilespmem:s28+$0x10580];
	v49 =	vor.u32 $0x80, v48;
	v50 =	vor.u32 $0x100, v48  }
0xfc: {  	v54 =	vor.u32 v4, v3;
	v3 =	vand.u32 $0xFFFFFE00, v57;
	v4 =	vand.u32 $0x7F, v58;
	v58 =	vld [tilespmem:s28+$0x10600]  }
0xfd: {  	v24 =	vshll.u32 v9, $0x2;
	v60 =	vor.u32 v5, v3;
	v5 =	vand.u32 $0x7F, v9;
	v9 =	vld [tilespmem:s28+$0x10680]  }
0xfe: {  	v56 =	vor.u32 $0x100, v54;
	[tilespmem:$0x1FDD0] =	vst v6;
	v6 =	vld.idx.msk [tilespmem:v47+s2+$0x0], $0xffff  }
0xff: {  	v11 =	vld.idx.msk [tilespmem:v48+s2+$0x0], $0xffff  }
0x100: {  	v61 =	vor.u32 $0x80, v60;
	[tilespmem:$0x1FDB0] =	vst v1;
	v1 =	vld.idx.msk [tilespmem:v49+s2+$0x0], $0xffff  }
0x101: {  	v3 =	vand.u32 $0xFFFFFE00, v63;
	v62 =	vor.u32 $0x100, v60;
	v12 =	vld.idx.msk [tilespmem:v50+s2+$0x0], $0xffff  }
0x102: {  	v21 =	vor.u32 v4, v3;
	v13 =	vld.idx.msk [tilespmem:v54+s2+$0x0], $0xffff  }
0x103: {  	v53 =	vor.u32 $0x180, v48;
	[tilespmem:$0x1FDC0] =	vst v2;
	v2 =	vld.idx.msk [tilespmem:v56+s2+$0x0], $0xffff  }
0x104: {  	v23 =	vor.u32 $0x100, v21;
	v14 =	vld.idx.msk [tilespmem:v60+s2+$0x0], $0xffff  }
0x105: {  	v33 =	vshll.u32 v25, $0x2;
	v3 =	vand.u32 $0xFFFFFE00, v24;
	v26 =	vor.u32 $0x180, v21;
	v16 =	vld.idx.msk [tilespmem:v61+s2+$0x0], $0xffff  }
0x106: {  	v4 =	vand.u32 $0x7F, v25;
	v30 =	vor.u32 v5, v3;
	v3 =	vand.u32 $0xFFFFFE00, v33;
	v15 =	vld.idx.msk [tilespmem:v62+s2+$0x0], $0xffff  }
0x107: {  	v39 =	vshll.u32 v34, $0x2;
	v36 =	vor.u32 v4, v3;
	v0 =	vld.idx.msk [tilespmem:v21+s2+$0x0], $0xffff  }
0x108: {  	v55 =	vor.u32 $0x80, v54;
	v5 =	vand.u32 $0x7F, v34;
	v3 =	vand.u32 $0xFFFFFE00, v39;
	[tilespmem:$0x1FDE0] =	vst v6;
	v6 =	vld.idx.msk [tilespmem:v53+s2+$0x0], $0xffff  }
0x109: {  	v38 =	vor.u32 $0x100, v36;
	v42 =	vor.u32 v5, v3;
	v18 =	vld.idx.msk [tilespmem:v23+s2+$0x0], $0xffff  }
0x10a: {  	v45 =	vshll.u32 v40, $0x2;
	v43 =	vor.u32 $0x80, v42;
	v19 =	vld.idx.msk [tilespmem:v26+s2+$0x0], $0xffff  }
0x10b: {  	v4 =	vand.u32 $0x7F, v40;
	v3 =	vand.u32 $0xFFFFFE00, v45;
	v44 =	vor.u32 $0x100, v42;
	v17 =	vld.idx.msk [tilespmem:v30+s2+$0x0], $0xffff  }
0x10c: {  	v22 =	vor.u32 $0x80, v21;
	v48 =	vor.u32 v4, v3;
	v21 =	vld.idx.msk [tilespmem:v36+s2+$0x0], $0xffff  }
0x10d: {  	v51 =	vshll.u32 v46, $0x2;
	v49 =	vor.u32 $0x80, v48;
	[tilespmem:$0x1FDF0] =	vst v1;
	v1 =	vld.idx.msk [tilespmem:v55+s2+$0x0], $0xffff  }
0x10e: {  	v5 =	vand.u32 $0x7F, v46;
	v3 =	vand.u32 $0xFFFFFE00, v51;
	v50 =	vor.u32 $0x100, v48;
	[tilespmem:$0x1FE20] =	vst v2;
	v2 =	vld.idx.msk [tilespmem:v38+s2+$0x0], $0xffff  }
0x10f: {  	v59 =	vor.u32 $0x180, v54;
	v54 =	vor.u32 v5, v3;
	v24 =	vld.idx.msk [tilespmem:v43+s2+$0x0], $0xffff  }
0x110: {  	v23 =	vld.idx.msk [tilespmem:v44+s2+$0x0], $0xffff  }
0x111: {  	v25 =	vld.idx.msk [tilespmem:v48+s2+$0x0], $0xffff  }
0x112: {  	v57 =	vshll.u32 v52, $0x2;
	v53 =	vor.u32 $0x180, v48;
	v26 =	vld.idx.msk [tilespmem:v49+s2+$0x0], $0xffff  }
0x113: {  	v4 =	vand.u32 $0x7F, v52;
	v3 =	vand.u32 $0xFFFFFE00, v57;
	v56 =	vor.u32 $0x100, v54;
	v38 =	vld.idx.msk [tilespmem:v50+s2+$0x0], $0xffff  }
0x114: {  	v20 =	vor.u32 $0x180, v60;
	v60 =	vor.u32 v4, v3;
	v43 =	vld.idx.msk [tilespmem:v54+s2+$0x0], $0xffff  }
0x115: {  	v62 =	vor.u32 $0x100, v60;
	[tilespmem:$0x1FE50] =	vst v0;
	v0 =	vld [tilespmem:s28+$0x11980]  }
0x116: {  	[tilespmem:$0x1FE00] =	vst v6;
	v6 =	vld.idx.msk [tilespmem:v59+s2+$0x0], $0xffff  }
0x117: {  	v39 =	vld.idx.msk [tilespmem:v53+s2+$0x0], $0xffff  }
0x118: {  	v61 =	vor.u32 $0x80, v60;
	v44 =	vld.idx.msk [tilespmem:v56+s2+$0x0], $0xffff  }
0x119: {  	v45 =	vld.idx.msk [tilespmem:v60+s2+$0x0], $0xffff  }
0x11a: {  	v32 =	vor.u32 $0x100, v30;
	v46 =	vld.idx.msk [tilespmem:v62+s2+$0x0], $0xffff  }
0x11b: {  	v31 =	vor.u32 $0x80, v30;
	[tilespmem:$0x1FE10] =	vst v1;
	v1 =	vld.idx.msk [tilespmem:v22+s2+$0x0], $0xffff  }
0x11c: {  	v59 =	vor.u32 $0x180, v54;
	v22 =	vld.idx.msk [tilespmem:v42+s2+$0x0], $0xffff  }
0x11d: {  	v47 =	vor.u32 $0x180, v42;
	v42 =	vld.idx.msk [tilespmem:v61+s2+$0x0], $0xffff  }
0x11e: {  	v35 =	vor.u32 $0x180, v30;
	[tilespmem:$0x1FE30] =	vst v6;
	v6 =	vld.idx.msk [tilespmem:v20+s2+$0x0], $0xffff  }
0x11f: {  	v63 =	vshll.u32 v58, $0x2;
	v20 =	vld.idx.msk [tilespmem:v32+s2+$0x0], $0xffff  }
0x120: {  	v37 =	vor.u32 $0x80, v36;
	v5 =	vand.u32 $0x7F, v58;
	v3 =	vand.u32 $0xFFFFFE00, v63;
	[tilespmem:$0x1FE60] =	vst v1;
	v1 =	vld.idx.msk [tilespmem:v31+s2+$0x0], $0xffff  }
0x121: {  	v40 =	vld.idx.msk [tilespmem:v59+s2+$0x0], $0xffff;
	v31 =	vor.u32 v5, v3  }
0x122: {  	v59 =	vld [tilespmem:s28+$0x10780];
	v32 =	vor.u32 $0x80, v31  }
0x123: {  	v33 =	vor.u32 $0x100, v31;
	[tilespmem:$0x1FE40] =	vst v6;
	v6 =	vld.idx.msk [tilespmem:v35+s2+$0x0], $0xffff  }
0x124: {  	v41 =	vor.u32 $0x180, v36;
	v35 =	vld [tilespmem:s28+$0x10700]  }
0x125: {  	v36 =	vor.u32 $0x180, v31;
	[tilespmem:$0x1FE70] =	vst v1;
	v1 =	vld.idx.msk [tilespmem:v37+s2+$0x0], $0xffff  }
0x126: {  	v34 =	vshll.u32 v9, $0x2;
	v51 =	vld.idx.msk [tilespmem:v31+s2+$0x0], $0xffff  }
0x127: {  	v4 =	vand.u32 $0x7F, v9;
	v55 =	vor.u32 $0x80, v54;
	v3 =	vand.u32 $0xFFFFFE00, v34;
	v49 =	vld.idx.msk [tilespmem:v32+s2+$0x0], $0xffff  }
0x128: {  	v37 =	vor.u32 v4, v3;
	v52 =	vld.idx.msk [tilespmem:v33+s2+$0x0], $0xffff  }
0x129: {  	[tilespmem:$0x1FE80] =	vst v6;
	v6 =	vld.idx.msk [tilespmem:v41+s2+$0x0], $0xffff  }
0x12a: {  	v30 =	vor.u32 $0x180, v60;
	v48 =	vld.idx.msk [tilespmem:v36+s2+$0x0], $0xffff  }
0x12b: {  	v9 =	vshll.u32 v59, $0x2;
	v4 =	vand.u32 $0x7F, v59;
	v36 =	vld [tilespmem:s28+$0x11880];
	v58 =	vshll.u32 v35, $0x2  }
0x12c: {  	v56 =	vor.u32 $0x80, v37;
	v41 =	vld.idx.msk [tilespmem:v55+s2+$0x0], $0xffff;
	v5 =	vand.u32 $0x7F, v35;
	v3 =	vand.u32 $0xFFFFFE00, v58  }
0x12d: {  	v57 =	vor.u32 $0x100, v37;
	v53 =	vld.idx.msk [tilespmem:v37+s2+$0x0], $0xffff;
	v61 =	vor.u32 v5, v3;
	v3 =	vand.u32 $0xFFFFFE00, v9  }
0x12e: {  	v32 =	vor.u32 v4, v3;
	[tilespmem:$0x1FEB0] =	vst v6;
	v6 =	vld.idx.msk [tilespmem:v47+s2+$0x0], $0xffff  }
0x12f: {  	v34 =	vor.u32 $0x100, v32;
	v47 =	vld.idx.msk [tilespmem:v30+s2+$0x0], $0xffff  }
0x130: {  	v60 =	vor.u32 $0x180, v37;
	v30 =	vld [tilespmem:s28+$0x11800]  }
0x131: {  	v50 =	vld.idx.msk [tilespmem:v56+s2+$0x0], $0xffff;
	v62 =	vor.u32 $0x80, v61  }
0x132: {  	v54 =	vld.idx.msk [tilespmem:v57+s2+$0x0], $0xffff;
	v63 =	vor.u32 $0x100, v61  }
0x133: {  	v59 =	vld.idx.msk [tilespmem:v61+s2+$0x0], $0xffff  }
0x134: {  	v31 =	vor.u32 $0x180, v61;
	v4 =	vand.u32 $0x7F, v36;
	v61 =	vld.idx.msk [tilespmem:v34+s2+$0x0], $0xffff;
	v34 =	vshll.u32 v36, $0x2  }
0x135: {  	[tilespmem:$0x1FEA0] =	vst v2;
	v55 =	vld.idx.msk [tilespmem:v60+s2+$0x0], $0xffff;
	v37 =	vor.u32 $0x180, v32;
	v35 =	vshll.u32 v30, $0x2;
	v2 =	vand.u32 $0xFFFFFE00, v34  }
0x136: {  	v57 =	vld.idx.msk [tilespmem:v62+s2+$0x0], $0xffff;
	v5 =	vand.u32 $0x7F, v30;
	v3 =	vand.u32 $0xFFFFFE00, v35;
	v2 =	vor.u32 v4, v2  }
0x137: {  	v60 =	vld.idx.msk [tilespmem:v63+s2+$0x0], $0xffff;
	v3 =	vor.u32 v5, v3  }
0x138: {  	v62 =	vld.idx.msk [tilespmem:v32+s2+$0x0], $0xffff;
	v9 =	vor.u32 $0x80, v3  }
0x139: {  	[tilespmem:$0x1FE90] =	vst v1;
	v5 =	vld [tilespmem:s28+$0x11900];
	v1 =	vor.u32 $0x100, v3  }
0x13a: {  	v63 =	vld.idx.msk [tilespmem:v37+s2+$0x0], $0xffff;
	v7 =	vor.u32 $0x180, v3  }
0x13b: {  	v30 =	vld.idx.msk [tilespmem:v2+s2+$0x0], $0xffff  }
0x13c: {  	v33 =	vor.u32 $0x80, v32;
	v32 =	vld.idx.msk [tilespmem:v3+s2+$0x0], $0xffff  }
0x13d: {  	v36 =	vld.idx.msk [tilespmem:v9+s2+$0x0], $0xffff  }
0x13e: {  	v35 =	vshll.u32 v5, $0x2;
	v3 =	vor.u32 $0x180, v2;
	v34 =	vld.idx.msk [tilespmem:v1+s2+$0x0], $0xffff  }
0x13f: {  	v5 =	vand.u32 $0x7F, v5;
	v1 =	vor.u32 $0x100, v2;
	v37 =	vld.idx.msk [tilespmem:v7+s2+$0x0], $0xffff;
	v4 =	vand.u32 $0xFFFFFE00, v35  }
0x140: {  	v9 =	vor.u32 $0x80, v2;
	v2 =	vmax.bf16 v27, v29;
	v27 =	vld [tilespmem:$0x1FDC0];
	v7 =	vor.u32 v5, v4  }
0x141: {  	v56 =	vld.idx.msk [tilespmem:v31+s2+$0x0], $0xffff;
	v4 =	vor.u32 $0x80, v7  }
0x142: {  	v58 =	vld.idx.msk [tilespmem:v33+s2+$0x0], $0xffff  }
0x143: {  	v31 =	vld.idx.msk [tilespmem:v3+s2+$0x0], $0xffff  }
0x144: {  	v33 =	vld.idx.msk [tilespmem:v1+s2+$0x0], $0xffff  }
0x145: {  	v3 =	vmax.bf16 v28, v27;
	v28 =	vld [tilespmem:$0x1FDE0]  }
0x146: {  	v8 =	vshll.u32 v0, $0x2;
	v27 =	vld.idx.msk [tilespmem:v4+s2+$0x0], $0xffff  }
0x147: {  	v1 =	vand.u32 $0xFFFFFE00, v8;
	v8 =	vor.u32 $0x180, v7;
	v4 =	vld [tilespmem:$0x1FDD0];
	_ =	sdelay $0x1  }
0x148: {  	v5 =	vld [tilespmem:s28+$0x11A00]  }
0x149: {  	v35 =	vld.idx.msk [tilespmem:v9+s2+$0x0], $0xffff  }
0x14a: {  	[tilespmem:$0x1FEC0] =	vst v6;
	v6 =	vor.u32 $0x100, v7;
	v9 =	vld [tilespmem:$0x1FDB0]  }
0x14b: {  	v4 =	vmax.bf16 v4, v28;
	v28 =	vld.idx.msk [tilespmem:v8+s2+$0x0], $0xffff  }
0x14c: {  	v11 =	vmax.bf16 v2, v11;
	v8 =	vld [tilespmem:$0x1FE00]  }
0x14d: {  	v11 =	vmax.bf16 v11, v13;
	v13 =	vld [tilespmem:$0x1FE20]  }
0x14e: {  	v0 =	vand.u32 $0x7F, v0;
	v29 =	vld.idx.msk [tilespmem:v7+s2+$0x0], $0xffff  }
0x14f: {  	v1 =	vor.u32 v0, v1;
	v0 =	vmax.bf16 v10, v9;
	v10 =	vld.idx.msk [tilespmem:v6+s2+$0x0], $0xffff  }
0x150: {  	v6 =	vld [tilespmem:$0x1FDF0]  }
0x151: {  	v7 =	vor.u32 $0x80, v1;
	v4 =	vmax.bf16 v4, v8;
	v8 =	vld [tilespmem:$0x1FE10];
	_ =	sdelay $0x1  }
0x152: {  	v3 =	vmax.bf16 v3, v12;
	v12 =	vshll.u32 v5, $0x2  }
0x153: {  	v5 =	vand.u32 $0x7F, v5;
	v12 =	vand.u32 $0xFFFFFE00, v12  }
0x154: {  	v5 =	vor.u32 v5, v12;
	v9 =	vor.u32 $0x100, v1;
	v12 =	vld.idx.msk [tilespmem:v1+s2+$0x0], $0xffff;
	v2 =	vmax.bf16 v0, v6  }
0x155: {  	v6 =	vor.u32 $0x180, v1;
	v1 =	vmax.bf16 v2, v8;
	v2 =	vmax.bf16 v3, v13;
	v13 =	vld.idx.msk [tilespmem:v7+s2+$0x0], $0xffff  }
0x156: {  	v7 =	vld [tilespmem:$0x1FE30]  }
0x157: {  	v1 =	vmax.bf16 v1, v16;
	v16 =	vld [tilespmem:$0x1FE40];
	_ =	sdelay $0x2  }
0x158: {  	v0 =	vld [tilespmem:s28+$0x11A80]  }
0x159: {  	v4 =	vmax.bf16 v4, v7  }
0x15a: {  	v4 =	vmax.bf16 v4, v16;
	v16 =	vld [tilespmem:$0x1FE50]  }
0x15b: {  	v2 =	vmax.bf16 v2, v15;
	v15 =	vld [tilespmem:s28+$0x11B00]  }
0x15c: {  	v7 =	vmax.bf16 v11, v14;
	v14 =	vld.idx.msk [tilespmem:v9+s2+$0x0], $0xffff;
	v9 =	vor.u32 $0x100, v5  }
0x15d: {  	v11 =	vshll.u32 v0, $0x2  }
0x15e: {  	v0 =	vand.u32 $0x7F, v0;
	v11 =	vand.u32 $0xFFFFFE00, v11  }
0x15f: {  	v0 =	vor.u32 v0, v11;
	v11 =	vld [tilespmem:$0x1FE60];
	v7 =	vmax.bf16 v7, v16  }
0x160: {  	v3 =	vor.u32 $0x180, v5;
	v2 =	vmax.bf16 v2, v18;
	v7 =	vmax.bf16 v7, v17;
	v17 =	vld [tilespmem:$0x1FE70]  }
0x161: {  	v2 =	vmax.bf16 v2, v20;
	v20 =	vshll.u32 v15, $0x2;
	v4 =	vmax.bf16 v4, v19;
	v19 =	vld.idx.msk [tilespmem:v9+s2+$0x0], $0xffff  }
0x162: {  	v9 =	vand.u32 $0xFFFFFE00, v20;
	v20 =	vld [tilespmem:$0x1FE80]  }
0x163: {  	v8 =	vor.u32 $0x80, v5;
	v16 =	vld.idx.msk [tilespmem:v5+s2+$0x0], $0xffff  }
0x164: {  	v1 =	vmax.bf16 v1, v11;
	v7 =	vmax.bf16 v7, v21;
	v21 =	vld [tilespmem:$0x1FEA0]  }
0x165: {  	v1 =	vmax.bf16 v1, v17;
	v17 =	vld.idx.msk [tilespmem:v3+s2+$0x0], $0xffff;
	v3 =	vand.u32 $0x7F, v15  }
0x166: {  	v5 =	vor.u32 $0x80, v0;
	v3 =	vor.u32 v3, v9;
	v9 =	vld [tilespmem:$0x1FE90];
	_ =	sdelay $0x1  }
0x167: {  	v18 =	vld.idx.msk [tilespmem:v8+s2+$0x0], $0xffff;
	v8 =	vor.u32 $0x100, v0  }
0x168: {  	v11 =	vld [tilespmem:s28+$0x11B80];
	v15 =	vor.u32 $0x180, v0  }
0x169: {  	v4 =	vmax.bf16 v4, v20;
	v20 =	vld.idx.msk [tilespmem:v0+s2+$0x0], $0xffff  }
0x16a: {  	v0 =	vmax.bf16 v1, v9;
	v1 =	vmax.bf16 v2, v21;
	v21 =	vld.idx.msk [tilespmem:v5+s2+$0x0], $0xffff  }
0x16b: {  	v2 =	vor.u32 $0x80, v3;
	v9 =	vld [tilespmem:$0x1FEB0];
	v5 =	vmax.bf16 v7, v22  }
0x16c: {  	v22 =	vld.idx.msk [tilespmem:v8+s2+$0x0], $0xffff;
	v7 =	vor.u32 $0x100, v3;
	v0 =	vmax.bf16 v0, v24;
	v1 =	vmax.bf16 v1, v23  }
0x16d: {  	v23 =	vshll.u32 v11, $0x2;
	v24 =	vld.idx.msk [tilespmem:v15+s2+$0x0], $0xffff;
	v15 =	vor.u32 $0x180, v3;
	v11 =	vand.u32 $0x7F, v11  }
0x16e: {  	v5 =	vmax.bf16 v5, v25;
	v8 =	vand.u32 $0xFFFFFE00, v23;
	v23 =	vld [tilespmem:$0x1FEC0];
	v0 =	vmax.bf16 v0, v26  }
0x16f: {  	v6 =	vld.idx.msk [tilespmem:v6+s2+$0x0], $0xffff;
	v1 =	vmax.bf16 v1, v38;
	v8 =	vor.u32 v11, v8;
	v0 =	vmax.bf16 v0, v41  }
0x170: {  	v1 =	vmax.bf16 v1, v44;
	v11 =	vld [tilespmem:s28+$0x12C80];
	v44 =	vor.u32 $0x180, v8;
	v0 =	vmax.bf16 v0, v42  }
0x171: {  	v1 =	vmax.bf16 v1, v46;
	v4 =	vmax.bf16 v4, v9;
	v9 =	vld [tilespmem:s28+$0x12C00];
	v0 =	vmax.bf16 v0, v49  }
0x172: {  	v25 =	vld.idx.msk [tilespmem:v2+s2+$0x0], $0xffff;
	v2 =	vor.u32 $0x80, v8;
	v1 =	vmax.bf16 v1, v52;
	v0 =	vmax.bf16 v0, v50  }
0x173: {  	v26 =	vld.idx.msk [tilespmem:v7+s2+$0x0], $0xffff;
	v1 =	vmax.bf16 v1, v54;
	v4 =	vmax.bf16 v4, v23;
	v0 =	vmax.bf16 v0, v57  }
0x174: {  	v23 =	vld.idx.msk [tilespmem:v3+s2+$0x0], $0xffff;
	v1 =	vmax.bf16 v1, v60;
	v3 =	vmax.bf16 v4, v39;
	v4 =	vmax.bf16 v5, v43  }
0x175: {  	v15 =	vld.idx.msk [tilespmem:v15+s2+$0x0], $0xffff;
	v5 =	vor.u32 $0x100, v8;
	v49 =	vshll.u32 v11, $0x2;
	v11 =	vand.u32 $0x7F, v11  }
0x176: {  	v54 =	vld [tilespmem:s28+$0x12E80];
	v0 =	vmax.bf16 v0, v58;
	v1 =	vmax.bf16 v1, v61;
	v3 =	vmax.bf16 v3, v40  }
0x177: {  	v8 =	vld.idx.msk [tilespmem:v8+s2+$0x0], $0xffff;
	v4 =	vmax.bf16 v4, v45;
	v40 =	vand.u32 $0xFFFFFE00, v49;
	v0 =	vmax.bf16 v0, v36  }
0x178: {  	v58 =	vld [tilespmem:s28+$0x12F00];
	v1 =	vmax.bf16 v1, v34;
	v43 =	vshll.u32 v9, $0x2;
	v9 =	vand.u32 $0x7F, v9  }
0x179: {  	v38 =	vld.idx.msk [tilespmem:v44+s2+$0x0], $0xffff;
	v3 =	vmax.bf16 v3, v47;
	v4 =	vmax.bf16 v4, v51;
	v11 =	vor.u32 v11, v40  }
0x17a: {  	v2 =	vld.idx.msk [tilespmem:v2+s2+$0x0], $0xffff;
	v0 =	vmax.bf16 v0, v35;
	v1 =	vmax.bf16 v1, v33;
	v7 =	vand.u32 $0xFFFFFE00, v43  }
0x17b: {  	v51 =	vld [tilespmem:s28+$0x12D00];
	v3 =	vmax.bf16 v3, v48;
	v4 =	vmax.bf16 v4, v53;
	v40 =	vor.u32 $0x80, v11  }
0x17c: {  	v60 =	vor.u32 $0x180, v11;
	v48 =	vld [tilespmem:s28+$0x12E00];
	v1 =	vmax.bf16 v1, v10;
	v7 =	vor.u32 v9, v7  }
0x17d: {  	v3 =	vmax.bf16 v3, v55;
	v4 =	vmax.bf16 v4, v59;
	v55 =	vor.u32 $0x100, v11;
	v59 =	vld [tilespmem:s28+$0x12D80]  }
0x17e: {  	v1 =	vmax.bf16 v1, v14;
	v9 =	vor.u32 $0x80, v7;
	v5 =	vld.idx.msk [tilespmem:v5+s2+$0x0], $0xffff;
	v4 =	vmax.bf16 v4, v62  }
0x17f: {  	v47 =	vor.u32 $0x100, v7;
	v52 =	vor.u32 $0x180, v7;
	v4 =	vmax.bf16 v4, v32;
	v11 =	vld.idx.msk [tilespmem:v11+s2+$0x0], $0xffff  }
0x180: {  	v3 =	vmax.bf16 v3, v56;
	v1 =	vmax.bf16 v1, v19;
	v4 =	vmax.bf16 v4, v30;
	v30 =	vld [tilespmem:s28+$0x12F80]  }
0x181: {  	v35 =	vshll.u32 v58, $0x2;
	v14 =	vand.u32 $0x7F, v58;
	v57 =	vshll.u32 v51, $0x2;
	v40 =	vld.idx.msk [tilespmem:v40+s2+$0x0], $0xffff  }
0x182: {  	v3 =	vmax.bf16 v3, v63;
	v41 =	vand.u32 $0x7F, v51;
	v44 =	vand.u32 $0xFFFFFE00, v57;
	v46 =	vld.idx.msk [tilespmem:v60+s2+$0x0], $0xffff  }
0x183: {  	v1 =	vmax.bf16 v1, v22;
	v22 =	vand.u32 $0xFFFFFE00, v35;
	v7 =	vld.idx.msk [tilespmem:v7+s2+$0x0], $0xffff;
	v41 =	vor.u32 v41, v44  }
0x184: {  	v14 =	vor.u32 v14, v22;
	v4 =	vmax.bf16 v4, v29;
	v32 =	vld.idx.msk [tilespmem:v55+s2+$0x0], $0xffff;
	v44 =	vor.u32 $0x80, v41  }
0x185: {  	v53 =	vshll.u32 v48, $0x2;
	v36 =	vand.u32 $0x7F, v48;
	v9 =	vld.idx.msk [tilespmem:v9+s2+$0x0], $0xffff;
	v62 =	vor.u32 $0x100, v41  }
0x186: {  	v63 =	vshll.u32 v59, $0x2;
	v29 =	vand.u32 $0xFFFFFE00, v53;
	v39 =	vld.idx.msk [tilespmem:v47+s2+$0x0], $0xffff;
	v49 =	vor.u32 $0x180, v41  }
0x187: {  	v45 =	vand.u32 $0x7F, v59;
	v42 =	vld.idx.msk [tilespmem:v52+s2+$0x0], $0xffff;
	v34 =	vand.u32 $0xFFFFFE00, v63;
	v56 =	vor.u32 v36, v29  }
0x188: {  	v47 =	vor.u32 $0x100, v14;
	v50 =	vor.u32 v45, v34;
	v34 =	vld.idx.msk [tilespmem:v41+s2+$0x0], $0xffff  }
0x189: {  	v33 =	vld.idx.msk [tilespmem:v44+s2+$0x0], $0xffff  }
0x18a: {  	v0 =	vmax.bf16 v0, v27;
	v57 =	vor.u32 $0x80, v56;
	v27 =	vld.idx.msk [tilespmem:v62+s2+$0x0], $0xffff  }
0x18b: {  	v3 =	vmax.bf16 v3, v37;
	v59 =	vor.u32 $0x100, v56;
	v37 =	vld.idx.msk [tilespmem:v49+s2+$0x0], $0xffff  }
0x18c: {  	v4 =	vmax.bf16 v4, v12;
	v29 =	vor.u32 $0x180, v56;
	v12 =	vld.idx.msk [tilespmem:v56+s2+$0x0], $0xffff  }
0x18d: {  	v0 =	vmax.bf16 v0, v13;
	v3 =	vmax.bf16 v3, v31;
	v51 =	vor.u32 $0x80, v50;
	v56 =	vld.idx.msk [tilespmem:v47+s2+$0x0], $0xffff  }
0x18e: {  	v0 =	vmax.bf16 v0, v18;
	v3 =	vmax.bf16 v3, v28;
	v52 =	vor.u32 $0x100, v50;
	v28 =	vld.idx.msk [tilespmem:v50+s2+$0x0], $0xffff  }
0x18f: {  	v0 =	vmax.bf16 v0, v21;
	v60 =	vshll.u32 v54, $0x2;
	v55 =	vor.u32 $0x180, v50;
	v13 =	vld.idx.msk [tilespmem:v57+s2+$0x0], $0xffff  }
0x190: {  	v0 =	vmax.bf16 v0, v25;
	v18 =	vand.u32 $0xFFFFFE00, v60;
	v4 =	vmax.bf16 v4, v16;
	v16 =	vld.idx.msk [tilespmem:v59+s2+$0x0], $0xffff  }
0x191: {  	v3 =	vmax.bf16 v3, v6;
	v4 =	vmax.bf16 v4, v20;
	v44 =	vor.u32 $0x80, v14;
	v41 =	vld.idx.msk [tilespmem:v29+s2+$0x0], $0xffff  }
0x192: {  	v48 =	vshll.u32 v30, $0x2;
	v62 =	vand.u32 $0x7F, v54;
	v49 =	vor.u32 $0x180, v14;
	v6 =	vld.idx.msk [tilespmem:v51+s2+$0x0], $0xffff  }
0x193: {  	v20 =	vand.u32 $0x7F, v30;
	v22 =	vand.u32 $0xFFFFFE00, v48;
	v63 =	vor.u32 v62, v18;
	v10 =	vld.idx.msk [tilespmem:v52+s2+$0x0], $0xffff  }
0x194: {  	v1 =	vmax.bf16 v1, v26;
	v0 =	vmax.bf16 v0, v2;
	v50 =	vor.u32 v20, v22;
	v61 =	vld.idx.msk [tilespmem:v55+s2+$0x0], $0xffff  }
0x195: {  	v1 =	vmax.bf16 v1, v5;
	v3 =	vmax.bf16 v3, v17;
	v18 =	vor.u32 $0x80, v63;
	v52 =	vld.idx.msk [tilespmem:v14+s2+$0x0], $0xffff  }
0x196: {  	v3 =	vmax.bf16 v3, v24;
	v4 =	vmax.bf16 v4, v23;
	v31 =	vor.u32 $0x100, v63;
	v54 =	vld.idx.msk [tilespmem:v44+s2+$0x0], $0xffff  }
0x197: {  	v3 =	vmax.bf16 v3, v15;
	v4 =	vmax.bf16 v4, v8;
	v36 =	vor.u32 $0x180, v63;
	v58 =	vld.idx.msk [tilespmem:v49+s2+$0x0], $0xffff  }
0x198: {  	v3 =	vmax.bf16 v3, v38;
	v4 =	vmax.bf16 v4, v7;
	v53 =	vor.u32 $0x80, v50;
	v43 =	vld.idx.msk [tilespmem:v63+s2+$0x0], $0xffff  }
0x199: {  	v0 =	vmax.bf16 v0, v9;
	v1 =	vmax.bf16 v1, v39;
	v55 =	vor.u32 $0x100, v50;
	v2 =	vld.idx.msk [tilespmem:v50+s2+$0x0], $0xffff  }
0x19a: {  	v3 =	vmax.bf16 v3, v42;
	v4 =	vmax.bf16 v4, v11;
	v57 =	vor.u32 $0x180, v50;
	v45 =	vld.idx.msk [tilespmem:v18+s2+$0x0], $0xffff  }
0x19b: {  	v0 =	vmax.bf16 v0, v40;
	v1 =	vmax.bf16 v1, v32;
	v3 =	vmax.bf16 v3, v46;
	v21 =	vld.idx.msk [tilespmem:v31+s2+$0x0], $0xffff  }
0x19c: {  	v4 =	vmax.bf16 v4, v34;
	v0 =	vmax.bf16 v0, v33;
	v1 =	vmax.bf16 v1, v27;
	v51 =	vld.idx.msk [tilespmem:v36+s2+$0x0], $0xffff  }
0x19d: {  	v3 =	vmax.bf16 v3, v37;
	v4 =	vmax.bf16 v4, v28;
	v0 =	vmax.bf16 v0, v6;
	v59 =	vld.idx.msk [tilespmem:v53+s2+$0x0], $0xffff  }
0x19e: {  	v1 =	vmax.bf16 v1, v10;
	v3 =	vmax.bf16 v3, v61;
	v4 =	vmax.bf16 v4, v12;
	v60 =	vld.idx.msk [tilespmem:v55+s2+$0x0], $0xffff  }
0x19f: {  	v61 =	vld.idx.msk [tilespmem:v57+s2+$0x0], $0xffff;
	v0 =	vmax.bf16 v0, v13;
	v1 =	vmax.bf16 v1, v16;
	v4 =	vmax.bf16 v4, v43  }
0x1a0: {  	s31 =	sand.u32 $0xFE00, s24;
	p1 =	sne.s32 s25, $0x270;
	v3 =	vmax.bf16 v3, v41;
	v0 =	vmax.bf16 v0, v45;
	v4 =	vmax.bf16 v4, v52  }
.Ltmp3:
0x1a1: {  	s26 =	sor.u32 s26, s31;
	v1 =	vmax.bf16 v1, v21;
	v0 =	vmax.bf16 v0, v54;
	v2 =	vmax.bf16 v4, v2;
	(pc) =	sbr.rel @p1 .LBB2_5-.Ltmp3, $4  }
0x1a2: {  	v3 =	vmax.bf16 v3, v51;
	v1 =	vmax.bf16 v1, v56;
	v0 =	vmax.bf16 v0, v59;
	[tilespmem:s26+$0x14000] =	vst v2;
	s26 =	sadd.s32 $0x14000, s26  }
0x1a3: {  	v62 =	vmax.bf16 v3, v58;
	v1 =	vmax.bf16 v1, v60;
	[tilespmem:s26+$0x80] =	vst v0  }
0x1a4: {  	v63 =	vmax.bf16 v62, v61;
	[tilespmem:s26+$0x100] =	vst v1  }
0x1a5: {  	s23 =	sadd.s32 $0x80, s23;
	s24 =	sadd.s32 $0x40, s24;
	s25 =	sadd.s32 $0x10, s25;
	[tilespmem:s26+$0x180] =	vst v63  }
.Ltmp4:
0x1a6: {  	(pc) =	sbr.rel @p0 .LBB2_8-.Ltmp4, $1  }
0x1a7: {  	_ =	sdelay $0x3  }
0x1a8: {  	s23 =	smul.u32 $0xA000, s22  }
.Ltmp5:
0x1a9: {  	_ = 	snop;
	(pc) =	sbr.rel .LBB2_2-.Ltmp5, $4  }
0x1aa: {  	s23 =	sadd.s32 s23, s8  }
0x1ab: {  	s22 =	sadd.s32 $0x1, s22;
	s23 =	sshrl.u32 s23, $0x3  }
0x1ac: {  	s21 =	sadd.s32 $0x1400, s21;
	s20 =	sadd.s32 $0x1400, s20;
	s23 =	sadd.s32 s3, s23  }
0x1ad: {  	[tilespmem:s15], [sflag:$0x2] =	stream.linear.gather [hbm4b:s23+s2], $0x5000, $0x38;
	[tilespmem:$0x19000] =	vst v63  }
.LBB2_9:
0x1ae: {  	_ =	sfence.sel $0x180000  }
0x1af: {  	[bflag:$0x0] =	sbarrier.arrive $0xFFFF  }
0x1b0: {  	p0 =	sne.s32 s0, $0x0;
	_ =	strace $0x90000047  }
0x1b1: {  	s0 =	sadd.s32 @!p0 $0x100000, s1;
	[bflag:$0x2] =	sbarrier.arrive $0xFFFF  }
0x1b2: {  	[sflag:s0] =	ssyncadd.tile.s32 @!p0 $0x1;
	_ =	shalt  }
.Lfunc_end2:
_tile_overlayer_lowered:
.L_overlay_start_2:
0x1b3: {  	(tag) =	ssettag $0x2  }
0x1b4: {  	s0 =	rddreg [dreg:$0x0];
	s2 =	stileid.u32  }
0x1b5: {  	s1 =	rddreg [dreg:$0x1];
	p0 =	sne.s32 s2, $0x0  }
0x1b6: {  	s3 =	rddreg [dreg:$0x2];
	[bflag:$0x3] =	sbarrier.arrive $0xFFFF;
	s2 =	simm.s32 @!p0 $0x1C03  }
0x1b7: {  	[timem:s3], [sflag:s2] =	dma.local @!p0 [hbm:s0], s1  }
0x1b8: {  	s0 =	simm.s32 @!p0 $0x3  }
0x1b9: {  	_ =	swait.ge @!p0 [sflag:s0], s1  }
0x1ba: {  	s1 =	ssub.s32 @!p0 $0x0, s1;
	[sflag:s0] =	ssyncset.done @!p0 $0x0  }
0x1bb: {  	[sflag:s0] =	ssyncadd.s32 @!p0 s1  }
0x1bc: {  	[bflag:$0x3] =	sbarrier.arrive $0xFFFF  }
0x1bd: {  	_ =	shalt  }

</sc_bundles>
